<compile_context>
chip_gen: v7x
topology: tpu7x:2x2x1
jax: 0.10.2.dev20260603
libtpu: 0.0.44.dev20260713+nightly
codegen_flags: <defaults>
</compile_context>

<pallas_src>
import functools
import math

import jax
import jax.numpy as jnp
from jax import lax
from jax.experimental import pallas as pl
from jax.experimental.pallas import tpu as pltpu
from jax.experimental.pallas import tpu_sc as plsc

_NC = 2
_NS = 16
_B = 128


def _make_segsum(n_tbl, n_acc, width, k, j0, j1, count=False):
  rows_per_tile = n_acc // _NS
  tbl_per_tile = n_tbl // _NS
  mesh = plsc.VectorSubcoreMesh(core_axis_name="c", subcore_axis_name="s")

  out_type = [jax.ShapeDtypeStruct((_NC, n_acc, width), jnp.float32)]
  scratch = [
      pltpu.VMEM((2, k, _B), jnp.int32),
      pltpu.VMEM((2, k, _B), jnp.int32),
      pltpu.VMEM((k, _B, width), jnp.float32),
      pltpu.VMEM((k, _B, width), jnp.float32),
      pltpu.VMEM_SHARED((n_tbl, width), jnp.float32),
      pltpu.VMEM_SHARED((n_acc, width), jnp.float32),
      pltpu.SemaphoreType.DMA,
      pltpu.SemaphoreType.DMA,
      pltpu.SemaphoreType.DMA,
  ]
  if count:
    out_type.append(jax.ShapeDtypeStruct((_NC, n_acc, 16), jnp.float32))
    scratch += [
        pltpu.VMEM((_B, 16), jnp.float32),
        pltpu.VMEM_SHARED((n_acc, 16), jnp.float32),
        pltpu.SemaphoreType.DMA,
    ]

  @functools.partial(
      pl.kernel,
      out_type=out_type,
      mesh=mesh,
      compiler_params=pltpu.CompilerParams(use_tc_tiling_on_sc=False),
      scratch_types=scratch,
  )
  def segsum(table, srcj, dstj, zer, zer16, ones16, out, *rest):
    if count:
      (deg_out, src_v, dst_v, rows_a, rows_b, tbl, acc,
       gsem, ssem_a, ssem_b, ones_v, dacc, dsem) = rest
    else:
      (src_v, dst_v, rows_a, rows_b, tbl, acc,
       gsem, ssem_a, ssem_b) = rest
    c = lax.axis_index("c")
    s = lax.axis_index("s")
    pltpu.sync_copy(table.at[pl.ds(s * tbl_per_tile, tbl_per_tile)],
                    tbl.at[pl.ds(s * tbl_per_tile, tbl_per_tile)])
    pltpu.sync_copy(zer, acc.at[pl.ds(s * rows_per_tile, rows_per_tile)])
    if count:
      pltpu.sync_copy(zer16, dacc.at[pl.ds(s * rows_per_tile, rows_per_tile)])
      pltpu.sync_copy(ones16, ones_v)
    plsc.subcore_barrier()
    base_job = jnp.where(c == 0, s * j0, _NS * j0 + s * j1)
    n_chunks = jnp.where(c == 0, j0 // (2 * k), j1 // (2 * k))

    def drain(rows_v, ssem):
      for j in range(k):
        pltpu.make_async_copy(table.at[pl.ds(0, _B)], rows_v.at[j], ssem
                              ).wait()
        if count:
          pltpu.make_async_copy(zer16.at[pl.ds(0, _B)], ones_v, dsem).wait()

    def run_half(t, hi, rows_v, ssem):
      jb = base_job + t * (2 * k) + hi * k

      @pl.when(t > 0)
      def _drain_prev():
        drain(rows_v, ssem)

      pltpu.sync_copy(srcj.at[pl.ds(jb, k)], src_v.at[hi])
      pltpu.sync_copy(dstj.at[pl.ds(jb, k)], dst_v.at[hi])
      gd = [pltpu.async_copy(tbl.at[src_v.at[hi, j]], rows_v.at[j], gsem)
            for j in range(k)]
      for d in gd:
        d.wait()
      for j in range(k):
        pltpu.async_copy(rows_v.at[j], acc.at[dst_v.at[hi, j]], ssem,
                         add=True)
        if count:
          pltpu.async_copy(ones_v, dacc.at[dst_v.at[hi, j]], dsem, add=True)

    def body(t, carry):
      run_half(t, 0, rows_a, ssem_a)
      run_half(t, 1, rows_b, ssem_b)
      return carry

    lax.fori_loop(0, n_chunks, body, 0)

    @pl.when(n_chunks > 0)
    def _drain_tail():
      drain(rows_a, ssem_a)
      drain(rows_b, ssem_b)

    plsc.subcore_barrier()
    pltpu.sync_copy(acc.at[pl.ds(s * rows_per_tile, rows_per_tile)],
                    out.at[c, pl.ds(s * rows_per_tile, rows_per_tile)])
    if count:
      pltpu.sync_copy(dacc.at[pl.ds(s * rows_per_tile, rows_per_tile)],
                      deg_out.at[c, pl.ds(s * rows_per_tile, rows_per_tile)])

  return segsum


def _tc1(x_ref, wl_ref, wr_ref, p1_ref, r1_ref):
  x = x_ref[...]
  p1_ref[...] = jnp.dot(x, wl_ref[...], preferred_element_type=jnp.float32)
  r1_ref[...] = jnp.dot(x, wr_ref[...], preferred_element_type=jnp.float32)


_IBN = 1.0 / math.sqrt(1.0 + 1e-5)


def _tc2(parts_ref, degp_ref, r1_ref, wl_ref, wr_ref, b1_ref, g1_ref, be1_ref,
         p2_ref, r2_ref, rdeg_ref):
  n, h = r1_ref.shape
  acc = parts_ref[0] + parts_ref[1]
  seg = acc[:n, :h]
  deg = (degp_ref[0] + degp_ref[1])[:n, 0:1]
  rdeg = 1.0 / jnp.maximum(deg, 1.0)
  pre = seg * rdeg + b1_ref[...] + r1_ref[...]
  h1 = jnp.maximum(pre * _IBN * g1_ref[...] + be1_ref[...], 0.0)
  p2_ref[...] = jnp.dot(h1, wl_ref[...], preferred_element_type=jnp.float32)
  r2_ref[...] = jnp.dot(h1, wr_ref[...], preferred_element_type=jnp.float32)
  rdeg_ref[...] = rdeg


def _tc3(parts_ref, r2_ref, rdeg_ref, b2_ref, g2_ref, be2_ref,
         wm1_ref, bm1_ref, wm2_ref, bm2_ref, out_ref):
  n, h = r2_ref.shape
  acc = parts_ref[0] + parts_ref[1]
  pre = acc[:n] * rdeg_ref[...] + b2_ref[...] + r2_ref[...]
  h2 = jnp.maximum(pre * _IBN * g2_ref[...] + be2_ref[...], 0.0)
  m = jnp.maximum(
      jnp.dot(h2, wm1_ref[...], preferred_element_type=jnp.float32)
      + bm1_ref[...], 0.0)
  o = jnp.dot(m, wm2_ref[...], preferred_element_type=jnp.float32) + bm2_ref[...]
  out_ref[...] = jax.nn.sigmoid(o)


def kernel(x, edge_index, W_l1, b_l1, W_r1, W_l2, b_l2, W_r2,
           g1, be1, g2, be2, W_m1, b_m1, W_m2, b_m2):
  n, d = x.shape
  h = W_l1.shape[0]
  e = edge_index.shape[1]
  n_acc = ((n + 1 + 127) // 128) * 128
  nw = _NC * _NS
  src = edge_index[0].astype(jnp.int32)
  dst = edge_index[1].astype(jnp.int32)

  def edge_blocks(k, f):
    unit = nw * _B * 2 * k
    e_pad = ((e + unit - 1) // unit) * unit
    n_jobs = e_pad // _B
    jtot = n_jobs // _NS
    g = 2 * k
    j0 = int(round(f * jtot / g)) * g
    srcj = jnp.concatenate(
        [src, jnp.zeros((e_pad - e,), jnp.int32)]).reshape(n_jobs, _B)
    dstj = jnp.concatenate(
        [dst, jnp.full((e_pad - e,), n, jnp.int32)]).reshape(n_jobs, _B)
    return srcj, dstj, j0, jtot - j0

  f32 = jnp.float32
  p1, r1 = pl.pallas_call(
      _tc1,
      out_shape=[jax.ShapeDtypeStruct((n, h), f32),
                 jax.ShapeDtypeStruct((n, h), f32)],
  )(x, W_l1.T, W_r1.T)

  srcj, dstj, j0, j1 = edge_blocks(2, 0.5)
  zer = jnp.zeros((n_acc // _NS, h), f32)
  zer16 = jnp.zeros((n_acc // _NS, 16), f32)
  ones16 = jnp.ones((_B, 16), f32)

  seg1 = _make_segsum(n, n_acc, h, 2, j0, j1, count=True)
  parts1, degp = seg1(p1, srcj, dstj, zer, zer16, ones16)

  p2, r2, rdeg = pl.pallas_call(
      _tc2,
      out_shape=[jax.ShapeDtypeStruct((n, h), f32),
                 jax.ShapeDtypeStruct((n, h), f32),
                 jax.ShapeDtypeStruct((n, 1), f32)],
  )(parts1, degp, r1, W_l2.T, W_r2.T,
    b_l1.reshape(1, h), g1.reshape(1, h), be1.reshape(1, h))

  seg2 = _make_segsum(n, n_acc, h, 2, j0, j1, count=False)
  (parts2,) = seg2(p2, srcj, dstj, zer, zer16, ones16)

  hm = W_m1.shape[0]
  out2d = pl.pallas_call(
      _tc3,
      out_shape=jax.ShapeDtypeStruct((n, 1), f32),
  )(parts2, r2, rdeg,
    b_l2.reshape(1, h), g2.reshape(1, h), be2.reshape(1, h),
    W_m1.T, b_m1.reshape(1, hm), W_m2.T, b_m2.reshape(1, 1))

  return out2d[:, 0]

# --- scband reference (transcript-rebuilt; emitter-appended) ---
"""Pipeline reference for scband-graph-sagenode-predictor-68453188764197 (READ-ONLY COPY).

The authoritative reference and input builder live on the scoring server;
editing this copy changes nothing except your own understanding.
"""

import jax, jax.numpy as jnp
import numpy as np

N = 10000
E = 320000
D = 128
H = 64

def setup_inputs(seed: int = 0):
    key = jax.random.key(seed)
    ks = jax.random.split(key, 10)
    def lin(k, fo, fi):
        return (jax.random.normal(k, (fo, fi), dtype=jnp.float32) / np.sqrt(fi)).astype(jnp.float32)
    inp = {}
    inp["x"] = jax.random.normal(ks[0], (N, D), dtype=jnp.float32)
    inp["edge_index"] = jax.random.randint(ks[1], (2, E), 0, N)
    inp["W_l1"] = lin(ks[2], H, D)
    inp["b_l1"] = jnp.zeros((H,), dtype=jnp.float32)
    inp["W_r1"] = lin(ks[3], H, D)
    inp["W_l2"] = lin(ks[4], H, H)
    inp["b_l2"] = jnp.zeros((H,), dtype=jnp.float32)
    inp["W_r2"] = lin(ks[5], H, H)
    inp["g1"] = jnp.ones((H,), dtype=jnp.float32)
    inp["be1"] = jnp.zeros((H,), dtype=jnp.float32)
    inp["g2"] = jnp.ones((H,), dtype=jnp.float32)
    inp["be2"] = jnp.zeros((H,), dtype=jnp.float32)
    inp["W_m1"] = lin(ks[6], H // 2, H)
    inp["b_m1"] = jnp.zeros((H // 2,), dtype=jnp.float32)
    inp["W_m2"] = lin(ks[7], 1, H // 2)
    inp["b_m2"] = jnp.zeros((1,), dtype=jnp.float32)
    return inp

def _sage(x, src, dst, Wl, bl, Wr):
    # PyG SAGEConv: lin_l(mean_aggr(x_src -> dst)) + lin_r(x)
    msg = jnp.take(x, src, axis=0)
    agg = jax.ops.segment_sum(msg, dst, num_segments=x.shape[0])
    deg = jax.ops.segment_sum(jnp.ones((src.shape[0],), dtype=x.dtype), dst, num_segments=x.shape[0])
    mean = agg / jnp.clip(deg, 1.0, None)[:, None]
    return mean @ Wl.T + bl + x @ Wr.T

def _bn(x, g, b):
    # BatchNorm1d in eval mode: running_mean=0, running_var=1
    return x / jnp.sqrt(1.0 + 1e-5) * g + b

def reference(x, edge_index, W_l1, b_l1, W_r1, W_l2, b_l2, W_r2, g1, be1, g2, be2, W_m1, b_m1, W_m2, b_m2):
    src = edge_index[0]
    dst = edge_index[1]
    h = _sage(x, src, dst, W_l1, b_l1, W_r1)
    h = jax.nn.relu(_bn(h, g1, be1))
    # dropout is identity in eval mode
    h = _sage(h, src, dst, W_l2, b_l2, W_r2)
    h = jax.nn.relu(_bn(h, g2, be2))
    h = jax.nn.relu(h @ W_m1.T + b_m1)
    out = (h @ W_m2.T + b_m2)[:, 0]
    return jax.nn.sigmoid(out)

if __name__ == "__main__":
    import jax
    _d = setup_inputs()
    print(jax.jit(kernel)(*tuple(_d.values())))

</pallas_src>

<mosaic_0001>
#map = affine_map<(d0, d1) -> (0, 0)>
#map1 = affine_map<(d0, d1) -> (0, 0, 0)>
module attributes {stable_mosaic.version = 14 : i64} {
  func.func @segsum(%arg0: i32, %arg1: i32, %arg2: memref<10000x64xf32, #tpu.memory_space<hbm>>, %arg3: memref<2560x128xi32, #tpu.memory_space<hbm>>, %arg4: memref<2560x128xi32, #tpu.memory_space<hbm>>, %arg5: memref<632x64xf32, #tpu.memory_space<hbm>>, %arg6: memref<632x16xf32, #tpu.memory_space<hbm>>, %arg7: memref<128x16xf32, #tpu.memory_space<hbm>>, %arg8: memref<2x10112x64xf32, #tpu.memory_space<hbm>>, %arg9: memref<2x10112x16xf32, #tpu.memory_space<hbm>>, %arg10: memref<2x2x128xi32, #tpu.memory_space<vmem>>, %arg11: memref<2x2x128xi32, #tpu.memory_space<vmem>>, %arg12: memref<2x128x64xf32, #tpu.memory_space<vmem>>, %arg13: memref<2x128x64xf32, #tpu.memory_space<vmem>>, %arg14: memref<10000x64xf32, #tpu.memory_space<vmem_shared>>, %arg15: memref<10112x64xf32, #tpu.memory_space<vmem_shared>>, %arg16: memref<!tpu.dma_semaphore, #tpu.memory_space<semaphore_mem>>, %arg17: memref<!tpu.dma_semaphore, #tpu.memory_space<semaphore_mem>>, %arg18: memref<!tpu.dma_semaphore, #tpu.memory_space<semaphore_mem>>, %arg19: memref<128x16xf32, #tpu.memory_space<vmem>>, %arg20: memref<10112x16xf32, #tpu.memory_space<vmem_shared>>, %arg21: memref<!tpu.dma_semaphore, #tpu.memory_space<semaphore_mem>>) attributes {dimension_semantics = [#tpu.dimension_semantics<core_parallel>, #tpu.dimension_semantics<subcore_parallel>], iteration_bounds = array<i64: 2, 16>, scalar_prefetch = 0 : i64, scratch_operands = 12 : i64, tpu.core_type = #tpu.core_type<sc_vector_subcore>, window_params = [{transform_indices = #map}, {transform_indices = #map}, {transform_indices = #map}, {transform_indices = #map}, {transform_indices = #map}, {transform_indices = #map}, {transform_indices = #map1}, {transform_indices = #map1}]} {
    %mul3A = arith.constant 625 : i32
    %mul3A_0 = arith.muli %arg1, %mul3A : i32
    %mul3A_1 = arith.constant 625 : i32
    %mul3A_2 = arith.muli %arg1, %mul3A_1 : i32
    "tpu.region"() ({
      %run_scoped3A = tpu.sem_alloc : memref<!tpu.dma_semaphore, #tpu.memory_space<semaphore_mem>>
      %dma_start3A = arith.constant 0 : i32
      %dma_start3A_37 = tpu.memref_slice %arg14[%mul3A_2, %dma_start3A] : memref<10000x64xf32, #tpu.memory_space<vmem_shared>> -> memref<625x64xf32, #tpu.memory_space<vmem_shared>>
      %dma_start3A_38 = arith.constant 0 : i32
      %dma_start3A_39 = tpu.memref_slice %arg2[%mul3A_0, %dma_start3A_38] : memref<10000x64xf32, #tpu.memory_space<hbm>> -> memref<625x64xf32, #tpu.memory_space<hbm>>
      tpu.enqueue_dma source(%dma_start3A_39 : memref<625x64xf32, #tpu.memory_space<hbm>>) target(%dma_start3A_37 : memref<625x64xf32, #tpu.memory_space<vmem_shared>>) target_semaphore(%run_scoped3A : memref<!tpu.dma_semaphore, #tpu.memory_space<semaphore_mem>>)
      %dma_wait3A = arith.constant 0 : i32
      %dma_wait3A_40 = tpu.memref_slice %arg14[%mul3A_2, %dma_wait3A] : memref<10000x64xf32, #tpu.memory_space<vmem_shared>> -> memref<625x64xf32, #tpu.memory_space<vmem_shared>>
      %dma_wait3A_41 = arith.constant 0 : i32
      %dma_wait3A_42 = tpu.memref_slice %arg2[%mul3A_0, %dma_wait3A_41] : memref<10000x64xf32, #tpu.memory_space<hbm>> -> memref<625x64xf32, #tpu.memory_space<hbm>>
      tpu.wait_dma2 semaphore(%run_scoped3A : memref<!tpu.dma_semaphore, #tpu.memory_space<semaphore_mem>>) src(%dma_wait3A_42 : memref<625x64xf32, #tpu.memory_space<hbm>>) dst(%dma_wait3A_40 : memref<625x64xf32, #tpu.memory_space<vmem_shared>>)
      tpu.yield
    }) : () -> ()
    %mul3A_3 = arith.constant 632 : i32
    %mul3A_4 = arith.muli %arg1, %mul3A_3 : i32
    "tpu.region"() ({
      %run_scoped3A = tpu.sem_alloc : memref<!tpu.dma_semaphore, #tpu.memory_space<semaphore_mem>>
      %dma_start3A = arith.constant 0 : i32
      %dma_start3A_37 = tpu.memref_slice %arg15[%mul3A_4, %dma_start3A] : memref<10112x64xf32, #tpu.memory_space<vmem_shared>> -> memref<632x64xf32, #tpu.memory_space<vmem_shared>>
      tpu.enqueue_dma source(%arg5 : memref<632x64xf32, #tpu.memory_space<hbm>>) target(%dma_start3A_37 : memref<632x64xf32, #tpu.memory_space<vmem_shared>>) target_semaphore(%run_scoped3A : memref<!tpu.dma_semaphore, #tpu.memory_space<semaphore_mem>>)
      %dma_wait3A = arith.constant 0 : i32
      %dma_wait3A_38 = tpu.memref_slice %arg15[%mul3A_4, %dma_wait3A] : memref<10112x64xf32, #tpu.memory_space<vmem_shared>> -> memref<632x64xf32, #tpu.memory_space<vmem_shared>>
      tpu.wait_dma2 semaphore(%run_scoped3A : memref<!tpu.dma_semaphore, #tpu.memory_space<semaphore_mem>>) src(%arg5 : memref<632x64xf32, #tpu.memory_space<hbm>>) dst(%dma_wait3A_38 : memref<632x64xf32, #tpu.memory_space<vmem_shared>>)
      tpu.yield
    }) : () -> ()
    %mul3A_5 = arith.constant 632 : i32
    %mul3A_6 = arith.muli %arg1, %mul3A_5 : i32
    "tpu.region"() ({
      %run_scoped3A = tpu.sem_alloc : memref<!tpu.dma_semaphore, #tpu.memory_space<semaphore_mem>>
      %dma_start3A = arith.constant 0 : i32
      %dma_start3A_37 = tpu.memref_slice %arg20[%mul3A_6, %dma_start3A] : memref<10112x16xf32, #tpu.memory_space<vmem_shared>> -> memref<632x16xf32, #tpu.memory_space<vmem_shared>>
      tpu.enqueue_dma source(%arg6 : memref<632x16xf32, #tpu.memory_space<hbm>>) target(%dma_start3A_37 : memref<632x16xf32, #tpu.memory_space<vmem_shared>>) target_semaphore(%run_scoped3A : memref<!tpu.dma_semaphore, #tpu.memory_space<semaphore_mem>>)
      %dma_wait3A = arith.constant 0 : i32
      %dma_wait3A_38 = tpu.memref_slice %arg20[%mul3A_6, %dma_wait3A] : memref<10112x16xf32, #tpu.memory_space<vmem_shared>> -> memref<632x16xf32, #tpu.memory_space<vmem_shared>>
      tpu.wait_dma2 semaphore(%run_scoped3A : memref<!tpu.dma_semaphore, #tpu.memory_space<semaphore_mem>>) src(%arg6 : memref<632x16xf32, #tpu.memory_space<hbm>>) dst(%dma_wait3A_38 : memref<632x16xf32, #tpu.memory_space<vmem_shared>>)
      tpu.yield
    }) : () -> ()
    "tpu.region"() ({
      %run_scoped3A = tpu.sem_alloc : memref<!tpu.dma_semaphore, #tpu.memory_space<semaphore_mem>>
      tpu.enqueue_dma source(%arg7 : memref<128x16xf32, #tpu.memory_space<hbm>>) target(%arg19 : memref<128x16xf32, #tpu.memory_space<vmem>>) target_semaphore(%run_scoped3A : memref<!tpu.dma_semaphore, #tpu.memory_space<semaphore_mem>>)
      tpu.wait_dma2 semaphore(%run_scoped3A : memref<!tpu.dma_semaphore, #tpu.memory_space<semaphore_mem>>) src(%arg7 : memref<128x16xf32, #tpu.memory_space<hbm>>) dst(%arg19 : memref<128x16xf32, #tpu.memory_space<vmem>>)
      tpu.yield
    }) : () -> ()
    %barrier3A = arith.constant 0 : index
    tpu.barrier barrier_id(%barrier3A)
    %eq3A = arith.constant 0 : i32
    %eq3A_7 = arith.cmpi eq, %arg0, %eq3A : i32
    %mul3A_8 = arith.constant 80 : i32
    %mul3A_9 = arith.muli %arg1, %mul3A_8 : i32
    %mul3A_10 = arith.constant 80 : i32
    %mul3A_11 = arith.muli %arg1, %mul3A_10 : i32
    %add3A = arith.constant 1280 : i32
    %add3A_12 = arith.addi %add3A, %mul3A_11 : i32
    %select_n3A = arith.select %eq3A_7, %mul3A_9, %add3A_12 : i32
    %eq3A_13 = arith.constant 0 : i32
    %eq3A_14 = arith.cmpi eq, %arg0, %eq3A_13 : i32
    %jit3A = arith.constant 20 : i32
    %jit3A_15 = arith.constant 20 : i32
    %select_n3A_16 = arith.select %eq3A_14, %jit3A, %jit3A_15 : i32
    %while3A = arith.constant 0 : i32
    %while3A_17 = arith.constant 0 : i32
    %while3A_18 = arith.subi %select_n3A_16, %while3A_17 : i32
    %while3A_19 = arith.addi %while3A_17, %while3A_18 : i32
    %while3A_20 = arith.constant 1 : i32
    %while3A_21 = arith.divsi %while3A_18, %while3A_20 : i32
    %while3A_22 = arith.muli %while3A_21, %while3A_20 : i32
    %while3A_23 = arith.addi %while3A_17, %while3A_22 : i32
    %while3A_24 = arith.constant 1 : i32
    scf.for %while3A_37 = %while3A_17 to %while3A_23 step %while3A_24  : i32 {
      %mul3A_38 = arith.constant 4 : i32
      %mul3A_39 = arith.muli %while3A_37, %mul3A_38 : i32
      %add3A_40 = arith.addi %select_n3A, %mul3A_39 : i32
      %add3A_41 = arith.constant 0 : i32
      %add3A_42 = arith.addi %add3A_40, %add3A_41 : i32
      %gt3A_43 = arith.constant 0 : i32
      %gt3A_44 = arith.cmpi sgt, %while3A_37, %gt3A_43 : i32
      %convert_element_type3A_45 = arith.extui %gt3A_44 : i1 to i32
      %cond3A_46 = arith.constant 0 : i32
      %cond3A_47 = arith.cmpi ne, %convert_element_type3A_45, %cond3A_46 : i32
      scf.if %cond3A_47 {
        %dma_wait3A_247 = arith.constant 0 : i32
        %dma_wait3A_248 = arith.constant 0 : i32
        %dma_wait3A_249 = arith.constant 0 : i32
        %dma_wait3A_250 = tpu.memref_slice %arg12[%dma_wait3A_247, %dma_wait3A_248, %dma_wait3A_249] : memref<2x128x64xf32, #tpu.memory_space<vmem>> -> memref<1x128x64xf32, #tpu.memory_space<vmem>>
        %dma_wait3A_251 = tpu.memref_squeeze %dma_wait3A_250 : memref<1x128x64xf32, #tpu.memory_space<vmem>> -> memref<128x64xf32, #tpu.memory_space<vmem>>
        %dma_wait3A_252 = arith.constant 0 : i32
        %dma_wait3A_253 = arith.constant 0 : i32
        %dma_wait3A_254 = tpu.memref_slice %arg2[%dma_wait3A_252, %dma_wait3A_253] : memref<10000x64xf32, #tpu.memory_space<hbm>> -> memref<128x64xf32, #tpu.memory_space<hbm>>
        %dma_wait3A_255 = arith.constant 0 : i32
        %dma_wait3A_256 = arith.constant 0 : i32
        %dma_wait3A_257 = tpu.memref_slice %arg12[%dma_wait3A_247, %dma_wait3A_255, %dma_wait3A_256] : memref<2x128x64xf32, #tpu.memory_space<vmem>> -> memref<1x128x64xf32, #tpu.memory_space<vmem>>
        %dma_wait3A_258 = tpu.memref_squeeze %dma_wait3A_257 : memref<1x128x64xf32, #tpu.memory_space<vmem>> -> memref<128x64xf32, #tpu.memory_space<vmem>>
        %dma_wait3A_259 = arith.constant 0 : i32
        %dma_wait3A_260 = arith.constant 0 : i32
        %dma_wait3A_261 = tpu.memref_slice %arg2[%dma_wait3A_259, %dma_wait3A_260] : memref<10000x64xf32, #tpu.memory_space<hbm>> -> memref<128x64xf32, #tpu.memory_space<hbm>>
        tpu.wait_dma2 semaphore(%arg17 : memref<!tpu.dma_semaphore, #tpu.memory_space<semaphore_mem>>) src(%dma_wait3A_261 : memref<128x64xf32, #tpu.memory_space<hbm>>) dst(%dma_wait3A_258 : memref<128x64xf32, #tpu.memory_space<vmem>>)
        %dma_wait3A_262 = arith.constant 0 : i32
        %dma_wait3A_263 = arith.constant 0 : i32
        %dma_wait3A_264 = tpu.memref_slice %arg6[%dma_wait3A_262, %dma_wait3A_263] : memref<632x16xf32, #tpu.memory_space<hbm>> -> memref<128x16xf32, #tpu.memory_space<hbm>>
        %dma_wait3A_265 = arith.constant 0 : i32
        %dma_wait3A_266 = arith.constant 0 : i32
        %dma_wait3A_267 = tpu.memref_slice %arg6[%dma_wait3A_265, %dma_wait3A_266] : memref<632x16xf32, #tpu.memory_space<hbm>> -> memref<128x16xf32, #tpu.memory_space<hbm>>
        tpu.wait_dma2 semaphore(%arg21 : memref<!tpu.dma_semaphore, #tpu.memory_space<semaphore_mem>>) src(%dma_wait3A_267 : memref<128x16xf32, #tpu.memory_space<hbm>>) dst(%arg19 : memref<128x16xf32, #tpu.memory_space<vmem>>)
        %dma_wait3A_268 = arith.constant 1 : i32
        %dma_wait3A_269 = arith.constant 0 : i32
        %dma_wait3A_270 = arith.constant 0 : i32
        %dma_wait3A_271 = tpu.memref_slice %arg12[%dma_wait3A_268, %dma_wait3A_269, %dma_wait3A_270] : memref<2x128x64xf32, #tpu.memory_space<vmem>> -> memref<1x128x64xf32, #tpu.memory_space<vmem>>
        %dma_wait3A_272 = tpu.memref_squeeze %dma_wait3A_271 : memref<1x128x64xf32, #tpu.memory_space<vmem>> -> memref<128x64xf32, #tpu.memory_space<vmem>>
        %dma_wait3A_273 = arith.constant 0 : i32
        %dma_wait3A_274 = arith.constant 0 : i32
        %dma_wait3A_275 = tpu.memref_slice %arg2[%dma_wait3A_273, %dma_wait3A_274] : memref<10000x64xf32, #tpu.memory_space<hbm>> -> memref<128x64xf32, #tpu.memory_space<hbm>>
        %dma_wait3A_276 = arith.constant 0 : i32
        %dma_wait3A_277 = arith.constant 0 : i32
        %dma_wait3A_278 = tpu.memref_slice %arg12[%dma_wait3A_268, %dma_wait3A_276, %dma_wait3A_277] : memref<2x128x64xf32, #tpu.memory_space<vmem>> -> memref<1x128x64xf32, #tpu.memory_space<vmem>>
        %dma_wait3A_279 = tpu.memref_squeeze %dma_wait3A_278 : memref<1x128x64xf32, #tpu.memory_space<vmem>> -> memref<128x64xf32, #tpu.memory_space<vmem>>
        %dma_wait3A_280 = arith.constant 0 : i32
        %dma_wait3A_281 = arith.constant 0 : i32
        %dma_wait3A_282 = tpu.memref_slice %arg2[%dma_wait3A_280, %dma_wait3A_281] : memref<10000x64xf32, #tpu.memory_space<hbm>> -> memref<128x64xf32, #tpu.memory_space<hbm>>
        tpu.wait_dma2 semaphore(%arg17 : memref<!tpu.dma_semaphore, #tpu.memory_space<semaphore_mem>>) src(%dma_wait3A_282 : memref<128x64xf32, #tpu.memory_space<hbm>>) dst(%dma_wait3A_279 : memref<128x64xf32, #tpu.memory_space<vmem>>)
        %dma_wait3A_283 = arith.constant 0 : i32
        %dma_wait3A_284 = arith.constant 0 : i32
        %dma_wait3A_285 = tpu.memref_slice %arg6[%dma_wait3A_283, %dma_wait3A_284] : memref<632x16xf32, #tpu.memory_space<hbm>> -> memref<128x16xf32, #tpu.memory_space<hbm>>
        %dma_wait3A_286 = arith.constant 0 : i32
        %dma_wait3A_287 = arith.constant 0 : i32
        %dma_wait3A_288 = tpu.memref_slice %arg6[%dma_wait3A_286, %dma_wait3A_287] : memref<632x16xf32, #tpu.memory_space<hbm>> -> memref<128x16xf32, #tpu.memory_space<hbm>>
        tpu.wait_dma2 semaphore(%arg21 : memref<!tpu.dma_semaphore, #tpu.memory_space<semaphore_mem>>) src(%dma_wait3A_288 : memref<128x16xf32, #tpu.memory_space<hbm>>) dst(%arg19 : memref<128x16xf32, #tpu.memory_space<vmem>>)
      } else {
      }
      %run_scoped3A = arith.constant 0 : i32
      "tpu.region"() ({
        %run_scoped3A_247 = tpu.sem_alloc : memref<!tpu.dma_semaphore, #tpu.memory_space<semaphore_mem>>
        %dma_start3A_248 = arith.constant 0 : i32
        %dma_start3A_249 = arith.constant 0 : i32
        %dma_start3A_250 = tpu.memref_slice %arg10[%run_scoped3A, %dma_start3A_248, %dma_start3A_249] : memref<2x2x128xi32, #tpu.memory_space<vmem>> -> memref<1x2x128xi32, #tpu.memory_space<vmem>>
        %dma_start3A_251 = tpu.memref_squeeze %dma_start3A_250 : memref<1x2x128xi32, #tpu.memory_space<vmem>> -> memref<2x128xi32, #tpu.memory_space<vmem>>
        %dma_start3A_252 = arith.constant 0 : i32
        %dma_start3A_253 = tpu.memref_slice %arg3[%add3A_42, %dma_start3A_252] : memref<2560x128xi32, #tpu.memory_space<hbm>> -> memref<2x128xi32, #tpu.memory_space<hbm>>
        %dma_start3A_254 = arith.constant 0 : i32
        %dma_start3A_255 = arith.constant 0 : i32
        %dma_start3A_256 = tpu.memref_slice %arg10[%run_scoped3A, %dma_start3A_254, %dma_start3A_255] : memref<2x2x128xi32, #tpu.memory_space<vmem>> -> memref<1x2x128xi32, #tpu.memory_space<vmem>>
        %dma_start3A_257 = tpu.memref_squeeze %dma_start3A_256 : memref<1x2x128xi32, #tpu.memory_space<vmem>> -> memref<2x128xi32, #tpu.memory_space<vmem>>
        %dma_start3A_258 = arith.constant 0 : i32
        %dma_start3A_259 = tpu.memref_slice %arg3[%add3A_42, %dma_start3A_258] : memref<2560x128xi32, #tpu.memory_space<hbm>> -> memref<2x128xi32, #tpu.memory_space<hbm>>
        tpu.enqueue_dma source(%dma_start3A_259 : memref<2x128xi32, #tpu.memory_space<hbm>>) target(%dma_start3A_257 : memref<2x128xi32, #tpu.memory_space<vmem>>) target_semaphore(%run_scoped3A_247 : memref<!tpu.dma_semaphore, #tpu.memory_space<semaphore_mem>>)
        %dma_wait3A_260 = arith.constant 0 : i32
        %dma_wait3A_261 = arith.constant 0 : i32
        %dma_wait3A_262 = tpu.memref_slice %arg10[%run_scoped3A, %dma_wait3A_260, %dma_wait3A_261] : memref<2x2x128xi32, #tpu.memory_space<vmem>> -> memref<1x2x128xi32, #tpu.memory_space<vmem>>
        %dma_wait3A_263 = tpu.memref_squeeze %dma_wait3A_262 : memref<1x2x128xi32, #tpu.memory_space<vmem>> -> memref<2x128xi32, #tpu.memory_space<vmem>>
        %dma_wait3A_264 = arith.constant 0 : i32
        %dma_wait3A_265 = tpu.memref_slice %arg3[%add3A_42, %dma_wait3A_264] : memref<2560x128xi32, #tpu.memory_space<hbm>> -> memref<2x128xi32, #tpu.memory_space<hbm>>
        %dma_wait3A_266 = arith.constant 0 : i32
        %dma_wait3A_267 = arith.constant 0 : i32
        %dma_wait3A_268 = tpu.memref_slice %arg10[%run_scoped3A, %dma_wait3A_266, %dma_wait3A_267] : memref<2x2x128xi32, #tpu.memory_space<vmem>> -> memref<1x2x128xi32, #tpu.memory_space<vmem>>
        %dma_wait3A_269 = tpu.memref_squeeze %dma_wait3A_268 : memref<1x2x128xi32, #tpu.memory_space<vmem>> -> memref<2x128xi32, #tpu.memory_space<vmem>>
        %dma_wait3A_270 = arith.constant 0 : i32
        %dma_wait3A_271 = tpu.memref_slice %arg3[%add3A_42, %dma_wait3A_270] : memref<2560x128xi32, #tpu.memory_space<hbm>> -> memref<2x128xi32, #tpu.memory_space<hbm>>
        tpu.wait_dma2 semaphore(%run_scoped3A_247 : memref<!tpu.dma_semaphore, #tpu.memory_space<semaphore_mem>>) src(%dma_wait3A_271 : memref<2x128xi32, #tpu.memory_space<hbm>>) dst(%dma_wait3A_269 : memref<2x128xi32, #tpu.memory_space<vmem>>)
        tpu.yield
      }) : () -> ()
      %run_scoped3A_48 = arith.constant 0 : i32
      "tpu.region"() ({
        %run_scoped3A_247 = tpu.sem_alloc : memref<!tpu.dma_semaphore, #tpu.memory_space<semaphore_mem>>
        %dma_start3A_248 = arith.constant 0 : i32
        %dma_start3A_249 = arith.constant 0 : i32
        %dma_start3A_250 = tpu.memref_slice %arg11[%run_scoped3A_48, %dma_start3A_248, %dma_start3A_249] : memref<2x2x128xi32, #tpu.memory_space<vmem>> -> memref<1x2x128xi32, #tpu.memory_space<vmem>>
        %dma_start3A_251 = tpu.memref_squeeze %dma_start3A_250 : memref<1x2x128xi32, #tpu.memory_space<vmem>> -> memref<2x128xi32, #tpu.memory_space<vmem>>
        %dma_start3A_252 = arith.constant 0 : i32
        %dma_start3A_253 = tpu.memref_slice %arg4[%add3A_42, %dma_start3A_252] : memref<2560x128xi32, #tpu.memory_space<hbm>> -> memref<2x128xi32, #tpu.memory_space<hbm>>
        %dma_start3A_254 = arith.constant 0 : i32
        %dma_start3A_255 = arith.constant 0 : i32
        %dma_start3A_256 = tpu.memref_slice %arg11[%run_scoped3A_48, %dma_start3A_254, %dma_start3A_255] : memref<2x2x128xi32, #tpu.memory_space<vmem>> -> memref<1x2x128xi32, #tpu.memory_space<vmem>>
        %dma_start3A_257 = tpu.memref_squeeze %dma_start3A_256 : memref<1x2x128xi32, #tpu.memory_space<vmem>> -> memref<2x128xi32, #tpu.memory_space<vmem>>
        %dma_start3A_258 = arith.constant 0 : i32
        %dma_start3A_259 = tpu.memref_slice %arg4[%add3A_42, %dma_start3A_258] : memref<2560x128xi32, #tpu.memory_space<hbm>> -> memref<2x128xi32, #tpu.memory_space<hbm>>
        tpu.enqueue_dma source(%dma_start3A_259 : memref<2x128xi32, #tpu.memory_space<hbm>>) target(%dma_start3A_257 : memref<2x128xi32, #tpu.memory_space<vmem>>) target_semaphore(%run_scoped3A_247 : memref<!tpu.dma_semaphore, #tpu.memory_space<semaphore_mem>>)
        %dma_wait3A_260 = arith.constant 0 : i32
        %dma_wait3A_261 = arith.constant 0 : i32
        %dma_wait3A_262 = tpu.memref_slice %arg11[%run_scoped3A_48, %dma_wait3A_260, %dma_wait3A_261] : memref<2x2x128xi32, #tpu.memory_space<vmem>> -> memref<1x2x128xi32, #tpu.memory_space<vmem>>
        %dma_wait3A_263 = tpu.memref_squeeze %dma_wait3A_262 : memref<1x2x128xi32, #tpu.memory_space<vmem>> -> memref<2x128xi32, #tpu.memory_space<vmem>>
        %dma_wait3A_264 = arith.constant 0 : i32
        %dma_wait3A_265 = tpu.memref_slice %arg4[%add3A_42, %dma_wait3A_264] : memref<2560x128xi32, #tpu.memory_space<hbm>> -> memref<2x128xi32, #tpu.memory_space<hbm>>
        %dma_wait3A_266 = arith.constant 0 : i32
        %dma_wait3A_267 = arith.constant 0 : i32
        %dma_wait3A_268 = tpu.memref_slice %arg11[%run_scoped3A_48, %dma_wait3A_266, %dma_wait3A_267] : memref<2x2x128xi32, #tpu.memory_space<vmem>> -> memref<1x2x128xi32, #tpu.memory_space<vmem>>
        %dma_wait3A_269 = tpu.memref_squeeze %dma_wait3A_268 : memref<1x2x128xi32, #tpu.memory_space<vmem>> -> memref<2x128xi32, #tpu.memory_space<vmem>>
        %dma_wait3A_270 = arith.constant 0 : i32
        %dma_wait3A_271 = tpu.memref_slice %arg4[%add3A_42, %dma_wait3A_270] : memref<2560x128xi32, #tpu.memory_space<hbm>> -> memref<2x128xi32, #tpu.memory_space<hbm>>
        tpu.wait_dma2 semaphore(%run_scoped3A_247 : memref<!tpu.dma_semaphore, #tpu.memory_space<semaphore_mem>>) src(%dma_wait3A_271 : memref<2x128xi32, #tpu.memory_space<hbm>>) dst(%dma_wait3A_269 : memref<2x128xi32, #tpu.memory_space<vmem>>)
        tpu.yield
      }) : () -> ()
      %dma_start3A = arith.constant 0 : i32
      %dma_start3A_49 = arith.constant 0 : i32
      %dma_start3A_50 = arith.constant 0 : i32
      %dma_start3A_51 = arith.constant 0 : i32
      %dma_start3A_52 = arith.constant 0 : i32
      %dma_start3A_53 = tpu.memref_slice %arg12[%dma_start3A_50, %dma_start3A_51, %dma_start3A_52] : memref<2x128x64xf32, #tpu.memory_space<vmem>> -> memref<1x128x64xf32, #tpu.memory_space<vmem>>
      %dma_start3A_54 = tpu.memref_squeeze %dma_start3A_53 : memref<1x128x64xf32, #tpu.memory_space<vmem>> -> memref<128x64xf32, #tpu.memory_space<vmem>>
      %dma_start3A_55 = arith.constant 0 : i32
      %dma_start3A_56 = tpu.memref_slice %arg10[%dma_start3A, %dma_start3A_49, %dma_start3A_55] : memref<2x2x128xi32, #tpu.memory_space<vmem>> -> memref<1x1x128xi32, #tpu.memory_space<vmem>>
      %dma_start3A_57 = tpu.memref_squeeze %dma_start3A_56 : memref<1x1x128xi32, #tpu.memory_space<vmem>> -> memref<128xi32, #tpu.memory_space<vmem>>
      %dma_start3A_58 = arith.constant 0 : i32
      %dma_start3A_59 = arith.constant 0 : i32
      %dma_start3A_60 = tpu.memref_slice %arg14[%dma_start3A_58, %dma_start3A_59] : memref<10000x64xf32, #tpu.memory_space<vmem_shared>> -> memref<10000x64xf32, #tpu.memory_space<vmem_shared>>
      tpu.enqueue_indirect_dma source(%dma_start3A_60 : memref<10000x64xf32, #tpu.memory_space<vmem_shared>>) target(%dma_start3A_54 : memref<128x64xf32, #tpu.memory_space<vmem>>) offsets(%dma_start3A_57 : memref<128xi32, #tpu.memory_space<vmem>>) semaphore(%arg16 : memref<!tpu.dma_semaphore, #tpu.memory_space<semaphore_mem>>)
      %dma_start3A_61 = arith.constant 0 : i32
      %dma_start3A_62 = arith.constant 1 : i32
      %dma_start3A_63 = arith.constant 1 : i32
      %dma_start3A_64 = arith.constant 0 : i32
      %dma_start3A_65 = arith.constant 0 : i32
      %dma_start3A_66 = tpu.memref_slice %arg12[%dma_start3A_63, %dma_start3A_64, %dma_start3A_65] : memref<2x128x64xf32, #tpu.memory_space<vmem>> -> memref<1x128x64xf32, #tpu.memory_space<vmem>>
      %dma_start3A_67 = tpu.memref_squeeze %dma_start3A_66 : memref<1x128x64xf32, #tpu.memory_space<vmem>> -> memref<128x64xf32, #tpu.memory_space<vmem>>
      %dma_start3A_68 = arith.constant 0 : i32
      %dma_start3A_69 = tpu.memref_slice %arg10[%dma_start3A_61, %dma_start3A_62, %dma_start3A_68] : memref<2x2x128xi32, #tpu.memory_space<vmem>> -> memref<1x1x128xi32, #tpu.memory_space<vmem>>
      %dma_start3A_70 = tpu.memref_squeeze %dma_start3A_69 : memref<1x1x128xi32, #tpu.memory_space<vmem>> -> memref<128xi32, #tpu.memory_space<vmem>>
      %dma_start3A_71 = arith.constant 0 : i32
      %dma_start3A_72 = arith.constant 0 : i32
      %dma_start3A_73 = tpu.memref_slice %arg14[%dma_start3A_71, %dma_start3A_72] : memref<10000x64xf32, #tpu.memory_space<vmem_shared>> -> memref<10000x64xf32, #tpu.memory_space<vmem_shared>>
      tpu.enqueue_indirect_dma source(%dma_start3A_73 : memref<10000x64xf32, #tpu.memory_space<vmem_shared>>) target(%dma_start3A_67 : memref<128x64xf32, #tpu.memory_space<vmem>>) offsets(%dma_start3A_70 : memref<128xi32, #tpu.memory_space<vmem>>) semaphore(%arg16 : memref<!tpu.dma_semaphore, #tpu.memory_space<semaphore_mem>>)
      %dma_wait3A = arith.constant 0 : i32
      %dma_wait3A_74 = arith.constant 0 : i32
      %dma_wait3A_75 = arith.constant 0 : i32
      %dma_wait3A_76 = arith.constant 0 : i32
      %dma_wait3A_77 = arith.constant 0 : i32
      %dma_wait3A_78 = tpu.memref_slice %arg12[%dma_wait3A_75, %dma_wait3A_76, %dma_wait3A_77] : memref<2x128x64xf32, #tpu.memory_space<vmem>> -> memref<1x128x64xf32, #tpu.memory_space<vmem>>
      %dma_wait3A_79 = tpu.memref_squeeze %dma_wait3A_78 : memref<1x128x64xf32, #tpu.memory_space<vmem>> -> memref<128x64xf32, #tpu.memory_space<vmem>>
      %dma_wait3A_80 = arith.constant 0 : i32
      %dma_wait3A_81 = tpu.memref_slice %arg10[%dma_wait3A, %dma_wait3A_74, %dma_wait3A_80] : memref<2x2x128xi32, #tpu.memory_space<vmem>> -> memref<1x1x128xi32, #tpu.memory_space<vmem>>
      %dma_wait3A_82 = tpu.memref_squeeze %dma_wait3A_81 : memref<1x1x128xi32, #tpu.memory_space<vmem>> -> memref<128xi32, #tpu.memory_space<vmem>>
      %dma_wait3A_83 = arith.constant 0 : i32
      %dma_wait3A_84 = arith.constant 0 : i32
      %dma_wait3A_85 = tpu.memref_slice %arg14[%dma_wait3A_83, %dma_wait3A_84] : memref<10000x64xf32, #tpu.memory_space<vmem_shared>> -> memref<10000x64xf32, #tpu.memory_space<vmem_shared>>
      tpu.wait_indirect_dma semaphore(%arg16 : memref<!tpu.dma_semaphore, #tpu.memory_space<semaphore_mem>>) src(%dma_wait3A_85 : memref<10000x64xf32, #tpu.memory_space<vmem_shared>>) dst(%dma_wait3A_79 : memref<128x64xf32, #tpu.memory_space<vmem>>)
      %dma_wait3A_86 = arith.constant 0 : i32
      %dma_wait3A_87 = arith.constant 1 : i32
      %dma_wait3A_88 = arith.constant 1 : i32
      %dma_wait3A_89 = arith.constant 0 : i32
      %dma_wait3A_90 = arith.constant 0 : i32
      %dma_wait3A_91 = tpu.memref_slice %arg12[%dma_wait3A_88, %dma_wait3A_89, %dma_wait3A_90] : memref<2x128x64xf32, #tpu.memory_space<vmem>> -> memref<1x128x64xf32, #tpu.memory_space<vmem>>
      %dma_wait3A_92 = tpu.memref_squeeze %dma_wait3A_91 : memref<1x128x64xf32, #tpu.memory_space<vmem>> -> memref<128x64xf32, #tpu.memory_space<vmem>>
      %dma_wait3A_93 = arith.constant 0 : i32
      %dma_wait3A_94 = tpu.memref_slice %arg10[%dma_wait3A_86, %dma_wait3A_87, %dma_wait3A_93] : memref<2x2x128xi32, #tpu.memory_space<vmem>> -> memref<1x1x128xi32, #tpu.memory_space<vmem>>
      %dma_wait3A_95 = tpu.memref_squeeze %dma_wait3A_94 : memref<1x1x128xi32, #tpu.memory_space<vmem>> -> memref<128xi32, #tpu.memory_space<vmem>>
      %dma_wait3A_96 = arith.constant 0 : i32
      %dma_wait3A_97 = arith.constant 0 : i32
      %dma_wait3A_98 = tpu.memref_slice %arg14[%dma_wait3A_96, %dma_wait3A_97] : memref<10000x64xf32, #tpu.memory_space<vmem_shared>> -> memref<10000x64xf32, #tpu.memory_space<vmem_shared>>
      tpu.wait_indirect_dma semaphore(%arg16 : memref<!tpu.dma_semaphore, #tpu.memory_space<semaphore_mem>>) src(%dma_wait3A_98 : memref<10000x64xf32, #tpu.memory_space<vmem_shared>>) dst(%dma_wait3A_92 : memref<128x64xf32, #tpu.memory_space<vmem>>)
      %dma_start3A_99 = arith.constant 0 : i32
      %dma_start3A_100 = arith.constant 0 : i32
      %dma_start3A_101 = arith.constant 0 : i32
      %dma_start3A_102 = arith.constant 0 : i32
      %dma_start3A_103 = arith.constant 0 : i32
      %dma_start3A_104 = tpu.memref_slice %arg12[%dma_start3A_99, %dma_start3A_102, %dma_start3A_103] : memref<2x128x64xf32, #tpu.memory_space<vmem>> -> memref<1x128x64xf32, #tpu.memory_space<vmem>>
      %dma_start3A_105 = tpu.memref_squeeze %dma_start3A_104 : memref<1x128x64xf32, #tpu.memory_space<vmem>> -> memref<128x64xf32, #tpu.memory_space<vmem>>
      %dma_start3A_106 = arith.constant 0 : i32
      %dma_start3A_107 = tpu.memref_slice %arg11[%dma_start3A_100, %dma_start3A_101, %dma_start3A_106] : memref<2x2x128xi32, #tpu.memory_space<vmem>> -> memref<1x1x128xi32, #tpu.memory_space<vmem>>
      %dma_start3A_108 = tpu.memref_squeeze %dma_start3A_107 : memref<1x1x128xi32, #tpu.memory_space<vmem>> -> memref<128xi32, #tpu.memory_space<vmem>>
      %dma_start3A_109 = arith.constant 0 : i32
      %dma_start3A_110 = arith.constant 0 : i32
      %dma_start3A_111 = tpu.memref_slice %arg15[%dma_start3A_109, %dma_start3A_110] : memref<10112x64xf32, #tpu.memory_space<vmem_shared>> -> memref<10112x64xf32, #tpu.memory_space<vmem_shared>>
      tpu.enqueue_indirect_dma source(%dma_start3A_105 : memref<128x64xf32, #tpu.memory_space<vmem>>) target(%dma_start3A_111 : memref<10112x64xf32, #tpu.memory_space<vmem_shared>>) offsets(%dma_start3A_108 : memref<128xi32, #tpu.memory_space<vmem>>) semaphore(%arg17 : memref<!tpu.dma_semaphore, #tpu.memory_space<semaphore_mem>>) {add = true}
      %dma_start3A_112 = arith.constant 0 : i32
      %dma_start3A_113 = arith.constant 0 : i32
      %dma_start3A_114 = arith.constant 0 : i32
      %dma_start3A_115 = tpu.memref_slice %arg11[%dma_start3A_112, %dma_start3A_113, %dma_start3A_114] : memref<2x2x128xi32, #tpu.memory_space<vmem>> -> memref<1x1x128xi32, #tpu.memory_space<vmem>>
      %dma_start3A_116 = tpu.memref_squeeze %dma_start3A_115 : memref<1x1x128xi32, #tpu.memory_space<vmem>> -> memref<128xi32, #tpu.memory_space<vmem>>
      %dma_start3A_117 = arith.constant 0 : i32
      %dma_start3A_118 = arith.constant 0 : i32
      %dma_start3A_119 = tpu.memref_slice %arg20[%dma_start3A_117, %dma_start3A_118] : memref<10112x16xf32, #tpu.memory_space<vmem_shared>> -> memref<10112x16xf32, #tpu.memory_space<vmem_shared>>
      tpu.enqueue_indirect_dma source(%arg19 : memref<128x16xf32, #tpu.memory_space<vmem>>) target(%dma_start3A_119 : memref<10112x16xf32, #tpu.memory_space<vmem_shared>>) offsets(%dma_start3A_116 : memref<128xi32, #tpu.memory_space<vmem>>) semaphore(%arg21 : memref<!tpu.dma_semaphore, #tpu.memory_space<semaphore_mem>>) {add = true}
      %dma_start3A_120 = arith.constant 1 : i32
      %dma_start3A_121 = arith.constant 0 : i32
      %dma_start3A_122 = arith.constant 1 : i32
      %dma_start3A_123 = arith.constant 0 : i32
      %dma_start3A_124 = arith.constant 0 : i32
      %dma_start3A_125 = tpu.memref_slice %arg12[%dma_start3A_120, %dma_start3A_123, %dma_start3A_124] : memref<2x128x64xf32, #tpu.memory_space<vmem>> -> memref<1x128x64xf32, #tpu.memory_space<vmem>>
      %dma_start3A_126 = tpu.memref_squeeze %dma_start3A_125 : memref<1x128x64xf32, #tpu.memory_space<vmem>> -> memref<128x64xf32, #tpu.memory_space<vmem>>
      %dma_start3A_127 = arith.constant 0 : i32
      %dma_start3A_128 = tpu.memref_slice %arg11[%dma_start3A_121, %dma_start3A_122, %dma_start3A_127] : memref<2x2x128xi32, #tpu.memory_space<vmem>> -> memref<1x1x128xi32, #tpu.memory_space<vmem>>
      %dma_start3A_129 = tpu.memref_squeeze %dma_start3A_128 : memref<1x1x128xi32, #tpu.memory_space<vmem>> -> memref<128xi32, #tpu.memory_space<vmem>>
      %dma_start3A_130 = arith.constant 0 : i32
      %dma_start3A_131 = arith.constant 0 : i32
      %dma_start3A_132 = tpu.memref_slice %arg15[%dma_start3A_130, %dma_start3A_131] : memref<10112x64xf32, #tpu.memory_space<vmem_shared>> -> memref<10112x64xf32, #tpu.memory_space<vmem_shared>>
      tpu.enqueue_indirect_dma source(%dma_start3A_126 : memref<128x64xf32, #tpu.memory_space<vmem>>) target(%dma_start3A_132 : memref<10112x64xf32, #tpu.memory_space<vmem_shared>>) offsets(%dma_start3A_129 : memref<128xi32, #tpu.memory_space<vmem>>) semaphore(%arg17 : memref<!tpu.dma_semaphore, #tpu.memory_space<semaphore_mem>>) {add = true}
      %dma_start3A_133 = arith.constant 0 : i32
      %dma_start3A_134 = arith.constant 1 : i32
      %dma_start3A_135 = arith.constant 0 : i32
      %dma_start3A_136 = tpu.memref_slice %arg11[%dma_start3A_133, %dma_start3A_134, %dma_start3A_135] : memref<2x2x128xi32, #tpu.memory_space<vmem>> -> memref<1x1x128xi32, #tpu.memory_space<vmem>>
      %dma_start3A_137 = tpu.memref_squeeze %dma_start3A_136 : memref<1x1x128xi32, #tpu.memory_space<vmem>> -> memref<128xi32, #tpu.memory_space<vmem>>
      %dma_start3A_138 = arith.constant 0 : i32
      %dma_start3A_139 = arith.constant 0 : i32
      %dma_start3A_140 = tpu.memref_slice %arg20[%dma_start3A_138, %dma_start3A_139] : memref<10112x16xf32, #tpu.memory_space<vmem_shared>> -> memref<10112x16xf32, #tpu.memory_space<vmem_shared>>
      tpu.enqueue_indirect_dma source(%arg19 : memref<128x16xf32, #tpu.memory_space<vmem>>) target(%dma_start3A_140 : memref<10112x16xf32, #tpu.memory_space<vmem_shared>>) offsets(%dma_start3A_137 : memref<128xi32, #tpu.memory_space<vmem>>) semaphore(%arg21 : memref<!tpu.dma_semaphore, #tpu.memory_space<semaphore_mem>>) {add = true}
      %mul3A_141 = arith.constant 4 : i32
      %mul3A_142 = arith.muli %while3A_37, %mul3A_141 : i32
      %add3A_143 = arith.addi %select_n3A, %mul3A_142 : i32
      %add3A_144 = arith.constant 2 : i32
      %add3A_145 = arith.addi %add3A_143, %add3A_144 : i32
      %gt3A_146 = arith.constant 0 : i32
      %gt3A_147 = arith.cmpi sgt, %while3A_37, %gt3A_146 : i32
      %convert_element_type3A_148 = arith.extui %gt3A_147 : i1 to i32
      %cond3A_149 = arith.constant 0 : i32
      %cond3A_150 = arith.cmpi ne, %convert_element_type3A_148, %cond3A_149 : i32
      scf.if %cond3A_150 {
        %dma_wait3A_247 = arith.constant 0 : i32
        %dma_wait3A_248 = arith.constant 0 : i32
        %dma_wait3A_249 = arith.constant 0 : i32
        %dma_wait3A_250 = tpu.memref_slice %arg13[%dma_wait3A_247, %dma_wait3A_248, %dma_wait3A_249] : memref<2x128x64xf32, #tpu.memory_space<vmem>> -> memref<1x128x64xf32, #tpu.memory_space<vmem>>
        %dma_wait3A_251 = tpu.memref_squeeze %dma_wait3A_250 : memref<1x128x64xf32, #tpu.memory_space<vmem>> -> memref<128x64xf32, #tpu.memory_space<vmem>>
        %dma_wait3A_252 = arith.constant 0 : i32
        %dma_wait3A_253 = arith.constant 0 : i32
        %dma_wait3A_254 = tpu.memref_slice %arg2[%dma_wait3A_252, %dma_wait3A_253] : memref<10000x64xf32, #tpu.memory_space<hbm>> -> memref<128x64xf32, #tpu.memory_space<hbm>>
        %dma_wait3A_255 = arith.constant 0 : i32
        %dma_wait3A_256 = arith.constant 0 : i32
        %dma_wait3A_257 = tpu.memref_slice %arg13[%dma_wait3A_247, %dma_wait3A_255, %dma_wait3A_256] : memref<2x128x64xf32, #tpu.memory_space<vmem>> -> memref<1x128x64xf32, #tpu.memory_space<vmem>>
        %dma_wait3A_258 = tpu.memref_squeeze %dma_wait3A_257 : memref<1x128x64xf32, #tpu.memory_space<vmem>> -> memref<128x64xf32, #tpu.memory_space<vmem>>
        %dma_wait3A_259 = arith.constant 0 : i32
        %dma_wait3A_260 = arith.constant 0 : i32
        %dma_wait3A_261 = tpu.memref_slice %arg2[%dma_wait3A_259, %dma_wait3A_260] : memref<10000x64xf32, #tpu.memory_space<hbm>> -> memref<128x64xf32, #tpu.memory_space<hbm>>
        tpu.wait_dma2 semaphore(%arg18 : memref<!tpu.dma_semaphore, #tpu.memory_space<semaphore_mem>>) src(%dma_wait3A_261 : memref<128x64xf32, #tpu.memory_space<hbm>>) dst(%dma_wait3A_258 : memref<128x64xf32, #tpu.memory_space<vmem>>)
        %dma_wait3A_262 = arith.constant 0 : i32
        %dma_wait3A_263 = arith.constant 0 : i32
        %dma_wait3A_264 = tpu.memref_slice %arg6[%dma_wait3A_262, %dma_wait3A_263] : memref<632x16xf32, #tpu.memory_space<hbm>> -> memref<128x16xf32, #tpu.memory_space<hbm>>
        %dma_wait3A_265 = arith.constant 0 : i32
        %dma_wait3A_266 = arith.constant 0 : i32
        %dma_wait3A_267 = tpu.memref_slice %arg6[%dma_wait3A_265, %dma_wait3A_266] : memref<632x16xf32, #tpu.memory_space<hbm>> -> memref<128x16xf32, #tpu.memory_space<hbm>>
        tpu.wait_dma2 semaphore(%arg21 : memref<!tpu.dma_semaphore, #tpu.memory_space<semaphore_mem>>) src(%dma_wait3A_267 : memref<128x16xf32, #tpu.memory_space<hbm>>) dst(%arg19 : memref<128x16xf32, #tpu.memory_space<vmem>>)
        %dma_wait3A_268 = arith.constant 1 : i32
        %dma_wait3A_269 = arith.constant 0 : i32
        %dma_wait3A_270 = arith.constant 0 : i32
        %dma_wait3A_271 = tpu.memref_slice %arg13[%dma_wait3A_268, %dma_wait3A_269, %dma_wait3A_270] : memref<2x128x64xf32, #tpu.memory_space<vmem>> -> memref<1x128x64xf32, #tpu.memory_space<vmem>>
        %dma_wait3A_272 = tpu.memref_squeeze %dma_wait3A_271 : memref<1x128x64xf32, #tpu.memory_space<vmem>> -> memref<128x64xf32, #tpu.memory_space<vmem>>
        %dma_wait3A_273 = arith.constant 0 : i32
        %dma_wait3A_274 = arith.constant 0 : i32
        %dma_wait3A_275 = tpu.memref_slice %arg2[%dma_wait3A_273, %dma_wait3A_274] : memref<10000x64xf32, #tpu.memory_space<hbm>> -> memref<128x64xf32, #tpu.memory_space<hbm>>
        %dma_wait3A_276 = arith.constant 0 : i32
        %dma_wait3A_277 = arith.constant 0 : i32
        %dma_wait3A_278 = tpu.memref_slice %arg13[%dma_wait3A_268, %dma_wait3A_276, %dma_wait3A_277] : memref<2x128x64xf32, #tpu.memory_space<vmem>> -> memref<1x128x64xf32, #tpu.memory_space<vmem>>
        %dma_wait3A_279 = tpu.memref_squeeze %dma_wait3A_278 : memref<1x128x64xf32, #tpu.memory_space<vmem>> -> memref<128x64xf32, #tpu.memory_space<vmem>>
        %dma_wait3A_280 = arith.constant 0 : i32
        %dma_wait3A_281 = arith.constant 0 : i32
        %dma_wait3A_282 = tpu.memref_slice %arg2[%dma_wait3A_280, %dma_wait3A_281] : memref<10000x64xf32, #tpu.memory_space<hbm>> -> memref<128x64xf32, #tpu.memory_space<hbm>>
        tpu.wait_dma2 semaphore(%arg18 : memref<!tpu.dma_semaphore, #tpu.memory_space<semaphore_mem>>) src(%dma_wait3A_282 : memref<128x64xf32, #tpu.memory_space<hbm>>) dst(%dma_wait3A_279 : memref<128x64xf32, #tpu.memory_space<vmem>>)
        %dma_wait3A_283 = arith.constant 0 : i32
        %dma_wait3A_284 = arith.constant 0 : i32
        %dma_wait3A_285 = tpu.memref_slice %arg6[%dma_wait3A_283, %dma_wait3A_284] : memref<632x16xf32, #tpu.memory_space<hbm>> -> memref<128x16xf32, #tpu.memory_space<hbm>>
        %dma_wait3A_286 = arith.constant 0 : i32
        %dma_wait3A_287 = arith.constant 0 : i32
        %dma_wait3A_288 = tpu.memref_slice %arg6[%dma_wait3A_286, %dma_wait3A_287] : memref<632x16xf32, #tpu.memory_space<hbm>> -> memref<128x16xf32, #tpu.memory_space<hbm>>
        tpu.wait_dma2 semaphore(%arg21 : memref<!tpu.dma_semaphore, #tpu.memory_space<semaphore_mem>>) src(%dma_wait3A_288 : memref<128x16xf32, #tpu.memory_space<hbm>>) dst(%arg19 : memref<128x16xf32, #tpu.memory_space<vmem>>)
      } else {
      }
      %run_scoped3A_151 = arith.constant 1 : i32
      "tpu.region"() ({
        %run_scoped3A_247 = tpu.sem_alloc : memref<!tpu.dma_semaphore, #tpu.memory_space<semaphore_mem>>
        %dma_start3A_248 = arith.constant 0 : i32
        %dma_start3A_249 = arith.constant 0 : i32
        %dma_start3A_250 = tpu.memref_slice %arg10[%run_scoped3A_151, %dma_start3A_248, %dma_start3A_249] : memref<2x2x128xi32, #tpu.memory_space<vmem>> -> memref<1x2x128xi32, #tpu.memory_space<vmem>>
        %dma_start3A_251 = tpu.memref_squeeze %dma_start3A_250 : memref<1x2x128xi32, #tpu.memory_space<vmem>> -> memref<2x128xi32, #tpu.memory_space<vmem>>
        %dma_start3A_252 = arith.constant 0 : i32
        %dma_start3A_253 = tpu.memref_slice %arg3[%add3A_145, %dma_start3A_252] : memref<2560x128xi32, #tpu.memory_space<hbm>> -> memref<2x128xi32, #tpu.memory_space<hbm>>
        %dma_start3A_254 = arith.constant 0 : i32
        %dma_start3A_255 = arith.constant 0 : i32
        %dma_start3A_256 = tpu.memref_slice %arg10[%run_scoped3A_151, %dma_start3A_254, %dma_start3A_255] : memref<2x2x128xi32, #tpu.memory_space<vmem>> -> memref<1x2x128xi32, #tpu.memory_space<vmem>>
        %dma_start3A_257 = tpu.memref_squeeze %dma_start3A_256 : memref<1x2x128xi32, #tpu.memory_space<vmem>> -> memref<2x128xi32, #tpu.memory_space<vmem>>
        %dma_start3A_258 = arith.constant 0 : i32
        %dma_start3A_259 = tpu.memref_slice %arg3[%add3A_145, %dma_start3A_258] : memref<2560x128xi32, #tpu.memory_space<hbm>> -> memref<2x128xi32, #tpu.memory_space<hbm>>
        tpu.enqueue_dma source(%dma_start3A_259 : memref<2x128xi32, #tpu.memory_space<hbm>>) target(%dma_start3A_257 : memref<2x128xi32, #tpu.memory_space<vmem>>) target_semaphore(%run_scoped3A_247 : memref<!tpu.dma_semaphore, #tpu.memory_space<semaphore_mem>>)
        %dma_wait3A_260 = arith.constant 0 : i32
        %dma_wait3A_261 = arith.constant 0 : i32
        %dma_wait3A_262 = tpu.memref_slice %arg10[%run_scoped3A_151, %dma_wait3A_260, %dma_wait3A_261] : memref<2x2x128xi32, #tpu.memory_space<vmem>> -> memref<1x2x128xi32, #tpu.memory_space<vmem>>
        %dma_wait3A_263 = tpu.memref_squeeze %dma_wait3A_262 : memref<1x2x128xi32, #tpu.memory_space<vmem>> -> memref<2x128xi32, #tpu.memory_space<vmem>>
        %dma_wait3A_264 = arith.constant 0 : i32
        %dma_wait3A_265 = tpu.memref_slice %arg3[%add3A_145, %dma_wait3A_264] : memref<2560x128xi32, #tpu.memory_space<hbm>> -> memref<2x128xi32, #tpu.memory_space<hbm>>
        %dma_wait3A_266 = arith.constant 0 : i32
        %dma_wait3A_267 = arith.constant 0 : i32
        %dma_wait3A_268 = tpu.memref_slice %arg10[%run_scoped3A_151, %dma_wait3A_266, %dma_wait3A_267] : memref<2x2x128xi32, #tpu.memory_space<vmem>> -> memref<1x2x128xi32, #tpu.memory_space<vmem>>
        %dma_wait3A_269 = tpu.memref_squeeze %dma_wait3A_268 : memref<1x2x128xi32, #tpu.memory_space<vmem>> -> memref<2x128xi32, #tpu.memory_space<vmem>>
        %dma_wait3A_270 = arith.constant 0 : i32
        %dma_wait3A_271 = tpu.memref_slice %arg3[%add3A_145, %dma_wait3A_270] : memref<2560x128xi32, #tpu.memory_space<hbm>> -> memref<2x128xi32, #tpu.memory_space<hbm>>
        tpu.wait_dma2 semaphore(%run_scoped3A_247 : memref<!tpu.dma_semaphore, #tpu.memory_space<semaphore_mem>>) src(%dma_wait3A_271 : memref<2x128xi32, #tpu.memory_space<hbm>>) dst(%dma_wait3A_269 : memref<2x128xi32, #tpu.memory_space<vmem>>)
        tpu.yield
      }) : () -> ()
      %run_scoped3A_152 = arith.constant 1 : i32
      "tpu.region"() ({
        %run_scoped3A_247 = tpu.sem_alloc : memref<!tpu.dma_semaphore, #tpu.memory_space<semaphore_mem>>
        %dma_start3A_248 = arith.constant 0 : i32
        %dma_start3A_249 = arith.constant 0 : i32
        %dma_start3A_250 = tpu.memref_slice %arg11[%run_scoped3A_152, %dma_start3A_248, %dma_start3A_249] : memref<2x2x128xi32, #tpu.memory_space<vmem>> -> memref<1x2x128xi32, #tpu.memory_space<vmem>>
        %dma_start3A_251 = tpu.memref_squeeze %dma_start3A_250 : memref<1x2x128xi32, #tpu.memory_space<vmem>> -> memref<2x128xi32, #tpu.memory_space<vmem>>
        %dma_start3A_252 = arith.constant 0 : i32
        %dma_start3A_253 = tpu.memref_slice %arg4[%add3A_145, %dma_start3A_252] : memref<2560x128xi32, #tpu.memory_space<hbm>> -> memref<2x128xi32, #tpu.memory_space<hbm>>
        %dma_start3A_254 = arith.constant 0 : i32
        %dma_start3A_255 = arith.constant 0 : i32
        %dma_start3A_256 = tpu.memref_slice %arg11[%run_scoped3A_152, %dma_start3A_254, %dma_start3A_255] : memref<2x2x128xi32, #tpu.memory_space<vmem>> -> memref<1x2x128xi32, #tpu.memory_space<vmem>>
        %dma_start3A_257 = tpu.memref_squeeze %dma_start3A_256 : memref<1x2x128xi32, #tpu.memory_space<vmem>> -> memref<2x128xi32, #tpu.memory_space<vmem>>
        %dma_start3A_258 = arith.constant 0 : i32
        %dma_start3A_259 = tpu.memref_slice %arg4[%add3A_145, %dma_start3A_258] : memref<2560x128xi32, #tpu.memory_space<hbm>> -> memref<2x128xi32, #tpu.memory_space<hbm>>
        tpu.enqueue_dma source(%dma_start3A_259 : memref<2x128xi32, #tpu.memory_space<hbm>>) target(%dma_start3A_257 : memref<2x128xi32, #tpu.memory_space<vmem>>) target_semaphore(%run_scoped3A_247 : memref<!tpu.dma_semaphore, #tpu.memory_space<semaphore_mem>>)
        %dma_wait3A_260 = arith.constant 0 : i32
        %dma_wait3A_261 = arith.constant 0 : i32
        %dma_wait3A_262 = tpu.memref_slice %arg11[%run_scoped3A_152, %dma_wait3A_260, %dma_wait3A_261] : memref<2x2x128xi32, #tpu.memory_space<vmem>> -> memref<1x2x128xi32, #tpu.memory_space<vmem>>
        %dma_wait3A_263 = tpu.memref_squeeze %dma_wait3A_262 : memref<1x2x128xi32, #tpu.memory_space<vmem>> -> memref<2x128xi32, #tpu.memory_space<vmem>>
        %dma_wait3A_264 = arith.constant 0 : i32
        %dma_wait3A_265 = tpu.memref_slice %arg4[%add3A_145, %dma_wait3A_264] : memref<2560x128xi32, #tpu.memory_space<hbm>> -> memref<2x128xi32, #tpu.memory_space<hbm>>
        %dma_wait3A_266 = arith.constant 0 : i32
        %dma_wait3A_267 = arith.constant 0 : i32
        %dma_wait3A_268 = tpu.memref_slice %arg11[%run_scoped3A_152, %dma_wait3A_266, %dma_wait3A_267] : memref<2x2x128xi32, #tpu.memory_space<vmem>> -> memref<1x2x128xi32, #tpu.memory_space<vmem>>
        %dma_wait3A_269 = tpu.memref_squeeze %dma_wait3A_268 : memref<1x2x128xi32, #tpu.memory_space<vmem>> -> memref<2x128xi32, #tpu.memory_space<vmem>>
        %dma_wait3A_270 = arith.constant 0 : i32
        %dma_wait3A_271 = tpu.memref_slice %arg4[%add3A_145, %dma_wait3A_270] : memref<2560x128xi32, #tpu.memory_space<hbm>> -> memref<2x128xi32, #tpu.memory_space<hbm>>
        tpu.wait_dma2 semaphore(%run_scoped3A_247 : memref<!tpu.dma_semaphore, #tpu.memory_space<semaphore_mem>>) src(%dma_wait3A_271 : memref<2x128xi32, #tpu.memory_space<hbm>>) dst(%dma_wait3A_269 : memref<2x128xi32, #tpu.memory_space<vmem>>)
        tpu.yield
      }) : () -> ()
      %dma_start3A_153 = arith.constant 1 : i32
      %dma_start3A_154 = arith.constant 0 : i32
      %dma_start3A_155 = arith.constant 0 : i32
      %dma_start3A_156 = arith.constant 0 : i32
      %dma_start3A_157 = arith.constant 0 : i32
      %dma_start3A_158 = tpu.memref_slice %arg13[%dma_start3A_155, %dma_start3A_156, %dma_start3A_157] : memref<2x128x64xf32, #tpu.memory_space<vmem>> -> memref<1x128x64xf32, #tpu.memory_space<vmem>>
      %dma_start3A_159 = tpu.memref_squeeze %dma_start3A_158 : memref<1x128x64xf32, #tpu.memory_space<vmem>> -> memref<128x64xf32, #tpu.memory_space<vmem>>
      %dma_start3A_160 = arith.constant 0 : i32
      %dma_start3A_161 = tpu.memref_slice %arg10[%dma_start3A_153, %dma_start3A_154, %dma_start3A_160] : memref<2x2x128xi32, #tpu.memory_space<vmem>> -> memref<1x1x128xi32, #tpu.memory_space<vmem>>
      %dma_start3A_162 = tpu.memref_squeeze %dma_start3A_161 : memref<1x1x128xi32, #tpu.memory_space<vmem>> -> memref<128xi32, #tpu.memory_space<vmem>>
      %dma_start3A_163 = arith.constant 0 : i32
      %dma_start3A_164 = arith.constant 0 : i32
      %dma_start3A_165 = tpu.memref_slice %arg14[%dma_start3A_163, %dma_start3A_164] : memref<10000x64xf32, #tpu.memory_space<vmem_shared>> -> memref<10000x64xf32, #tpu.memory_space<vmem_shared>>
      tpu.enqueue_indirect_dma source(%dma_start3A_165 : memref<10000x64xf32, #tpu.memory_space<vmem_shared>>) target(%dma_start3A_159 : memref<128x64xf32, #tpu.memory_space<vmem>>) offsets(%dma_start3A_162 : memref<128xi32, #tpu.memory_space<vmem>>) semaphore(%arg16 : memref<!tpu.dma_semaphore, #tpu.memory_space<semaphore_mem>>)
      %dma_start3A_166 = arith.constant 1 : i32
      %dma_start3A_167 = arith.constant 1 : i32
      %dma_start3A_168 = arith.constant 1 : i32
      %dma_start3A_169 = arith.constant 0 : i32
      %dma_start3A_170 = arith.constant 0 : i32
      %dma_start3A_171 = tpu.memref_slice %arg13[%dma_start3A_168, %dma_start3A_169, %dma_start3A_170] : memref<2x128x64xf32, #tpu.memory_space<vmem>> -> memref<1x128x64xf32, #tpu.memory_space<vmem>>
      %dma_start3A_172 = tpu.memref_squeeze %dma_start3A_171 : memref<1x128x64xf32, #tpu.memory_space<vmem>> -> memref<128x64xf32, #tpu.memory_space<vmem>>
      %dma_start3A_173 = arith.constant 0 : i32
      %dma_start3A_174 = tpu.memref_slice %arg10[%dma_start3A_166, %dma_start3A_167, %dma_start3A_173] : memref<2x2x128xi32, #tpu.memory_space<vmem>> -> memref<1x1x128xi32, #tpu.memory_space<vmem>>
      %dma_start3A_175 = tpu.memref_squeeze %dma_start3A_174 : memref<1x1x128xi32, #tpu.memory_space<vmem>> -> memref<128xi32, #tpu.memory_space<vmem>>
      %dma_start3A_176 = arith.constant 0 : i32
      %dma_start3A_177 = arith.constant 0 : i32
      %dma_start3A_178 = tpu.memref_slice %arg14[%dma_start3A_176, %dma_start3A_177] : memref<10000x64xf32, #tpu.memory_space<vmem_shared>> -> memref<10000x64xf32, #tpu.memory_space<vmem_shared>>
      tpu.enqueue_indirect_dma source(%dma_start3A_178 : memref<10000x64xf32, #tpu.memory_space<vmem_shared>>) target(%dma_start3A_172 : memref<128x64xf32, #tpu.memory_space<vmem>>) offsets(%dma_start3A_175 : memref<128xi32, #tpu.memory_space<vmem>>) semaphore(%arg16 : memref<!tpu.dma_semaphore, #tpu.memory_space<semaphore_mem>>)
      %dma_wait3A_179 = arith.constant 1 : i32
      %dma_wait3A_180 = arith.constant 0 : i32
      %dma_wait3A_181 = arith.constant 0 : i32
      %dma_wait3A_182 = arith.constant 0 : i32
      %dma_wait3A_183 = arith.constant 0 : i32
      %dma_wait3A_184 = tpu.memref_slice %arg13[%dma_wait3A_181, %dma_wait3A_182, %dma_wait3A_183] : memref<2x128x64xf32, #tpu.memory_space<vmem>> -> memref<1x128x64xf32, #tpu.memory_space<vmem>>
      %dma_wait3A_185 = tpu.memref_squeeze %dma_wait3A_184 : memref<1x128x64xf32, #tpu.memory_space<vmem>> -> memref<128x64xf32, #tpu.memory_space<vmem>>
      %dma_wait3A_186 = arith.constant 0 : i32
      %dma_wait3A_187 = tpu.memref_slice %arg10[%dma_wait3A_179, %dma_wait3A_180, %dma_wait3A_186] : memref<2x2x128xi32, #tpu.memory_space<vmem>> -> memref<1x1x128xi32, #tpu.memory_space<vmem>>
      %dma_wait3A_188 = tpu.memref_squeeze %dma_wait3A_187 : memref<1x1x128xi32, #tpu.memory_space<vmem>> -> memref<128xi32, #tpu.memory_space<vmem>>
      %dma_wait3A_189 = arith.constant 0 : i32
      %dma_wait3A_190 = arith.constant 0 : i32
      %dma_wait3A_191 = tpu.memref_slice %arg14[%dma_wait3A_189, %dma_wait3A_190] : memref<10000x64xf32, #tpu.memory_space<vmem_shared>> -> memref<10000x64xf32, #tpu.memory_space<vmem_shared>>
      tpu.wait_indirect_dma semaphore(%arg16 : memref<!tpu.dma_semaphore, #tpu.memory_space<semaphore_mem>>) src(%dma_wait3A_191 : memref<10000x64xf32, #tpu.memory_space<vmem_shared>>) dst(%dma_wait3A_185 : memref<128x64xf32, #tpu.memory_space<vmem>>)
      %dma_wait3A_192 = arith.constant 1 : i32
      %dma_wait3A_193 = arith.constant 1 : i32
      %dma_wait3A_194 = arith.constant 1 : i32
      %dma_wait3A_195 = arith.constant 0 : i32
      %dma_wait3A_196 = arith.constant 0 : i32
      %dma_wait3A_197 = tpu.memref_slice %arg13[%dma_wait3A_194, %dma_wait3A_195, %dma_wait3A_196] : memref<2x128x64xf32, #tpu.memory_space<vmem>> -> memref<1x128x64xf32, #tpu.memory_space<vmem>>
      %dma_wait3A_198 = tpu.memref_squeeze %dma_wait3A_197 : memref<1x128x64xf32, #tpu.memory_space<vmem>> -> memref<128x64xf32, #tpu.memory_space<vmem>>
      %dma_wait3A_199 = arith.constant 0 : i32
      %dma_wait3A_200 = tpu.memref_slice %arg10[%dma_wait3A_192, %dma_wait3A_193, %dma_wait3A_199] : memref<2x2x128xi32, #tpu.memory_space<vmem>> -> memref<1x1x128xi32, #tpu.memory_space<vmem>>
      %dma_wait3A_201 = tpu.memref_squeeze %dma_wait3A_200 : memref<1x1x128xi32, #tpu.memory_space<vmem>> -> memref<128xi32, #tpu.memory_space<vmem>>
      %dma_wait3A_202 = arith.constant 0 : i32
      %dma_wait3A_203 = arith.constant 0 : i32
      %dma_wait3A_204 = tpu.memref_slice %arg14[%dma_wait3A_202, %dma_wait3A_203] : memref<10000x64xf32, #tpu.memory_space<vmem_shared>> -> memref<10000x64xf32, #tpu.memory_space<vmem_shared>>
      tpu.wait_indirect_dma semaphore(%arg16 : memref<!tpu.dma_semaphore, #tpu.memory_space<semaphore_mem>>) src(%dma_wait3A_204 : memref<10000x64xf32, #tpu.memory_space<vmem_shared>>) dst(%dma_wait3A_198 : memref<128x64xf32, #tpu.memory_space<vmem>>)
      %dma_start3A_205 = arith.constant 0 : i32
      %dma_start3A_206 = arith.constant 1 : i32
      %dma_start3A_207 = arith.constant 0 : i32
      %dma_start3A_208 = arith.constant 0 : i32
      %dma_start3A_209 = arith.constant 0 : i32
      %dma_start3A_210 = tpu.memref_slice %arg13[%dma_start3A_205, %dma_start3A_208, %dma_start3A_209] : memref<2x128x64xf32, #tpu.memory_space<vmem>> -> memref<1x128x64xf32, #tpu.memory_space<vmem>>
      %dma_start3A_211 = tpu.memref_squeeze %dma_start3A_210 : memref<1x128x64xf32, #tpu.memory_space<vmem>> -> memref<128x64xf32, #tpu.memory_space<vmem>>
      %dma_start3A_212 = arith.constant 0 : i32
      %dma_start3A_213 = tpu.memref_slice %arg11[%dma_start3A_206, %dma_start3A_207, %dma_start3A_212] : memref<2x2x128xi32, #tpu.memory_space<vmem>> -> memref<1x1x128xi32, #tpu.memory_space<vmem>>
      %dma_start3A_214 = tpu.memref_squeeze %dma_start3A_213 : memref<1x1x128xi32, #tpu.memory_space<vmem>> -> memref<128xi32, #tpu.memory_space<vmem>>
      %dma_start3A_215 = arith.constant 0 : i32
      %dma_start3A_216 = arith.constant 0 : i32
      %dma_start3A_217 = tpu.memref_slice %arg15[%dma_start3A_215, %dma_start3A_216] : memref<10112x64xf32, #tpu.memory_space<vmem_shared>> -> memref<10112x64xf32, #tpu.memory_space<vmem_shared>>
      tpu.enqueue_indirect_dma source(%dma_start3A_211 : memref<128x64xf32, #tpu.memory_space<vmem>>) target(%dma_start3A_217 : memref<10112x64xf32, #tpu.memory_space<vmem_shared>>) offsets(%dma_start3A_214 : memref<128xi32, #tpu.memory_space<vmem>>) semaphore(%arg18 : memref<!tpu.dma_semaphore, #tpu.memory_space<semaphore_mem>>) {add = true}
      %dma_start3A_218 = arith.constant 1 : i32
      %dma_start3A_219 = arith.constant 0 : i32
      %dma_start3A_220 = arith.constant 0 : i32
      %dma_start3A_221 = tpu.memref_slice %arg11[%dma_start3A_218, %dma_start3A_219, %dma_start3A_220] : memref<2x2x128xi32, #tpu.memory_space<vmem>> -> memref<1x1x128xi32, #tpu.memory_space<vmem>>
      %dma_start3A_222 = tpu.memref_squeeze %dma_start3A_221 : memref<1x1x128xi32, #tpu.memory_space<vmem>> -> memref<128xi32, #tpu.memory_space<vmem>>
      %dma_start3A_223 = arith.constant 0 : i32
      %dma_start3A_224 = arith.constant 0 : i32
      %dma_start3A_225 = tpu.memref_slice %arg20[%dma_start3A_223, %dma_start3A_224] : memref<10112x16xf32, #tpu.memory_space<vmem_shared>> -> memref<10112x16xf32, #tpu.memory_space<vmem_shared>>
      tpu.enqueue_indirect_dma source(%arg19 : memref<128x16xf32, #tpu.memory_space<vmem>>) target(%dma_start3A_225 : memref<10112x16xf32, #tpu.memory_space<vmem_shared>>) offsets(%dma_start3A_222 : memref<128xi32, #tpu.memory_space<vmem>>) semaphore(%arg21 : memref<!tpu.dma_semaphore, #tpu.memory_space<semaphore_mem>>) {add = true}
      %dma_start3A_226 = arith.constant 1 : i32
      %dma_start3A_227 = arith.constant 1 : i32
      %dma_start3A_228 = arith.constant 1 : i32
      %dma_start3A_229 = arith.constant 0 : i32
      %dma_start3A_230 = arith.constant 0 : i32
      %dma_start3A_231 = tpu.memref_slice %arg13[%dma_start3A_226, %dma_start3A_229, %dma_start3A_230] : memref<2x128x64xf32, #tpu.memory_space<vmem>> -> memref<1x128x64xf32, #tpu.memory_space<vmem>>
      %dma_start3A_232 = tpu.memref_squeeze %dma_start3A_231 : memref<1x128x64xf32, #tpu.memory_space<vmem>> -> memref<128x64xf32, #tpu.memory_space<vmem>>
      %dma_start3A_233 = arith.constant 0 : i32
      %dma_start3A_234 = tpu.memref_slice %arg11[%dma_start3A_227, %dma_start3A_228, %dma_start3A_233] : memref<2x2x128xi32, #tpu.memory_space<vmem>> -> memref<1x1x128xi32, #tpu.memory_space<vmem>>
      %dma_start3A_235 = tpu.memref_squeeze %dma_start3A_234 : memref<1x1x128xi32, #tpu.memory_space<vmem>> -> memref<128xi32, #tpu.memory_space<vmem>>
      %dma_start3A_236 = arith.constant 0 : i32
      %dma_start3A_237 = arith.constant 0 : i32
      %dma_start3A_238 = tpu.memref_slice %arg15[%dma_start3A_236, %dma_start3A_237] : memref<10112x64xf32, #tpu.memory_space<vmem_shared>> -> memref<10112x64xf32, #tpu.memory_space<vmem_shared>>
      tpu.enqueue_indirect_dma source(%dma_start3A_232 : memref<128x64xf32, #tpu.memory_space<vmem>>) target(%dma_start3A_238 : memref<10112x64xf32, #tpu.memory_space<vmem_shared>>) offsets(%dma_start3A_235 : memref<128xi32, #tpu.memory_space<vmem>>) semaphore(%arg18 : memref<!tpu.dma_semaphore, #tpu.memory_space<semaphore_mem>>) {add = true}
      %dma_start3A_239 = arith.constant 1 : i32
      %dma_start3A_240 = arith.constant 1 : i32
      %dma_start3A_241 = arith.constant 0 : i32
      %dma_start3A_242 = tpu.memref_slice %arg11[%dma_start3A_239, %dma_start3A_240, %dma_start3A_241] : memref<2x2x128xi32, #tpu.memory_space<vmem>> -> memref<1x1x128xi32, #tpu.memory_space<vmem>>
      %dma_start3A_243 = tpu.memref_squeeze %dma_start3A_242 : memref<1x1x128xi32, #tpu.memory_space<vmem>> -> memref<128xi32, #tpu.memory_space<vmem>>
      %dma_start3A_244 = arith.constant 0 : i32
      %dma_start3A_245 = arith.constant 0 : i32
      %dma_start3A_246 = tpu.memref_slice %arg20[%dma_start3A_244, %dma_start3A_245] : memref<10112x16xf32, #tpu.memory_space<vmem_shared>> -> memref<10112x16xf32, #tpu.memory_space<vmem_shared>>
      tpu.enqueue_indirect_dma source(%arg19 : memref<128x16xf32, #tpu.memory_space<vmem>>) target(%dma_start3A_246 : memref<10112x16xf32, #tpu.memory_space<vmem_shared>>) offsets(%dma_start3A_243 : memref<128xi32, #tpu.memory_space<vmem>>) semaphore(%arg21 : memref<!tpu.dma_semaphore, #tpu.memory_space<semaphore_mem>>) {add = true}
    }
    %while3A_25 = arith.constant 1 : i32
    scf.for %while3A_37 = %while3A_23 to %while3A_19 step %while3A_25  : i32 {
      %mul3A_38 = arith.constant 4 : i32
      %mul3A_39 = arith.muli %while3A_37, %mul3A_38 : i32
      %add3A_40 = arith.addi %select_n3A, %mul3A_39 : i32
      %add3A_41 = arith.constant 0 : i32
      %add3A_42 = arith.addi %add3A_40, %add3A_41 : i32
      %gt3A_43 = arith.constant 0 : i32
      %gt3A_44 = arith.cmpi sgt, %while3A_37, %gt3A_43 : i32
      %convert_element_type3A_45 = arith.extui %gt3A_44 : i1 to i32
      %cond3A_46 = arith.constant 0 : i32
      %cond3A_47 = arith.cmpi ne, %convert_element_type3A_45, %cond3A_46 : i32
      scf.if %cond3A_47 {
        %dma_wait3A_247 = arith.constant 0 : i32
        %dma_wait3A_248 = arith.constant 0 : i32
        %dma_wait3A_249 = arith.constant 0 : i32
        %dma_wait3A_250 = tpu.memref_slice %arg12[%dma_wait3A_247, %dma_wait3A_248, %dma_wait3A_249] : memref<2x128x64xf32, #tpu.memory_space<vmem>> -> memref<1x128x64xf32, #tpu.memory_space<vmem>>
        %dma_wait3A_251 = tpu.memref_squeeze %dma_wait3A_250 : memref<1x128x64xf32, #tpu.memory_space<vmem>> -> memref<128x64xf32, #tpu.memory_space<vmem>>
        %dma_wait3A_252 = arith.constant 0 : i32
        %dma_wait3A_253 = arith.constant 0 : i32
        %dma_wait3A_254 = tpu.memref_slice %arg2[%dma_wait3A_252, %dma_wait3A_253] : memref<10000x64xf32, #tpu.memory_space<hbm>> -> memref<128x64xf32, #tpu.memory_space<hbm>>
        %dma_wait3A_255 = arith.constant 0 : i32
        %dma_wait3A_256 = arith.constant 0 : i32
        %dma_wait3A_257 = tpu.memref_slice %arg12[%dma_wait3A_247, %dma_wait3A_255, %dma_wait3A_256] : memref<2x128x64xf32, #tpu.memory_space<vmem>> -> memref<1x128x64xf32, #tpu.memory_space<vmem>>
        %dma_wait3A_258 = tpu.memref_squeeze %dma_wait3A_257 : memref<1x128x64xf32, #tpu.memory_space<vmem>> -> memref<128x64xf32, #tpu.memory_space<vmem>>
        %dma_wait3A_259 = arith.constant 0 : i32
        %dma_wait3A_260 = arith.constant 0 : i32
        %dma_wait3A_261 = tpu.memref_slice %arg2[%dma_wait3A_259, %dma_wait3A_260] : memref<10000x64xf32, #tpu.memory_space<hbm>> -> memref<128x64xf32, #tpu.memory_space<hbm>>
        tpu.wait_dma2 semaphore(%arg17 : memref<!tpu.dma_semaphore, #tpu.memory_space<semaphore_mem>>) src(%dma_wait3A_261 : memref<128x64xf32, #tpu.memory_space<hbm>>) dst(%dma_wait3A_258 : memref<128x64xf32, #tpu.memory_space<vmem>>)
        %dma_wait3A_262 = arith.constant 0 : i32
        %dma_wait3A_263 = arith.constant 0 : i32
        %dma_wait3A_264 = tpu.memref_slice %arg6[%dma_wait3A_262, %dma_wait3A_263] : memref<632x16xf32, #tpu.memory_space<hbm>> -> memref<128x16xf32, #tpu.memory_space<hbm>>
        %dma_wait3A_265 = arith.constant 0 : i32
        %dma_wait3A_266 = arith.constant 0 : i32
        %dma_wait3A_267 = tpu.memref_slice %arg6[%dma_wait3A_265, %dma_wait3A_266] : memref<632x16xf32, #tpu.memory_space<hbm>> -> memref<128x16xf32, #tpu.memory_space<hbm>>
        tpu.wait_dma2 semaphore(%arg21 : memref<!tpu.dma_semaphore, #tpu.memory_space<semaphore_mem>>) src(%dma_wait3A_267 : memref<128x16xf32, #tpu.memory_space<hbm>>) dst(%arg19 : memref<128x16xf32, #tpu.memory_space<vmem>>)
        %dma_wait3A_268 = arith.constant 1 : i32
        %dma_wait3A_269 = arith.constant 0 : i32
        %dma_wait3A_270 = arith.constant 0 : i32
        %dma_wait3A_271 = tpu.memref_slice %arg12[%dma_wait3A_268, %dma_wait3A_269, %dma_wait3A_270] : memref<2x128x64xf32, #tpu.memory_space<vmem>> -> memref<1x128x64xf32, #tpu.memory_space<vmem>>
        %dma_wait3A_272 = tpu.memref_squeeze %dma_wait3A_271 : memref<1x128x64xf32, #tpu.memory_space<vmem>> -> memref<128x64xf32, #tpu.memory_space<vmem>>
        %dma_wait3A_273 = arith.constant 0 : i32
        %dma_wait3A_274 = arith.constant 0 : i32
        %dma_wait3A_275 = tpu.memref_slice %arg2[%dma_wait3A_273, %dma_wait3A_274] : memref<10000x64xf32, #tpu.memory_space<hbm>> -> memref<128x64xf32, #tpu.memory_space<hbm>>
        %dma_wait3A_276 = arith.constant 0 : i32
        %dma_wait3A_277 = arith.constant 0 : i32
        %dma_wait3A_278 = tpu.memref_slice %arg12[%dma_wait3A_268, %dma_wait3A_276, %dma_wait3A_277] : memref<2x128x64xf32, #tpu.memory_space<vmem>> -> memref<1x128x64xf32, #tpu.memory_space<vmem>>
        %dma_wait3A_279 = tpu.memref_squeeze %dma_wait3A_278 : memref<1x128x64xf32, #tpu.memory_space<vmem>> -> memref<128x64xf32, #tpu.memory_space<vmem>>
        %dma_wait3A_280 = arith.constant 0 : i32
        %dma_wait3A_281 = arith.constant 0 : i32
        %dma_wait3A_282 = tpu.memref_slice %arg2[%dma_wait3A_280, %dma_wait3A_281] : memref<10000x64xf32, #tpu.memory_space<hbm>> -> memref<128x64xf32, #tpu.memory_space<hbm>>
        tpu.wait_dma2 semaphore(%arg17 : memref<!tpu.dma_semaphore, #tpu.memory_space<semaphore_mem>>) src(%dma_wait3A_282 : memref<128x64xf32, #tpu.memory_space<hbm>>) dst(%dma_wait3A_279 : memref<128x64xf32, #tpu.memory_space<vmem>>)
        %dma_wait3A_283 = arith.constant 0 : i32
        %dma_wait3A_284 = arith.constant 0 : i32
        %dma_wait3A_285 = tpu.memref_slice %arg6[%dma_wait3A_283, %dma_wait3A_284] : memref<632x16xf32, #tpu.memory_space<hbm>> -> memref<128x16xf32, #tpu.memory_space<hbm>>
        %dma_wait3A_286 = arith.constant 0 : i32
        %dma_wait3A_287 = arith.constant 0 : i32
        %dma_wait3A_288 = tpu.memref_slice %arg6[%dma_wait3A_286, %dma_wait3A_287] : memref<632x16xf32, #tpu.memory_space<hbm>> -> memref<128x16xf32, #tpu.memory_space<hbm>>
        tpu.wait_dma2 semaphore(%arg21 : memref<!tpu.dma_semaphore, #tpu.memory_space<semaphore_mem>>) src(%dma_wait3A_288 : memref<128x16xf32, #tpu.memory_space<hbm>>) dst(%arg19 : memref<128x16xf32, #tpu.memory_space<vmem>>)
      } else {
      }
      %run_scoped3A = arith.constant 0 : i32
      "tpu.region"() ({
        %run_scoped3A_247 = tpu.sem_alloc : memref<!tpu.dma_semaphore, #tpu.memory_space<semaphore_mem>>
        %dma_start3A_248 = arith.constant 0 : i32
        %dma_start3A_249 = arith.constant 0 : i32
        %dma_start3A_250 = tpu.memref_slice %arg10[%run_scoped3A, %dma_start3A_248, %dma_start3A_249] : memref<2x2x128xi32, #tpu.memory_space<vmem>> -> memref<1x2x128xi32, #tpu.memory_space<vmem>>
        %dma_start3A_251 = tpu.memref_squeeze %dma_start3A_250 : memref<1x2x128xi32, #tpu.memory_space<vmem>> -> memref<2x128xi32, #tpu.memory_space<vmem>>
        %dma_start3A_252 = arith.constant 0 : i32
        %dma_start3A_253 = tpu.memref_slice %arg3[%add3A_42, %dma_start3A_252] : memref<2560x128xi32, #tpu.memory_space<hbm>> -> memref<2x128xi32, #tpu.memory_space<hbm>>
        %dma_start3A_254 = arith.constant 0 : i32
        %dma_start3A_255 = arith.constant 0 : i32
        %dma_start3A_256 = tpu.memref_slice %arg10[%run_scoped3A, %dma_start3A_254, %dma_start3A_255] : memref<2x2x128xi32, #tpu.memory_space<vmem>> -> memref<1x2x128xi32, #tpu.memory_space<vmem>>
        %dma_start3A_257 = tpu.memref_squeeze %dma_start3A_256 : memref<1x2x128xi32, #tpu.memory_space<vmem>> -> memref<2x128xi32, #tpu.memory_space<vmem>>
        %dma_start3A_258 = arith.constant 0 : i32
        %dma_start3A_259 = tpu.memref_slice %arg3[%add3A_42, %dma_start3A_258] : memref<2560x128xi32, #tpu.memory_space<hbm>> -> memref<2x128xi32, #tpu.memory_space<hbm>>
        tpu.enqueue_dma source(%dma_start3A_259 : memref<2x128xi32, #tpu.memory_space<hbm>>) target(%dma_start3A_257 : memref<2x128xi32, #tpu.memory_space<vmem>>) target_semaphore(%run_scoped3A_247 : memref<!tpu.dma_semaphore, #tpu.memory_space<semaphore_mem>>)
        %dma_wait3A_260 = arith.constant 0 : i32
        %dma_wait3A_261 = arith.constant 0 : i32
        %dma_wait3A_262 = tpu.memref_slice %arg10[%run_scoped3A, %dma_wait3A_260, %dma_wait3A_261] : memref<2x2x128xi32, #tpu.memory_space<vmem>> -> memref<1x2x128xi32, #tpu.memory_space<vmem>>
        %dma_wait3A_263 = tpu.memref_squeeze %dma_wait3A_262 : memref<1x2x128xi32, #tpu.memory_space<vmem>> -> memref<2x128xi32, #tpu.memory_space<vmem>>
        %dma_wait3A_264 = arith.constant 0 : i32
        %dma_wait3A_265 = tpu.memref_slice %arg3[%add3A_42, %dma_wait3A_264] : memref<2560x128xi32, #tpu.memory_space<hbm>> -> memref<2x128xi32, #tpu.memory_space<hbm>>
        %dma_wait3A_266 = arith.constant 0 : i32
        %dma_wait3A_267 = arith.constant 0 : i32
        %dma_wait3A_268 = tpu.memref_slice %arg10[%run_scoped3A, %dma_wait3A_266, %dma_wait3A_267] : memref<2x2x128xi32, #tpu.memory_space<vmem>> -> memref<1x2x128xi32, #tpu.memory_space<vmem>>
        %dma_wait3A_269 = tpu.memref_squeeze %dma_wait3A_268 : memref<1x2x128xi32, #tpu.memory_space<vmem>> -> memref<2x128xi32, #tpu.memory_space<vmem>>
        %dma_wait3A_270 = arith.constant 0 : i32
        %dma_wait3A_271 = tpu.memref_slice %arg3[%add3A_42, %dma_wait3A_270] : memref<2560x128xi32, #tpu.memory_space<hbm>> -> memref<2x128xi32, #tpu.memory_space<hbm>>
        tpu.wait_dma2 semaphore(%run_scoped3A_247 : memref<!tpu.dma_semaphore, #tpu.memory_space<semaphore_mem>>) src(%dma_wait3A_271 : memref<2x128xi32, #tpu.memory_space<hbm>>) dst(%dma_wait3A_269 : memref<2x128xi32, #tpu.memory_space<vmem>>)
        tpu.yield
      }) : () -> ()
      %run_scoped3A_48 = arith.constant 0 : i32
      "tpu.region"() ({
        %run_scoped3A_247 = tpu.sem_alloc : memref<!tpu.dma_semaphore, #tpu.memory_space<semaphore_mem>>
        %dma_start3A_248 = arith.constant 0 : i32
        %dma_start3A_249 = arith.constant 0 : i32
        %dma_start3A_250 = tpu.memref_slice %arg11[%run_scoped3A_48, %dma_start3A_248, %dma_start3A_249] : memref<2x2x128xi32, #tpu.memory_space<vmem>> -> memref<1x2x128xi32, #tpu.memory_space<vmem>>
        %dma_start3A_251 = tpu.memref_squeeze %dma_start3A_250 : memref<1x2x128xi32, #tpu.memory_space<vmem>> -> memref<2x128xi32, #tpu.memory_space<vmem>>
        %dma_start3A_252 = arith.constant 0 : i32
        %dma_start3A_253 = tpu.memref_slice %arg4[%add3A_42, %dma_start3A_252] : memref<2560x128xi32, #tpu.memory_space<hbm>> -> memref<2x128xi32, #tpu.memory_space<hbm>>
        %dma_start3A_254 = arith.constant 0 : i32
        %dma_start3A_255 = arith.constant 0 : i32
        %dma_start3A_256 = tpu.memref_slice %arg11[%run_scoped3A_48, %dma_start3A_254, %dma_start3A_255] : memref<2x2x128xi32, #tpu.memory_space<vmem>> -> memref<1x2x128xi32, #tpu.memory_space<vmem>>
        %dma_start3A_257 = tpu.memref_squeeze %dma_start3A_256 : memref<1x2x128xi32, #tpu.memory_space<vmem>> -> memref<2x128xi32, #tpu.memory_space<vmem>>
        %dma_start3A_258 = arith.constant 0 : i32
        %dma_start3A_259 = tpu.memref_slice %arg4[%add3A_42, %dma_start3A_258] : memref<2560x128xi32, #tpu.memory_space<hbm>> -> memref<2x128xi32, #tpu.memory_space<hbm>>
        tpu.enqueue_dma source(%dma_start3A_259 : memref<2x128xi32, #tpu.memory_space<hbm>>) target(%dma_start3A_257 : memref<2x128xi32, #tpu.memory_space<vmem>>) target_semaphore(%run_scoped3A_247 : memref<!tpu.dma_semaphore, #tpu.memory_space<semaphore_mem>>)
        %dma_wait3A_260 = arith.constant 0 : i32
        %dma_wait3A_261 = arith.constant 0 : i32
        %dma_wait3A_262 = tpu.memref_slice %arg11[%run_scoped3A_48, %dma_wait3A_260, %dma_wait3A_261] : memref<2x2x128xi32, #tpu.memory_space<vmem>> -> memref<1x2x128xi32, #tpu.memory_space<vmem>>
        %dma_wait3A_263 = tpu.memref_squeeze %dma_wait3A_262 : memref<1x2x128xi32, #tpu.memory_space<vmem>> -> memref<2x128xi32, #tpu.memory_space<vmem>>
        %dma_wait3A_264 = arith.constant 0 : i32
        %dma_wait3A_265 = tpu.memref_slice %arg4[%add3A_42, %dma_wait3A_264] : memref<2560x128xi32, #tpu.memory_space<hbm>> -> memref<2x128xi32, #tpu.memory_space<hbm>>
        %dma_wait3A_266 = arith.constant 0 : i32
        %dma_wait3A_267 = arith.constant 0 : i32
        %dma_wait3A_268 = tpu.memref_slice %arg11[%run_scoped3A_48, %dma_wait3A_266, %dma_wait3A_267] : memref<2x2x128xi32, #tpu.memory_space<vmem>> -> memref<1x2x128xi32, #tpu.memory_space<vmem>>
        %dma_wait3A_269 = tpu.memref_squeeze %dma_wait3A_268 : memref<1x2x128xi32, #tpu.memory_space<vmem>> -> memref<2x128xi32, #tpu.memory_space<vmem>>
        %dma_wait3A_270 = arith.constant 0 : i32
        %dma_wait3A_271 = tpu.memref_slice %arg4[%add3A_42, %dma_wait3A_270] : memref<2560x128xi32, #tpu.memory_space<hbm>> -> memref<2x128xi32, #tpu.memory_space<hbm>>
        tpu.wait_dma2 semaphore(%run_scoped3A_247 : memref<!tpu.dma_semaphore, #tpu.memory_space<semaphore_mem>>) src(%dma_wait3A_271 : memref<2x128xi32, #tpu.memory_space<hbm>>) dst(%dma_wait3A_269 : memref<2x128xi32, #tpu.memory_space<vmem>>)
        tpu.yield
      }) : () -> ()
      %dma_start3A = arith.constant 0 : i32
      %dma_start3A_49 = arith.constant 0 : i32
      %dma_start3A_50 = arith.constant 0 : i32
      %dma_start3A_51 = arith.constant 0 : i32
      %dma_start3A_52 = arith.constant 0 : i32
      %dma_start3A_53 = tpu.memref_slice %arg12[%dma_start3A_50, %dma_start3A_51, %dma_start3A_52] : memref<2x128x64xf32, #tpu.memory_space<vmem>> -> memref<1x128x64xf32, #tpu.memory_space<vmem>>
      %dma_start3A_54 = tpu.memref_squeeze %dma_start3A_53 : memref<1x128x64xf32, #tpu.memory_space<vmem>> -> memref<128x64xf32, #tpu.memory_space<vmem>>
      %dma_start3A_55 = arith.constant 0 : i32
      %dma_start3A_56 = tpu.memref_slice %arg10[%dma_start3A, %dma_start3A_49, %dma_start3A_55] : memref<2x2x128xi32, #tpu.memory_space<vmem>> -> memref<1x1x128xi32, #tpu.memory_space<vmem>>
      %dma_start3A_57 = tpu.memref_squeeze %dma_start3A_56 : memref<1x1x128xi32, #tpu.memory_space<vmem>> -> memref<128xi32, #tpu.memory_space<vmem>>
      %dma_start3A_58 = arith.constant 0 : i32
      %dma_start3A_59 = arith.constant 0 : i32
      %dma_start3A_60 = tpu.memref_slice %arg14[%dma_start3A_58, %dma_start3A_59] : memref<10000x64xf32, #tpu.memory_space<vmem_shared>> -> memref<10000x64xf32, #tpu.memory_space<vmem_shared>>
      tpu.enqueue_indirect_dma source(%dma_start3A_60 : memref<10000x64xf32, #tpu.memory_space<vmem_shared>>) target(%dma_start3A_54 : memref<128x64xf32, #tpu.memory_space<vmem>>) offsets(%dma_start3A_57 : memref<128xi32, #tpu.memory_space<vmem>>) semaphore(%arg16 : memref<!tpu.dma_semaphore, #tpu.memory_space<semaphore_mem>>)
      %dma_start3A_61 = arith.constant 0 : i32
      %dma_start3A_62 = arith.constant 1 : i32
      %dma_start3A_63 = arith.constant 1 : i32
      %dma_start3A_64 = arith.constant 0 : i32
      %dma_start3A_65 = arith.constant 0 : i32
      %dma_start3A_66 = tpu.memref_slice %arg12[%dma_start3A_63, %dma_start3A_64, %dma_start3A_65] : memref<2x128x64xf32, #tpu.memory_space<vmem>> -> memref<1x128x64xf32, #tpu.memory_space<vmem>>
      %dma_start3A_67 = tpu.memref_squeeze %dma_start3A_66 : memref<1x128x64xf32, #tpu.memory_space<vmem>> -> memref<128x64xf32, #tpu.memory_space<vmem>>
      %dma_start3A_68 = arith.constant 0 : i32
      %dma_start3A_69 = tpu.memref_slice %arg10[%dma_start3A_61, %dma_start3A_62, %dma_start3A_68] : memref<2x2x128xi32, #tpu.memory_space<vmem>> -> memref<1x1x128xi32, #tpu.memory_space<vmem>>
      %dma_start3A_70 = tpu.memref_squeeze %dma_start3A_69 : memref<1x1x128xi32, #tpu.memory_space<vmem>> -> memref<128xi32, #tpu.memory_space<vmem>>
      %dma_start3A_71 = arith.constant 0 : i32
      %dma_start3A_72 = arith.constant 0 : i32
      %dma_start3A_73 = tpu.memref_slice %arg14[%dma_start3A_71, %dma_start3A_72] : memref<10000x64xf32, #tpu.memory_space<vmem_shared>> -> memref<10000x64xf32, #tpu.memory_space<vmem_shared>>
      tpu.enqueue_indirect_dma source(%dma_start3A_73 : memref<10000x64xf32, #tpu.memory_space<vmem_shared>>) target(%dma_start3A_67 : memref<128x64xf32, #tpu.memory_space<vmem>>) offsets(%dma_start3A_70 : memref<128xi32, #tpu.memory_space<vmem>>) semaphore(%arg16 : memref<!tpu.dma_semaphore, #tpu.memory_space<semaphore_mem>>)
      %dma_wait3A = arith.constant 0 : i32
      %dma_wait3A_74 = arith.constant 0 : i32
      %dma_wait3A_75 = arith.constant 0 : i32
      %dma_wait3A_76 = arith.constant 0 : i32
      %dma_wait3A_77 = arith.constant 0 : i32
      %dma_wait3A_78 = tpu.memref_slice %arg12[%dma_wait3A_75, %dma_wait3A_76, %dma_wait3A_77] : memref<2x128x64xf32, #tpu.memory_space<vmem>> -> memref<1x128x64xf32, #tpu.memory_space<vmem>>
      %dma_wait3A_79 = tpu.memref_squeeze %dma_wait3A_78 : memref<1x128x64xf32, #tpu.memory_space<vmem>> -> memref<128x64xf32, #tpu.memory_space<vmem>>
      %dma_wait3A_80 = arith.constant 0 : i32
      %dma_wait3A_81 = tpu.memref_slice %arg10[%dma_wait3A, %dma_wait3A_74, %dma_wait3A_80] : memref<2x2x128xi32, #tpu.memory_space<vmem>> -> memref<1x1x128xi32, #tpu.memory_space<vmem>>
      %dma_wait3A_82 = tpu.memref_squeeze %dma_wait3A_81 : memref<1x1x128xi32, #tpu.memory_space<vmem>> -> memref<128xi32, #tpu.memory_space<vmem>>
      %dma_wait3A_83 = arith.constant 0 : i32
      %dma_wait3A_84 = arith.constant 0 : i32
      %dma_wait3A_85 = tpu.memref_slice %arg14[%dma_wait3A_83, %dma_wait3A_84] : memref<10000x64xf32, #tpu.memory_space<vmem_shared>> -> memref<10000x64xf32, #tpu.memory_space<vmem_shared>>
      tpu.wait_indirect_dma semaphore(%arg16 : memref<!tpu.dma_semaphore, #tpu.memory_space<semaphore_mem>>) src(%dma_wait3A_85 : memref<10000x64xf32, #tpu.memory_space<vmem_shared>>) dst(%dma_wait3A_79 : memref<128x64xf32, #tpu.memory_space<vmem>>)
      %dma_wait3A_86 = arith.constant 0 : i32
      %dma_wait3A_87 = arith.constant 1 : i32
      %dma_wait3A_88 = arith.constant 1 : i32
      %dma_wait3A_89 = arith.constant 0 : i32
      %dma_wait3A_90 = arith.constant 0 : i32
      %dma_wait3A_91 = tpu.memref_slice %arg12[%dma_wait3A_88, %dma_wait3A_89, %dma_wait3A_90] : memref<2x128x64xf32, #tpu.memory_space<vmem>> -> memref<1x128x64xf32, #tpu.memory_space<vmem>>
      %dma_wait3A_92 = tpu.memref_squeeze %dma_wait3A_91 : memref<1x128x64xf32, #tpu.memory_space<vmem>> -> memref<128x64xf32, #tpu.memory_space<vmem>>
      %dma_wait3A_93 = arith.constant 0 : i32
      %dma_wait3A_94 = tpu.memref_slice %arg10[%dma_wait3A_86, %dma_wait3A_87, %dma_wait3A_93] : memref<2x2x128xi32, #tpu.memory_space<vmem>> -> memref<1x1x128xi32, #tpu.memory_space<vmem>>
      %dma_wait3A_95 = tpu.memref_squeeze %dma_wait3A_94 : memref<1x1x128xi32, #tpu.memory_space<vmem>> -> memref<128xi32, #tpu.memory_space<vmem>>
      %dma_wait3A_96 = arith.constant 0 : i32
      %dma_wait3A_97 = arith.constant 0 : i32
      %dma_wait3A_98 = tpu.memref_slice %arg14[%dma_wait3A_96, %dma_wait3A_97] : memref<10000x64xf32, #tpu.memory_space<vmem_shared>> -> memref<10000x64xf32, #tpu.memory_space<vmem_shared>>
      tpu.wait_indirect_dma semaphore(%arg16 : memref<!tpu.dma_semaphore, #tpu.memory_space<semaphore_mem>>) src(%dma_wait3A_98 : memref<10000x64xf32, #tpu.memory_space<vmem_shared>>) dst(%dma_wait3A_92 : memref<128x64xf32, #tpu.memory_space<vmem>>)
      %dma_start3A_99 = arith.constant 0 : i32
      %dma_start3A_100 = arith.constant 0 : i32
      %dma_start3A_101 = arith.constant 0 : i32
      %dma_start3A_102 = arith.constant 0 : i32
      %dma_start3A_103 = arith.constant 0 : i32
      %dma_start3A_104 = tpu.memref_slice %arg12[%dma_start3A_99, %dma_start3A_102, %dma_start3A_103] : memref<2x128x64xf32, #tpu.memory_space<vmem>> -> memref<1x128x64xf32, #tpu.memory_space<vmem>>
      %dma_start3A_105 = tpu.memref_squeeze %dma_start3A_104 : memref<1x128x64xf32, #tpu.memory_space<vmem>> -> memref<128x64xf32, #tpu.memory_space<vmem>>
      %dma_start3A_106 = arith.constant 0 : i32
      %dma_start3A_107 = tpu.memref_slice %arg11[%dma_start3A_100, %dma_start3A_101, %dma_start3A_106] : memref<2x2x128xi32, #tpu.memory_space<vmem>> -> memref<1x1x128xi32, #tpu.memory_space<vmem>>
      %dma_start3A_108 = tpu.memref_squeeze %dma_start3A_107 : memref<1x1x128xi32, #tpu.memory_space<vmem>> -> memref<128xi32, #tpu.memory_space<vmem>>
      %dma_start3A_109 = arith.constant 0 : i32
      %dma_start3A_110 = arith.constant 0 : i32
      %dma_start3A_111 = tpu.memref_slice %arg15[%dma_start3A_109, %dma_start3A_110] : memref<10112x64xf32, #tpu.memory_space<vmem_shared>> -> memref<10112x64xf32, #tpu.memory_space<vmem_shared>>
      tpu.enqueue_indirect_dma source(%dma_start3A_105 : memref<128x64xf32, #tpu.memory_space<vmem>>) target(%dma_start3A_111 : memref<10112x64xf32, #tpu.memory_space<vmem_shared>>) offsets(%dma_start3A_108 : memref<128xi32, #tpu.memory_space<vmem>>) semaphore(%arg17 : memref<!tpu.dma_semaphore, #tpu.memory_space<semaphore_mem>>) {add = true}
      %dma_start3A_112 = arith.constant 0 : i32
      %dma_start3A_113 = arith.constant 0 : i32
      %dma_start3A_114 = arith.constant 0 : i32
      %dma_start3A_115 = tpu.memref_slice %arg11[%dma_start3A_112, %dma_start3A_113, %dma_start3A_114] : memref<2x2x128xi32, #tpu.memory_space<vmem>> -> memref<1x1x128xi32, #tpu.memory_space<vmem>>
      %dma_start3A_116 = tpu.memref_squeeze %dma_start3A_115 : memref<1x1x128xi32, #tpu.memory_space<vmem>> -> memref<128xi32, #tpu.memory_space<vmem>>
      %dma_start3A_117 = arith.constant 0 : i32
      %dma_start3A_118 = arith.constant 0 : i32
      %dma_start3A_119 = tpu.memref_slice %arg20[%dma_start3A_117, %dma_start3A_118] : memref<10112x16xf32, #tpu.memory_space<vmem_shared>> -> memref<10112x16xf32, #tpu.memory_space<vmem_shared>>
      tpu.enqueue_indirect_dma source(%arg19 : memref<128x16xf32, #tpu.memory_space<vmem>>) target(%dma_start3A_119 : memref<10112x16xf32, #tpu.memory_space<vmem_shared>>) offsets(%dma_start3A_116 : memref<128xi32, #tpu.memory_space<vmem>>) semaphore(%arg21 : memref<!tpu.dma_semaphore, #tpu.memory_space<semaphore_mem>>) {add = true}
      %dma_start3A_120 = arith.constant 1 : i32
      %dma_start3A_121 = arith.constant 0 : i32
      %dma_start3A_122 = arith.constant 1 : i32
      %dma_start3A_123 = arith.constant 0 : i32
      %dma_start3A_124 = arith.constant 0 : i32
      %dma_start3A_125 = tpu.memref_slice %arg12[%dma_start3A_120, %dma_start3A_123, %dma_start3A_124] : memref<2x128x64xf32, #tpu.memory_space<vmem>> -> memref<1x128x64xf32, #tpu.memory_space<vmem>>
      %dma_start3A_126 = tpu.memref_squeeze %dma_start3A_125 : memref<1x128x64xf32, #tpu.memory_space<vmem>> -> memref<128x64xf32, #tpu.memory_space<vmem>>
      %dma_start3A_127 = arith.constant 0 : i32
      %dma_start3A_128 = tpu.memref_slice %arg11[%dma_start3A_121, %dma_start3A_122, %dma_start3A_127] : memref<2x2x128xi32, #tpu.memory_space<vmem>> -> memref<1x1x128xi32, #tpu.memory_space<vmem>>
      %dma_start3A_129 = tpu.memref_squeeze %dma_start3A_128 : memref<1x1x128xi32, #tpu.memory_space<vmem>> -> memref<128xi32, #tpu.memory_space<vmem>>
      %dma_start3A_130 = arith.constant 0 : i32
      %dma_start3A_131 = arith.constant 0 : i32
      %dma_start3A_132 = tpu.memref_slice %arg15[%dma_start3A_130, %dma_start3A_131] : memref<10112x64xf32, #tpu.memory_space<vmem_shared>> -> memref<10112x64xf32, #tpu.memory_space<vmem_shared>>
      tpu.enqueue_indirect_dma source(%dma_start3A_126 : memref<128x64xf32, #tpu.memory_space<vmem>>) target(%dma_start3A_132 : memref<10112x64xf32, #tpu.memory_space<vmem_shared>>) offsets(%dma_start3A_129 : memref<128xi32, #tpu.memory_space<vmem>>) semaphore(%arg17 : memref<!tpu.dma_semaphore, #tpu.memory_space<semaphore_mem>>) {add = true}
      %dma_start3A_133 = arith.constant 0 : i32
      %dma_start3A_134 = arith.constant 1 : i32
      %dma_start3A_135 = arith.constant 0 : i32
      %dma_start3A_136 = tpu.memref_slice %arg11[%dma_start3A_133, %dma_start3A_134, %dma_start3A_135] : memref<2x2x128xi32, #tpu.memory_space<vmem>> -> memref<1x1x128xi32, #tpu.memory_space<vmem>>
      %dma_start3A_137 = tpu.memref_squeeze %dma_start3A_136 : memref<1x1x128xi32, #tpu.memory_space<vmem>> -> memref<128xi32, #tpu.memory_space<vmem>>
      %dma_start3A_138 = arith.constant 0 : i32
      %dma_start3A_139 = arith.constant 0 : i32
      %dma_start3A_140 = tpu.memref_slice %arg20[%dma_start3A_138, %dma_start3A_139] : memref<10112x16xf32, #tpu.memory_space<vmem_shared>> -> memref<10112x16xf32, #tpu.memory_space<vmem_shared>>
      tpu.enqueue_indirect_dma source(%arg19 : memref<128x16xf32, #tpu.memory_space<vmem>>) target(%dma_start3A_140 : memref<10112x16xf32, #tpu.memory_space<vmem_shared>>) offsets(%dma_start3A_137 : memref<128xi32, #tpu.memory_space<vmem>>) semaphore(%arg21 : memref<!tpu.dma_semaphore, #tpu.memory_space<semaphore_mem>>) {add = true}
      %mul3A_141 = arith.constant 4 : i32
      %mul3A_142 = arith.muli %while3A_37, %mul3A_141 : i32
      %add3A_143 = arith.addi %select_n3A, %mul3A_142 : i32
      %add3A_144 = arith.constant 2 : i32
      %add3A_145 = arith.addi %add3A_143, %add3A_144 : i32
      %gt3A_146 = arith.constant 0 : i32
      %gt3A_147 = arith.cmpi sgt, %while3A_37, %gt3A_146 : i32
      %convert_element_type3A_148 = arith.extui %gt3A_147 : i1 to i32
      %cond3A_149 = arith.constant 0 : i32
      %cond3A_150 = arith.cmpi ne, %convert_element_type3A_148, %cond3A_149 : i32
      scf.if %cond3A_150 {
        %dma_wait3A_247 = arith.constant 0 : i32
        %dma_wait3A_248 = arith.constant 0 : i32
        %dma_wait3A_249 = arith.constant 0 : i32
        %dma_wait3A_250 = tpu.memref_slice %arg13[%dma_wait3A_247, %dma_wait3A_248, %dma_wait3A_249] : memref<2x128x64xf32, #tpu.memory_space<vmem>> -> memref<1x128x64xf32, #tpu.memory_space<vmem>>
        %dma_wait3A_251 = tpu.memref_squeeze %dma_wait3A_250 : memref<1x128x64xf32, #tpu.memory_space<vmem>> -> memref<128x64xf32, #tpu.memory_space<vmem>>
        %dma_wait3A_252 = arith.constant 0 : i32
        %dma_wait3A_253 = arith.constant 0 : i32
        %dma_wait3A_254 = tpu.memref_slice %arg2[%dma_wait3A_252, %dma_wait3A_253] : memref<10000x64xf32, #tpu.memory_space<hbm>> -> memref<128x64xf32, #tpu.memory_space<hbm>>
        %dma_wait3A_255 = arith.constant 0 : i32
        %dma_wait3A_256 = arith.constant 0 : i32
        %dma_wait3A_257 = tpu.memref_slice %arg13[%dma_wait3A_247, %dma_wait3A_255, %dma_wait3A_256] : memref<2x128x64xf32, #tpu.memory_space<vmem>> -> memref<1x128x64xf32, #tpu.memory_space<vmem>>
        %dma_wait3A_258 = tpu.memref_squeeze %dma_wait3A_257 : memref<1x128x64xf32, #tpu.memory_space<vmem>> -> memref<128x64xf32, #tpu.memory_space<vmem>>
        %dma_wait3A_259 = arith.constant 0 : i32
        %dma_wait3A_260 = arith.constant 0 : i32
        %dma_wait3A_261 = tpu.memref_slice %arg2[%dma_wait3A_259, %dma_wait3A_260] : memref<10000x64xf32, #tpu.memory_space<hbm>> -> memref<128x64xf32, #tpu.memory_space<hbm>>
        tpu.wait_dma2 semaphore(%arg18 : memref<!tpu.dma_semaphore, #tpu.memory_space<semaphore_mem>>) src(%dma_wait3A_261 : memref<128x64xf32, #tpu.memory_space<hbm>>) dst(%dma_wait3A_258 : memref<128x64xf32, #tpu.memory_space<vmem>>)
        %dma_wait3A_262 = arith.constant 0 : i32
        %dma_wait3A_263 = arith.constant 0 : i32
        %dma_wait3A_264 = tpu.memref_slice %arg6[%dma_wait3A_262, %dma_wait3A_263] : memref<632x16xf32, #tpu.memory_space<hbm>> -> memref<128x16xf32, #tpu.memory_space<hbm>>
        %dma_wait3A_265 = arith.constant 0 : i32
        %dma_wait3A_266 = arith.constant 0 : i32
        %dma_wait3A_267 = tpu.memref_slice %arg6[%dma_wait3A_265, %dma_wait3A_266] : memref<632x16xf32, #tpu.memory_space<hbm>> -> memref<128x16xf32, #tpu.memory_space<hbm>>
        tpu.wait_dma2 semaphore(%arg21 : memref<!tpu.dma_semaphore, #tpu.memory_space<semaphore_mem>>) src(%dma_wait3A_267 : memref<128x16xf32, #tpu.memory_space<hbm>>) dst(%arg19 : memref<128x16xf32, #tpu.memory_space<vmem>>)
        %dma_wait3A_268 = arith.constant 1 : i32
        %dma_wait3A_269 = arith.constant 0 : i32
        %dma_wait3A_270 = arith.constant 0 : i32
        %dma_wait3A_271 = tpu.memref_slice %arg13[%dma_wait3A_268, %dma_wait3A_269, %dma_wait3A_270] : memref<2x128x64xf32, #tpu.memory_space<vmem>> -> memref<1x128x64xf32, #tpu.memory_space<vmem>>
        %dma_wait3A_272 = tpu.memref_squeeze %dma_wait3A_271 : memref<1x128x64xf32, #tpu.memory_space<vmem>> -> memref<128x64xf32, #tpu.memory_space<vmem>>
        %dma_wait3A_273 = arith.constant 0 : i32
        %dma_wait3A_274 = arith.constant 0 : i32
        %dma_wait3A_275 = tpu.memref_slice %arg2[%dma_wait3A_273, %dma_wait3A_274] : memref<10000x64xf32, #tpu.memory_space<hbm>> -> memref<128x64xf32, #tpu.memory_space<hbm>>
        %dma_wait3A_276 = arith.constant 0 : i32
        %dma_wait3A_277 = arith.constant 0 : i32
        %dma_wait3A_278 = tpu.memref_slice %arg13[%dma_wait3A_268, %dma_wait3A_276, %dma_wait3A_277] : memref<2x128x64xf32, #tpu.memory_space<vmem>> -> memref<1x128x64xf32, #tpu.memory_space<vmem>>
        %dma_wait3A_279 = tpu.memref_squeeze %dma_wait3A_278 : memref<1x128x64xf32, #tpu.memory_space<vmem>> -> memref<128x64xf32, #tpu.memory_space<vmem>>
        %dma_wait3A_280 = arith.constant 0 : i32
        %dma_wait3A_281 = arith.constant 0 : i32
        %dma_wait3A_282 = tpu.memref_slice %arg2[%dma_wait3A_280, %dma_wait3A_281] : memref<10000x64xf32, #tpu.memory_space<hbm>> -> memref<128x64xf32, #tpu.memory_space<hbm>>
        tpu.wait_dma2 semaphore(%arg18 : memref<!tpu.dma_semaphore, #tpu.memory_space<semaphore_mem>>) src(%dma_wait3A_282 : memref<128x64xf32, #tpu.memory_space<hbm>>) dst(%dma_wait3A_279 : memref<128x64xf32, #tpu.memory_space<vmem>>)
        %dma_wait3A_283 = arith.constant 0 : i32
        %dma_wait3A_284 = arith.constant 0 : i32
        %dma_wait3A_285 = tpu.memref_slice %arg6[%dma_wait3A_283, %dma_wait3A_284] : memref<632x16xf32, #tpu.memory_space<hbm>> -> memref<128x16xf32, #tpu.memory_space<hbm>>
        %dma_wait3A_286 = arith.constant 0 : i32
        %dma_wait3A_287 = arith.constant 0 : i32
        %dma_wait3A_288 = tpu.memref_slice %arg6[%dma_wait3A_286, %dma_wait3A_287] : memref<632x16xf32, #tpu.memory_space<hbm>> -> memref<128x16xf32, #tpu.memory_space<hbm>>
        tpu.wait_dma2 semaphore(%arg21 : memref<!tpu.dma_semaphore, #tpu.memory_space<semaphore_mem>>) src(%dma_wait3A_288 : memref<128x16xf32, #tpu.memory_space<hbm>>) dst(%arg19 : memref<128x16xf32, #tpu.memory_space<vmem>>)
      } else {
      }
      %run_scoped3A_151 = arith.constant 1 : i32
      "tpu.region"() ({
        %run_scoped3A_247 = tpu.sem_alloc : memref<!tpu.dma_semaphore, #tpu.memory_space<semaphore_mem>>
        %dma_start3A_248 = arith.constant 0 : i32
        %dma_start3A_249 = arith.constant 0 : i32
        %dma_start3A_250 = tpu.memref_slice %arg10[%run_scoped3A_151, %dma_start3A_248, %dma_start3A_249] : memref<2x2x128xi32, #tpu.memory_space<vmem>> -> memref<1x2x128xi32, #tpu.memory_space<vmem>>
        %dma_start3A_251 = tpu.memref_squeeze %dma_start3A_250 : memref<1x2x128xi32, #tpu.memory_space<vmem>> -> memref<2x128xi32, #tpu.memory_space<vmem>>
        %dma_start3A_252 = arith.constant 0 : i32
        %dma_start3A_253 = tpu.memref_slice %arg3[%add3A_145, %dma_start3A_252] : memref<2560x128xi32, #tpu.memory_space<hbm>> -> memref<2x128xi32, #tpu.memory_space<hbm>>
        %dma_start3A_254 = arith.constant 0 : i32
        %dma_start3A_255 = arith.constant 0 : i32
        %dma_start3A_256 = tpu.memref_slice %arg10[%run_scoped3A_151, %dma_start3A_254, %dma_start3A_255] : memref<2x2x128xi32, #tpu.memory_space<vmem>> -> memref<1x2x128xi32, #tpu.memory_space<vmem>>
        %dma_start3A_257 = tpu.memref_squeeze %dma_start3A_256 : memref<1x2x128xi32, #tpu.memory_space<vmem>> -> memref<2x128xi32, #tpu.memory_space<vmem>>
        %dma_start3A_258 = arith.constant 0 : i32
        %dma_start3A_259 = tpu.memref_slice %arg3[%add3A_145, %dma_start3A_258] : memref<2560x128xi32, #tpu.memory_space<hbm>> -> memref<2x128xi32, #tpu.memory_space<hbm>>
        tpu.enqueue_dma source(%dma_start3A_259 : memref<2x128xi32, #tpu.memory_space<hbm>>) target(%dma_start3A_257 : memref<2x128xi32, #tpu.memory_space<vmem>>) target_semaphore(%run_scoped3A_247 : memref<!tpu.dma_semaphore, #tpu.memory_space<semaphore_mem>>)
        %dma_wait3A_260 = arith.constant 0 : i32
        %dma_wait3A_261 = arith.constant 0 : i32
        %dma_wait3A_262 = tpu.memref_slice %arg10[%run_scoped3A_151, %dma_wait3A_260, %dma_wait3A_261] : memref<2x2x128xi32, #tpu.memory_space<vmem>> -> memref<1x2x128xi32, #tpu.memory_space<vmem>>
        %dma_wait3A_263 = tpu.memref_squeeze %dma_wait3A_262 : memref<1x2x128xi32, #tpu.memory_space<vmem>> -> memref<2x128xi32, #tpu.memory_space<vmem>>
        %dma_wait3A_264 = arith.constant 0 : i32
        %dma_wait3A_265 = tpu.memref_slice %arg3[%add3A_145, %dma_wait3A_264] : memref<2560x128xi32, #tpu.memory_space<hbm>> -> memref<2x128xi32, #tpu.memory_space<hbm>>
        %dma_wait3A_266 = arith.constant 0 : i32
        %dma_wait3A_267 = arith.constant 0 : i32
        %dma_wait3A_268 = tpu.memref_slice %arg10[%run_scoped3A_151, %dma_wait3A_266, %dma_wait3A_267] : memref<2x2x128xi32, #tpu.memory_space<vmem>> -> memref<1x2x128xi32, #tpu.memory_space<vmem>>
        %dma_wait3A_269 = tpu.memref_squeeze %dma_wait3A_268 : memref<1x2x128xi32, #tpu.memory_space<vmem>> -> memref<2x128xi32, #tpu.memory_space<vmem>>
        %dma_wait3A_270 = arith.constant 0 : i32
        %dma_wait3A_271 = tpu.memref_slice %arg3[%add3A_145, %dma_wait3A_270] : memref<2560x128xi32, #tpu.memory_space<hbm>> -> memref<2x128xi32, #tpu.memory_space<hbm>>
        tpu.wait_dma2 semaphore(%run_scoped3A_247 : memref<!tpu.dma_semaphore, #tpu.memory_space<semaphore_mem>>) src(%dma_wait3A_271 : memref<2x128xi32, #tpu.memory_space<hbm>>) dst(%dma_wait3A_269 : memref<2x128xi32, #tpu.memory_space<vmem>>)
        tpu.yield
      }) : () -> ()
      %run_scoped3A_152 = arith.constant 1 : i32
      "tpu.region"() ({
        %run_scoped3A_247 = tpu.sem_alloc : memref<!tpu.dma_semaphore, #tpu.memory_space<semaphore_mem>>
        %dma_start3A_248 = arith.constant 0 : i32
        %dma_start3A_249 = arith.constant 0 : i32
        %dma_start3A_250 = tpu.memref_slice %arg11[%run_scoped3A_152, %dma_start3A_248, %dma_start3A_249] : memref<2x2x128xi32, #tpu.memory_space<vmem>> -> memref<1x2x128xi32, #tpu.memory_space<vmem>>
        %dma_start3A_251 = tpu.memref_squeeze %dma_start3A_250 : memref<1x2x128xi32, #tpu.memory_space<vmem>> -> memref<2x128xi32, #tpu.memory_space<vmem>>
        %dma_start3A_252 = arith.constant 0 : i32
        %dma_start3A_253 = tpu.memref_slice %arg4[%add3A_145, %dma_start3A_252] : memref<2560x128xi32, #tpu.memory_space<hbm>> -> memref<2x128xi32, #tpu.memory_space<hbm>>
        %dma_start3A_254 = arith.constant 0 : i32
        %dma_start3A_255 = arith.constant 0 : i32
        %dma_start3A_256 = tpu.memref_slice %arg11[%run_scoped3A_152, %dma_start3A_254, %dma_start3A_255] : memref<2x2x128xi32, #tpu.memory_space<vmem>> -> memref<1x2x128xi32, #tpu.memory_space<vmem>>
        %dma_start3A_257 = tpu.memref_squeeze %dma_start3A_256 : memref<1x2x128xi32, #tpu.memory_space<vmem>> -> memref<2x128xi32, #tpu.memory_space<vmem>>
        %dma_start3A_258 = arith.constant 0 : i32
        %dma_start3A_259 = tpu.memref_slice %arg4[%add3A_145, %dma_start3A_258] : memref<2560x128xi32, #tpu.memory_space<hbm>> -> memref<2x128xi32, #tpu.memory_space<hbm>>
        tpu.enqueue_dma source(%dma_start3A_259 : memref<2x128xi32, #tpu.memory_space<hbm>>) target(%dma_start3A_257 : memref<2x128xi32, #tpu.memory_space<vmem>>) target_semaphore(%run_scoped3A_247 : memref<!tpu.dma_semaphore, #tpu.memory_space<semaphore_mem>>)
        %dma_wait3A_260 = arith.constant 0 : i32
        %dma_wait3A_261 = arith.constant 0 : i32
        %dma_wait3A_262 = tpu.memref_slice %arg11[%run_scoped3A_152, %dma_wait3A_260, %dma_wait3A_261] : memref<2x2x128xi32, #tpu.memory_space<vmem>> -> memref<1x2x128xi32, #tpu.memory_space<vmem>>
        %dma_wait3A_263 = tpu.memref_squeeze %dma_wait3A_262 : memref<1x2x128xi32, #tpu.memory_space<vmem>> -> memref<2x128xi32, #tpu.memory_space<vmem>>
        %dma_wait3A_264 = arith.constant 0 : i32
        %dma_wait3A_265 = tpu.memref_slice %arg4[%add3A_145, %dma_wait3A_264] : memref<2560x128xi32, #tpu.memory_space<hbm>> -> memref<2x128xi32, #tpu.memory_space<hbm>>
        %dma_wait3A_266 = arith.constant 0 : i32
        %dma_wait3A_267 = arith.constant 0 : i32
        %dma_wait3A_268 = tpu.memref_slice %arg11[%run_scoped3A_152, %dma_wait3A_266, %dma_wait3A_267] : memref<2x2x128xi32, #tpu.memory_space<vmem>> -> memref<1x2x128xi32, #tpu.memory_space<vmem>>
        %dma_wait3A_269 = tpu.memref_squeeze %dma_wait3A_268 : memref<1x2x128xi32, #tpu.memory_space<vmem>> -> memref<2x128xi32, #tpu.memory_space<vmem>>
        %dma_wait3A_270 = arith.constant 0 : i32
        %dma_wait3A_271 = tpu.memref_slice %arg4[%add3A_145, %dma_wait3A_270] : memref<2560x128xi32, #tpu.memory_space<hbm>> -> memref<2x128xi32, #tpu.memory_space<hbm>>
        tpu.wait_dma2 semaphore(%run_scoped3A_247 : memref<!tpu.dma_semaphore, #tpu.memory_space<semaphore_mem>>) src(%dma_wait3A_271 : memref<2x128xi32, #tpu.memory_space<hbm>>) dst(%dma_wait3A_269 : memref<2x128xi32, #tpu.memory_space<vmem>>)
        tpu.yield
      }) : () -> ()
      %dma_start3A_153 = arith.constant 1 : i32
      %dma_start3A_154 = arith.constant 0 : i32
      %dma_start3A_155 = arith.constant 0 : i32
      %dma_start3A_156 = arith.constant 0 : i32
      %dma_start3A_157 = arith.constant 0 : i32
      %dma_start3A_158 = tpu.memref_slice %arg13[%dma_start3A_155, %dma_start3A_156, %dma_start3A_157] : memref<2x128x64xf32, #tpu.memory_space<vmem>> -> memref<1x128x64xf32, #tpu.memory_space<vmem>>
      %dma_start3A_159 = tpu.memref_squeeze %dma_start3A_158 : memref<1x128x64xf32, #tpu.memory_space<vmem>> -> memref<128x64xf32, #tpu.memory_space<vmem>>
      %dma_start3A_160 = arith.constant 0 : i32
      %dma_start3A_161 = tpu.memref_slice %arg10[%dma_start3A_153, %dma_start3A_154, %dma_start3A_160] : memref<2x2x128xi32, #tpu.memory_space<vmem>> -> memref<1x1x128xi32, #tpu.memory_space<vmem>>
      %dma_start3A_162 = tpu.memref_squeeze %dma_start3A_161 : memref<1x1x128xi32, #tpu.memory_space<vmem>> -> memref<128xi32, #tpu.memory_space<vmem>>
      %dma_start3A_163 = arith.constant 0 : i32
      %dma_start3A_164 = arith.constant 0 : i32
      %dma_start3A_165 = tpu.memref_slice %arg14[%dma_start3A_163, %dma_start3A_164] : memref<10000x64xf32, #tpu.memory_space<vmem_shared>> -> memref<10000x64xf32, #tpu.memory_space<vmem_shared>>
      tpu.enqueue_indirect_dma source(%dma_start3A_165 : memref<10000x64xf32, #tpu.memory_space<vmem_shared>>) target(%dma_start3A_159 : memref<128x64xf32, #tpu.memory_space<vmem>>) offsets(%dma_start3A_162 : memref<128xi32, #tpu.memory_space<vmem>>) semaphore(%arg16 : memref<!tpu.dma_semaphore, #tpu.memory_space<semaphore_mem>>)
      %dma_start3A_166 = arith.constant 1 : i32
      %dma_start3A_167 = arith.constant 1 : i32
      %dma_start3A_168 = arith.constant 1 : i32
      %dma_start3A_169 = arith.constant 0 : i32
      %dma_start3A_170 = arith.constant 0 : i32
      %dma_start3A_171 = tpu.memref_slice %arg13[%dma_start3A_168, %dma_start3A_169, %dma_start3A_170] : memref<2x128x64xf32, #tpu.memory_space<vmem>> -> memref<1x128x64xf32, #tpu.memory_space<vmem>>
      %dma_start3A_172 = tpu.memref_squeeze %dma_start3A_171 : memref<1x128x64xf32, #tpu.memory_space<vmem>> -> memref<128x64xf32, #tpu.memory_space<vmem>>
      %dma_start3A_173 = arith.constant 0 : i32
      %dma_start3A_174 = tpu.memref_slice %arg10[%dma_start3A_166, %dma_start3A_167, %dma_start3A_173] : memref<2x2x128xi32, #tpu.memory_space<vmem>> -> memref<1x1x128xi32, #tpu.memory_space<vmem>>
      %dma_start3A_175 = tpu.memref_squeeze %dma_start3A_174 : memref<1x1x128xi32, #tpu.memory_space<vmem>> -> memref<128xi32, #tpu.memory_space<vmem>>
      %dma_start3A_176 = arith.constant 0 : i32
      %dma_start3A_177 = arith.constant 0 : i32
      %dma_start3A_178 = tpu.memref_slice %arg14[%dma_start3A_176, %dma_start3A_177] : memref<10000x64xf32, #tpu.memory_space<vmem_shared>> -> memref<10000x64xf32, #tpu.memory_space<vmem_shared>>
      tpu.enqueue_indirect_dma source(%dma_start3A_178 : memref<10000x64xf32, #tpu.memory_space<vmem_shared>>) target(%dma_start3A_172 : memref<128x64xf32, #tpu.memory_space<vmem>>) offsets(%dma_start3A_175 : memref<128xi32, #tpu.memory_space<vmem>>) semaphore(%arg16 : memref<!tpu.dma_semaphore, #tpu.memory_space<semaphore_mem>>)
      %dma_wait3A_179 = arith.constant 1 : i32
      %dma_wait3A_180 = arith.constant 0 : i32
      %dma_wait3A_181 = arith.constant 0 : i32
      %dma_wait3A_182 = arith.constant 0 : i32
      %dma_wait3A_183 = arith.constant 0 : i32
      %dma_wait3A_184 = tpu.memref_slice %arg13[%dma_wait3A_181, %dma_wait3A_182, %dma_wait3A_183] : memref<2x128x64xf32, #tpu.memory_space<vmem>> -> memref<1x128x64xf32, #tpu.memory_space<vmem>>
      %dma_wait3A_185 = tpu.memref_squeeze %dma_wait3A_184 : memref<1x128x64xf32, #tpu.memory_space<vmem>> -> memref<128x64xf32, #tpu.memory_space<vmem>>
      %dma_wait3A_186 = arith.constant 0 : i32
      %dma_wait3A_187 = tpu.memref_slice %arg10[%dma_wait3A_179, %dma_wait3A_180, %dma_wait3A_186] : memref<2x2x128xi32, #tpu.memory_space<vmem>> -> memref<1x1x128xi32, #tpu.memory_space<vmem>>
      %dma_wait3A_188 = tpu.memref_squeeze %dma_wait3A_187 : memref<1x1x128xi32, #tpu.memory_space<vmem>> -> memref<128xi32, #tpu.memory_space<vmem>>
      %dma_wait3A_189 = arith.constant 0 : i32
      %dma_wait3A_190 = arith.constant 0 : i32
      %dma_wait3A_191 = tpu.memref_slice %arg14[%dma_wait3A_189, %dma_wait3A_190] : memref<10000x64xf32, #tpu.memory_space<vmem_shared>> -> memref<10000x64xf32, #tpu.memory_space<vmem_shared>>
      tpu.wait_indirect_dma semaphore(%arg16 : memref<!tpu.dma_semaphore, #tpu.memory_space<semaphore_mem>>) src(%dma_wait3A_191 : memref<10000x64xf32, #tpu.memory_space<vmem_shared>>) dst(%dma_wait3A_185 : memref<128x64xf32, #tpu.memory_space<vmem>>)
      %dma_wait3A_192 = arith.constant 1 : i32
      %dma_wait3A_193 = arith.constant 1 : i32
      %dma_wait3A_194 = arith.constant 1 : i32
      %dma_wait3A_195 = arith.constant 0 : i32
      %dma_wait3A_196 = arith.constant 0 : i32
      %dma_wait3A_197 = tpu.memref_slice %arg13[%dma_wait3A_194, %dma_wait3A_195, %dma_wait3A_196] : memref<2x128x64xf32, #tpu.memory_space<vmem>> -> memref<1x128x64xf32, #tpu.memory_space<vmem>>
      %dma_wait3A_198 = tpu.memref_squeeze %dma_wait3A_197 : memref<1x128x64xf32, #tpu.memory_space<vmem>> -> memref<128x64xf32, #tpu.memory_space<vmem>>
      %dma_wait3A_199 = arith.constant 0 : i32
      %dma_wait3A_200 = tpu.memref_slice %arg10[%dma_wait3A_192, %dma_wait3A_193, %dma_wait3A_199] : memref<2x2x128xi32, #tpu.memory_space<vmem>> -> memref<1x1x128xi32, #tpu.memory_space<vmem>>
      %dma_wait3A_201 = tpu.memref_squeeze %dma_wait3A_200 : memref<1x1x128xi32, #tpu.memory_space<vmem>> -> memref<128xi32, #tpu.memory_space<vmem>>
      %dma_wait3A_202 = arith.constant 0 : i32
      %dma_wait3A_203 = arith.constant 0 : i32
      %dma_wait3A_204 = tpu.memref_slice %arg14[%dma_wait3A_202, %dma_wait3A_203] : memref<10000x64xf32, #tpu.memory_space<vmem_shared>> -> memref<10000x64xf32, #tpu.memory_space<vmem_shared>>
      tpu.wait_indirect_dma semaphore(%arg16 : memref<!tpu.dma_semaphore, #tpu.memory_space<semaphore_mem>>) src(%dma_wait3A_204 : memref<10000x64xf32, #tpu.memory_space<vmem_shared>>) dst(%dma_wait3A_198 : memref<128x64xf32, #tpu.memory_space<vmem>>)
      %dma_start3A_205 = arith.constant 0 : i32
      %dma_start3A_206 = arith.constant 1 : i32
      %dma_start3A_207 = arith.constant 0 : i32
      %dma_start3A_208 = arith.constant 0 : i32
      %dma_start3A_209 = arith.constant 0 : i32
      %dma_start3A_210 = tpu.memref_slice %arg13[%dma_start3A_205, %dma_start3A_208, %dma_start3A_209] : memref<2x128x64xf32, #tpu.memory_space<vmem>> -> memref<1x128x64xf32, #tpu.memory_space<vmem>>
      %dma_start3A_211 = tpu.memref_squeeze %dma_start3A_210 : memref<1x128x64xf32, #tpu.memory_space<vmem>> -> memref<128x64xf32, #tpu.memory_space<vmem>>
      %dma_start3A_212 = arith.constant 0 : i32
      %dma_start3A_213 = tpu.memref_slice %arg11[%dma_start3A_206, %dma_start3A_207, %dma_start3A_212] : memref<2x2x128xi32, #tpu.memory_space<vmem>> -> memref<1x1x128xi32, #tpu.memory_space<vmem>>
      %dma_start3A_214 = tpu.memref_squeeze %dma_start3A_213 : memref<1x1x128xi32, #tpu.memory_space<vmem>> -> memref<128xi32, #tpu.memory_space<vmem>>
      %dma_start3A_215 = arith.constant 0 : i32
      %dma_start3A_216 = arith.constant 0 : i32
      %dma_start3A_217 = tpu.memref_slice %arg15[%dma_start3A_215, %dma_start3A_216] : memref<10112x64xf32, #tpu.memory_space<vmem_shared>> -> memref<10112x64xf32, #tpu.memory_space<vmem_shared>>
      tpu.enqueue_indirect_dma source(%dma_start3A_211 : memref<128x64xf32, #tpu.memory_space<vmem>>) target(%dma_start3A_217 : memref<10112x64xf32, #tpu.memory_space<vmem_shared>>) offsets(%dma_start3A_214 : memref<128xi32, #tpu.memory_space<vmem>>) semaphore(%arg18 : memref<!tpu.dma_semaphore, #tpu.memory_space<semaphore_mem>>) {add = true}
      %dma_start3A_218 = arith.constant 1 : i32
      %dma_start3A_219 = arith.constant 0 : i32
      %dma_start3A_220 = arith.constant 0 : i32
      %dma_start3A_221 = tpu.memref_slice %arg11[%dma_start3A_218, %dma_start3A_219, %dma_start3A_220] : memref<2x2x128xi32, #tpu.memory_space<vmem>> -> memref<1x1x128xi32, #tpu.memory_space<vmem>>
      %dma_start3A_222 = tpu.memref_squeeze %dma_start3A_221 : memref<1x1x128xi32, #tpu.memory_space<vmem>> -> memref<128xi32, #tpu.memory_space<vmem>>
      %dma_start3A_223 = arith.constant 0 : i32
      %dma_start3A_224 = arith.constant 0 : i32
      %dma_start3A_225 = tpu.memref_slice %arg20[%dma_start3A_223, %dma_start3A_224] : memref<10112x16xf32, #tpu.memory_space<vmem_shared>> -> memref<10112x16xf32, #tpu.memory_space<vmem_shared>>
      tpu.enqueue_indirect_dma source(%arg19 : memref<128x16xf32, #tpu.memory_space<vmem>>) target(%dma_start3A_225 : memref<10112x16xf32, #tpu.memory_space<vmem_shared>>) offsets(%dma_start3A_222 : memref<128xi32, #tpu.memory_space<vmem>>) semaphore(%arg21 : memref<!tpu.dma_semaphore, #tpu.memory_space<semaphore_mem>>) {add = true}
      %dma_start3A_226 = arith.constant 1 : i32
      %dma_start3A_227 = arith.constant 1 : i32
      %dma_start3A_228 = arith.constant 1 : i32
      %dma_start3A_229 = arith.constant 0 : i32
      %dma_start3A_230 = arith.constant 0 : i32
      %dma_start3A_231 = tpu.memref_slice %arg13[%dma_start3A_226, %dma_start3A_229, %dma_start3A_230] : memref<2x128x64xf32, #tpu.memory_space<vmem>> -> memref<1x128x64xf32, #tpu.memory_space<vmem>>
      %dma_start3A_232 = tpu.memref_squeeze %dma_start3A_231 : memref<1x128x64xf32, #tpu.memory_space<vmem>> -> memref<128x64xf32, #tpu.memory_space<vmem>>
      %dma_start3A_233 = arith.constant 0 : i32
      %dma_start3A_234 = tpu.memref_slice %arg11[%dma_start3A_227, %dma_start3A_228, %dma_start3A_233] : memref<2x2x128xi32, #tpu.memory_space<vmem>> -> memref<1x1x128xi32, #tpu.memory_space<vmem>>
      %dma_start3A_235 = tpu.memref_squeeze %dma_start3A_234 : memref<1x1x128xi32, #tpu.memory_space<vmem>> -> memref<128xi32, #tpu.memory_space<vmem>>
      %dma_start3A_236 = arith.constant 0 : i32
      %dma_start3A_237 = arith.constant 0 : i32
      %dma_start3A_238 = tpu.memref_slice %arg15[%dma_start3A_236, %dma_start3A_237] : memref<10112x64xf32, #tpu.memory_space<vmem_shared>> -> memref<10112x64xf32, #tpu.memory_space<vmem_shared>>
      tpu.enqueue_indirect_dma source(%dma_start3A_232 : memref<128x64xf32, #tpu.memory_space<vmem>>) target(%dma_start3A_238 : memref<10112x64xf32, #tpu.memory_space<vmem_shared>>) offsets(%dma_start3A_235 : memref<128xi32, #tpu.memory_space<vmem>>) semaphore(%arg18 : memref<!tpu.dma_semaphore, #tpu.memory_space<semaphore_mem>>) {add = true}
      %dma_start3A_239 = arith.constant 1 : i32
      %dma_start3A_240 = arith.constant 1 : i32
      %dma_start3A_241 = arith.constant 0 : i32
      %dma_start3A_242 = tpu.memref_slice %arg11[%dma_start3A_239, %dma_start3A_240, %dma_start3A_241] : memref<2x2x128xi32, #tpu.memory_space<vmem>> -> memref<1x1x128xi32, #tpu.memory_space<vmem>>
      %dma_start3A_243 = tpu.memref_squeeze %dma_start3A_242 : memref<1x1x128xi32, #tpu.memory_space<vmem>> -> memref<128xi32, #tpu.memory_space<vmem>>
      %dma_start3A_244 = arith.constant 0 : i32
      %dma_start3A_245 = arith.constant 0 : i32
      %dma_start3A_246 = tpu.memref_slice %arg20[%dma_start3A_244, %dma_start3A_245] : memref<10112x16xf32, #tpu.memory_space<vmem_shared>> -> memref<10112x16xf32, #tpu.memory_space<vmem_shared>>
      tpu.enqueue_indirect_dma source(%arg19 : memref<128x16xf32, #tpu.memory_space<vmem>>) target(%dma_start3A_246 : memref<10112x16xf32, #tpu.memory_space<vmem_shared>>) offsets(%dma_start3A_243 : memref<128xi32, #tpu.memory_space<vmem>>) semaphore(%arg21 : memref<!tpu.dma_semaphore, #tpu.memory_space<semaphore_mem>>) {add = true}
    }
    %gt3A = arith.constant 0 : i32
    %gt3A_26 = arith.cmpi sgt, %select_n3A_16, %gt3A : i32
    %convert_element_type3A = arith.extui %gt3A_26 : i1 to i32
    %cond3A = arith.constant 0 : i32
    %cond3A_27 = arith.cmpi ne, %convert_element_type3A, %cond3A : i32
    scf.if %cond3A_27 {
      %dma_wait3A = arith.constant 0 : i32
      %dma_wait3A_37 = arith.constant 0 : i32
      %dma_wait3A_38 = arith.constant 0 : i32
      %dma_wait3A_39 = tpu.memref_slice %arg12[%dma_wait3A, %dma_wait3A_37, %dma_wait3A_38] : memref<2x128x64xf32, #tpu.memory_space<vmem>> -> memref<1x128x64xf32, #tpu.memory_space<vmem>>
      %dma_wait3A_40 = tpu.memref_squeeze %dma_wait3A_39 : memref<1x128x64xf32, #tpu.memory_space<vmem>> -> memref<128x64xf32, #tpu.memory_space<vmem>>
      %dma_wait3A_41 = arith.constant 0 : i32
      %dma_wait3A_42 = arith.constant 0 : i32
      %dma_wait3A_43 = tpu.memref_slice %arg2[%dma_wait3A_41, %dma_wait3A_42] : memref<10000x64xf32, #tpu.memory_space<hbm>> -> memref<128x64xf32, #tpu.memory_space<hbm>>
      %dma_wait3A_44 = arith.constant 0 : i32
      %dma_wait3A_45 = arith.constant 0 : i32
      %dma_wait3A_46 = tpu.memref_slice %arg12[%dma_wait3A, %dma_wait3A_44, %dma_wait3A_45] : memref<2x128x64xf32, #tpu.memory_space<vmem>> -> memref<1x128x64xf32, #tpu.memory_space<vmem>>
      %dma_wait3A_47 = tpu.memref_squeeze %dma_wait3A_46 : memref<1x128x64xf32, #tpu.memory_space<vmem>> -> memref<128x64xf32, #tpu.memory_space<vmem>>
      %dma_wait3A_48 = arith.constant 0 : i32
      %dma_wait3A_49 = arith.constant 0 : i32
      %dma_wait3A_50 = tpu.memref_slice %arg2[%dma_wait3A_48, %dma_wait3A_49] : memref<10000x64xf32, #tpu.memory_space<hbm>> -> memref<128x64xf32, #tpu.memory_space<hbm>>
      tpu.wait_dma2 semaphore(%arg17 : memref<!tpu.dma_semaphore, #tpu.memory_space<semaphore_mem>>) src(%dma_wait3A_50 : memref<128x64xf32, #tpu.memory_space<hbm>>) dst(%dma_wait3A_47 : memref<128x64xf32, #tpu.memory_space<vmem>>)
      %dma_wait3A_51 = arith.constant 0 : i32
      %dma_wait3A_52 = arith.constant 0 : i32
      %dma_wait3A_53 = tpu.memref_slice %arg6[%dma_wait3A_51, %dma_wait3A_52] : memref<632x16xf32, #tpu.memory_space<hbm>> -> memref<128x16xf32, #tpu.memory_space<hbm>>
      %dma_wait3A_54 = arith.constant 0 : i32
      %dma_wait3A_55 = arith.constant 0 : i32
      %dma_wait3A_56 = tpu.memref_slice %arg6[%dma_wait3A_54, %dma_wait3A_55] : memref<632x16xf32, #tpu.memory_space<hbm>> -> memref<128x16xf32, #tpu.memory_space<hbm>>
      tpu.wait_dma2 semaphore(%arg21 : memref<!tpu.dma_semaphore, #tpu.memory_space<semaphore_mem>>) src(%dma_wait3A_56 : memref<128x16xf32, #tpu.memory_space<hbm>>) dst(%arg19 : memref<128x16xf32, #tpu.memory_space<vmem>>)
      %dma_wait3A_57 = arith.constant 1 : i32
      %dma_wait3A_58 = arith.constant 0 : i32
      %dma_wait3A_59 = arith.constant 0 : i32
      %dma_wait3A_60 = tpu.memref_slice %arg12[%dma_wait3A_57, %dma_wait3A_58, %dma_wait3A_59] : memref<2x128x64xf32, #tpu.memory_space<vmem>> -> memref<1x128x64xf32, #tpu.memory_space<vmem>>
      %dma_wait3A_61 = tpu.memref_squeeze %dma_wait3A_60 : memref<1x128x64xf32, #tpu.memory_space<vmem>> -> memref<128x64xf32, #tpu.memory_space<vmem>>
      %dma_wait3A_62 = arith.constant 0 : i32
      %dma_wait3A_63 = arith.constant 0 : i32
      %dma_wait3A_64 = tpu.memref_slice %arg2[%dma_wait3A_62, %dma_wait3A_63] : memref<10000x64xf32, #tpu.memory_space<hbm>> -> memref<128x64xf32, #tpu.memory_space<hbm>>
      %dma_wait3A_65 = arith.constant 0 : i32
      %dma_wait3A_66 = arith.constant 0 : i32
      %dma_wait3A_67 = tpu.memref_slice %arg12[%dma_wait3A_57, %dma_wait3A_65, %dma_wait3A_66] : memref<2x128x64xf32, #tpu.memory_space<vmem>> -> memref<1x128x64xf32, #tpu.memory_space<vmem>>
      %dma_wait3A_68 = tpu.memref_squeeze %dma_wait3A_67 : memref<1x128x64xf32, #tpu.memory_space<vmem>> -> memref<128x64xf32, #tpu.memory_space<vmem>>
      %dma_wait3A_69 = arith.constant 0 : i32
      %dma_wait3A_70 = arith.constant 0 : i32
      %dma_wait3A_71 = tpu.memref_slice %arg2[%dma_wait3A_69, %dma_wait3A_70] : memref<10000x64xf32, #tpu.memory_space<hbm>> -> memref<128x64xf32, #tpu.memory_space<hbm>>
      tpu.wait_dma2 semaphore(%arg17 : memref<!tpu.dma_semaphore, #tpu.memory_space<semaphore_mem>>) src(%dma_wait3A_71 : memref<128x64xf32, #tpu.memory_space<hbm>>) dst(%dma_wait3A_68 : memref<128x64xf32, #tpu.memory_space<vmem>>)
      %dma_wait3A_72 = arith.constant 0 : i32
      %dma_wait3A_73 = arith.constant 0 : i32
      %dma_wait3A_74 = tpu.memref_slice %arg6[%dma_wait3A_72, %dma_wait3A_73] : memref<632x16xf32, #tpu.memory_space<hbm>> -> memref<128x16xf32, #tpu.memory_space<hbm>>
      %dma_wait3A_75 = arith.constant 0 : i32
      %dma_wait3A_76 = arith.constant 0 : i32
      %dma_wait3A_77 = tpu.memref_slice %arg6[%dma_wait3A_75, %dma_wait3A_76] : memref<632x16xf32, #tpu.memory_space<hbm>> -> memref<128x16xf32, #tpu.memory_space<hbm>>
      tpu.wait_dma2 semaphore(%arg21 : memref<!tpu.dma_semaphore, #tpu.memory_space<semaphore_mem>>) src(%dma_wait3A_77 : memref<128x16xf32, #tpu.memory_space<hbm>>) dst(%arg19 : memref<128x16xf32, #tpu.memory_space<vmem>>)
      %dma_wait3A_78 = arith.constant 0 : i32
      %dma_wait3A_79 = arith.constant 0 : i32
      %dma_wait3A_80 = arith.constant 0 : i32
      %dma_wait3A_81 = tpu.memref_slice %arg13[%dma_wait3A_78, %dma_wait3A_79, %dma_wait3A_80] : memref<2x128x64xf32, #tpu.memory_space<vmem>> -> memref<1x128x64xf32, #tpu.memory_space<vmem>>
      %dma_wait3A_82 = tpu.memref_squeeze %dma_wait3A_81 : memref<1x128x64xf32, #tpu.memory_space<vmem>> -> memref<128x64xf32, #tpu.memory_space<vmem>>
      %dma_wait3A_83 = arith.constant 0 : i32
      %dma_wait3A_84 = arith.constant 0 : i32
      %dma_wait3A_85 = tpu.memref_slice %arg2[%dma_wait3A_83, %dma_wait3A_84] : memref<10000x64xf32, #tpu.memory_space<hbm>> -> memref<128x64xf32, #tpu.memory_space<hbm>>
      %dma_wait3A_86 = arith.constant 0 : i32
      %dma_wait3A_87 = arith.constant 0 : i32
      %dma_wait3A_88 = tpu.memref_slice %arg13[%dma_wait3A_78, %dma_wait3A_86, %dma_wait3A_87] : memref<2x128x64xf32, #tpu.memory_space<vmem>> -> memref<1x128x64xf32, #tpu.memory_space<vmem>>
      %dma_wait3A_89 = tpu.memref_squeeze %dma_wait3A_88 : memref<1x128x64xf32, #tpu.memory_space<vmem>> -> memref<128x64xf32, #tpu.memory_space<vmem>>
      %dma_wait3A_90 = arith.constant 0 : i32
      %dma_wait3A_91 = arith.constant 0 : i32
      %dma_wait3A_92 = tpu.memref_slice %arg2[%dma_wait3A_90, %dma_wait3A_91] : memref<10000x64xf32, #tpu.memory_space<hbm>> -> memref<128x64xf32, #tpu.memory_space<hbm>>
      tpu.wait_dma2 semaphore(%arg18 : memref<!tpu.dma_semaphore, #tpu.memory_space<semaphore_mem>>) src(%dma_wait3A_92 : memref<128x64xf32, #tpu.memory_space<hbm>>) dst(%dma_wait3A_89 : memref<128x64xf32, #tpu.memory_space<vmem>>)
      %dma_wait3A_93 = arith.constant 0 : i32
      %dma_wait3A_94 = arith.constant 0 : i32
      %dma_wait3A_95 = tpu.memref_slice %arg6[%dma_wait3A_93, %dma_wait3A_94] : memref<632x16xf32, #tpu.memory_space<hbm>> -> memref<128x16xf32, #tpu.memory_space<hbm>>
      %dma_wait3A_96 = arith.constant 0 : i32
      %dma_wait3A_97 = arith.constant 0 : i32
      %dma_wait3A_98 = tpu.memref_slice %arg6[%dma_wait3A_96, %dma_wait3A_97] : memref<632x16xf32, #tpu.memory_space<hbm>> -> memref<128x16xf32, #tpu.memory_space<hbm>>
      tpu.wait_dma2 semaphore(%arg21 : memref<!tpu.dma_semaphore, #tpu.memory_space<semaphore_mem>>) src(%dma_wait3A_98 : memref<128x16xf32, #tpu.memory_space<hbm>>) dst(%arg19 : memref<128x16xf32, #tpu.memory_space<vmem>>)
      %dma_wait3A_99 = arith.constant 1 : i32
      %dma_wait3A_100 = arith.constant 0 : i32
      %dma_wait3A_101 = arith.constant 0 : i32
      %dma_wait3A_102 = tpu.memref_slice %arg13[%dma_wait3A_99, %dma_wait3A_100, %dma_wait3A_101] : memref<2x128x64xf32, #tpu.memory_space<vmem>> -> memref<1x128x64xf32, #tpu.memory_space<vmem>>
      %dma_wait3A_103 = tpu.memref_squeeze %dma_wait3A_102 : memref<1x128x64xf32, #tpu.memory_space<vmem>> -> memref<128x64xf32, #tpu.memory_space<vmem>>
      %dma_wait3A_104 = arith.constant 0 : i32
      %dma_wait3A_105 = arith.constant 0 : i32
      %dma_wait3A_106 = tpu.memref_slice %arg2[%dma_wait3A_104, %dma_wait3A_105] : memref<10000x64xf32, #tpu.memory_space<hbm>> -> memref<128x64xf32, #tpu.memory_space<hbm>>
      %dma_wait3A_107 = arith.constant 0 : i32
      %dma_wait3A_108 = arith.constant 0 : i32
      %dma_wait3A_109 = tpu.memref_slice %arg13[%dma_wait3A_99, %dma_wait3A_107, %dma_wait3A_108] : memref<2x128x64xf32, #tpu.memory_space<vmem>> -> memref<1x128x64xf32, #tpu.memory_space<vmem>>
      %dma_wait3A_110 = tpu.memref_squeeze %dma_wait3A_109 : memref<1x128x64xf32, #tpu.memory_space<vmem>> -> memref<128x64xf32, #tpu.memory_space<vmem>>
      %dma_wait3A_111 = arith.constant 0 : i32
      %dma_wait3A_112 = arith.constant 0 : i32
      %dma_wait3A_113 = tpu.memref_slice %arg2[%dma_wait3A_111, %dma_wait3A_112] : memref<10000x64xf32, #tpu.memory_space<hbm>> -> memref<128x64xf32, #tpu.memory_space<hbm>>
      tpu.wait_dma2 semaphore(%arg18 : memref<!tpu.dma_semaphore, #tpu.memory_space<semaphore_mem>>) src(%dma_wait3A_113 : memref<128x64xf32, #tpu.memory_space<hbm>>) dst(%dma_wait3A_110 : memref<128x64xf32, #tpu.memory_space<vmem>>)
      %dma_wait3A_114 = arith.constant 0 : i32
      %dma_wait3A_115 = arith.constant 0 : i32
      %dma_wait3A_116 = tpu.memref_slice %arg6[%dma_wait3A_114, %dma_wait3A_115] : memref<632x16xf32, #tpu.memory_space<hbm>> -> memref<128x16xf32, #tpu.memory_space<hbm>>
      %dma_wait3A_117 = arith.constant 0 : i32
      %dma_wait3A_118 = arith.constant 0 : i32
      %dma_wait3A_119 = tpu.memref_slice %arg6[%dma_wait3A_117, %dma_wait3A_118] : memref<632x16xf32, #tpu.memory_space<hbm>> -> memref<128x16xf32, #tpu.memory_space<hbm>>
      tpu.wait_dma2 semaphore(%arg21 : memref<!tpu.dma_semaphore, #tpu.memory_space<semaphore_mem>>) src(%dma_wait3A_119 : memref<128x16xf32, #tpu.memory_space<hbm>>) dst(%arg19 : memref<128x16xf32, #tpu.memory_space<vmem>>)
    } else {
    }
    %barrier3A_28 = arith.constant 0 : index
    tpu.barrier barrier_id(%barrier3A_28)
    %mul3A_29 = arith.constant 632 : i32
    %mul3A_30 = arith.muli %arg1, %mul3A_29 : i32
    %mul3A_31 = arith.constant 632 : i32
    %mul3A_32 = arith.muli %arg1, %mul3A_31 : i32
    "tpu.region"() ({
      %run_scoped3A = tpu.sem_alloc : memref<!tpu.dma_semaphore, #tpu.memory_space<semaphore_mem>>
      %dma_start3A = arith.constant 0 : i32
      %dma_start3A_37 = tpu.memref_slice %arg8[%arg0, %mul3A_32, %dma_start3A] : memref<2x10112x64xf32, #tpu.memory_space<hbm>> -> memref<1x632x64xf32, #tpu.memory_space<hbm>>
      %dma_start3A_38 = tpu.memref_squeeze %dma_start3A_37 : memref<1x632x64xf32, #tpu.memory_space<hbm>> -> memref<632x64xf32, #tpu.memory_space<hbm>>
      %dma_start3A_39 = arith.constant 0 : i32
      %dma_start3A_40 = tpu.memref_slice %arg15[%mul3A_30, %dma_start3A_39] : memref<10112x64xf32, #tpu.memory_space<vmem_shared>> -> memref<632x64xf32, #tpu.memory_space<vmem_shared>>
      tpu.enqueue_dma source(%dma_start3A_40 : memref<632x64xf32, #tpu.memory_space<vmem_shared>>) target(%dma_start3A_38 : memref<632x64xf32, #tpu.memory_space<hbm>>) target_semaphore(%run_scoped3A : memref<!tpu.dma_semaphore, #tpu.memory_space<semaphore_mem>>)
      %dma_wait3A = arith.constant 0 : i32
      %dma_wait3A_41 = tpu.memref_slice %arg8[%arg0, %mul3A_32, %dma_wait3A] : memref<2x10112x64xf32, #tpu.memory_space<hbm>> -> memref<1x632x64xf32, #tpu.memory_space<hbm>>
      %dma_wait3A_42 = tpu.memref_squeeze %dma_wait3A_41 : memref<1x632x64xf32, #tpu.memory_space<hbm>> -> memref<632x64xf32, #tpu.memory_space<hbm>>
      %dma_wait3A_43 = arith.constant 0 : i32
      %dma_wait3A_44 = tpu.memref_slice %arg15[%mul3A_30, %dma_wait3A_43] : memref<10112x64xf32, #tpu.memory_space<vmem_shared>> -> memref<632x64xf32, #tpu.memory_space<vmem_shared>>
      tpu.wait_dma2 semaphore(%run_scoped3A : memref<!tpu.dma_semaphore, #tpu.memory_space<semaphore_mem>>) src(%dma_wait3A_44 : memref<632x64xf32, #tpu.memory_space<vmem_shared>>) dst(%dma_wait3A_42 : memref<632x64xf32, #tpu.memory_space<hbm>>)
      tpu.yield
    }) : () -> ()
    %mul3A_33 = arith.constant 632 : i32
    %mul3A_34 = arith.muli %arg1, %mul3A_33 : i32
    %mul3A_35 = arith.constant 632 : i32
    %mul3A_36 = arith.muli %arg1, %mul3A_35 : i32
    "tpu.region"() ({
      %run_scoped3A = tpu.sem_alloc : memref<!tpu.dma_semaphore, #tpu.memory_space<semaphore_mem>>
      %dma_start3A = arith.constant 0 : i32
      %dma_start3A_37 = tpu.memref_slice %arg9[%arg0, %mul3A_36, %dma_start3A] : memref<2x10112x16xf32, #tpu.memory_space<hbm>> -> memref<1x632x16xf32, #tpu.memory_space<hbm>>
      %dma_start3A_38 = tpu.memref_squeeze %dma_start3A_37 : memref<1x632x16xf32, #tpu.memory_space<hbm>> -> memref<632x16xf32, #tpu.memory_space<hbm>>
      %dma_start3A_39 = arith.constant 0 : i32
      %dma_start3A_40 = tpu.memref_slice %arg20[%mul3A_34, %dma_start3A_39] : memref<10112x16xf32, #tpu.memory_space<vmem_shared>> -> memref<632x16xf32, #tpu.memory_space<vmem_shared>>
      tpu.enqueue_dma source(%dma_start3A_40 : memref<632x16xf32, #tpu.memory_space<vmem_shared>>) target(%dma_start3A_38 : memref<632x16xf32, #tpu.memory_space<hbm>>) target_semaphore(%run_scoped3A : memref<!tpu.dma_semaphore, #tpu.memory_space<semaphore_mem>>)
      %dma_wait3A = arith.constant 0 : i32
      %dma_wait3A_41 = tpu.memref_slice %arg9[%arg0, %mul3A_36, %dma_wait3A] : memref<2x10112x16xf32, #tpu.memory_space<hbm>> -> memref<1x632x16xf32, #tpu.memory_space<hbm>>
      %dma_wait3A_42 = tpu.memref_squeeze %dma_wait3A_41 : memref<1x632x16xf32, #tpu.memory_space<hbm>> -> memref<632x16xf32, #tpu.memory_space<hbm>>
      %dma_wait3A_43 = arith.constant 0 : i32
      %dma_wait3A_44 = tpu.memref_slice %arg20[%mul3A_34, %dma_wait3A_43] : memref<10112x16xf32, #tpu.memory_space<vmem_shared>> -> memref<632x16xf32, #tpu.memory_space<vmem_shared>>
      tpu.wait_dma2 semaphore(%run_scoped3A : memref<!tpu.dma_semaphore, #tpu.memory_space<semaphore_mem>>) src(%dma_wait3A_44 : memref<632x16xf32, #tpu.memory_space<vmem_shared>>) dst(%dma_wait3A_42 : memref<632x16xf32, #tpu.memory_space<hbm>>)
      tpu.yield
    }) : () -> ()
    return
  }
}

#map = affine_map<(d0, d1) -> (0, 0)>
#map1 = affine_map<(d0, d1) -> (0, 0, 0)>
module attributes {stable_mosaic.version = 14 : i64} {
  func.func @segsum(%arg0: i32, %arg1: i32, %arg2: memref<10000x64xf32, #tpu.memory_space<hbm>>, %arg3: memref<2560x128xi32, #tpu.memory_space<hbm>>, %arg4: memref<2560x128xi32, #tpu.memory_space<hbm>>, %arg5: memref<632x64xf32, #tpu.memory_space<hbm>>, %arg6: memref<632x16xf32, #tpu.memory_space<hbm>>, %arg7: memref<128x16xf32, #tpu.memory_space<hbm>>, %arg8: memref<2x10112x64xf32, #tpu.memory_space<hbm>>, %arg9: memref<2x2x128xi32, #tpu.memory_space<vmem>>, %arg10: memref<2x2x128xi32, #tpu.memory_space<vmem>>, %arg11: memref<2x128x64xf32, #tpu.memory_space<vmem>>, %arg12: memref<2x128x64xf32, #tpu.memory_space<vmem>>, %arg13: memref<10000x64xf32, #tpu.memory_space<vmem_shared>>, %arg14: memref<10112x64xf32, #tpu.memory_space<vmem_shared>>, %arg15: memref<!tpu.dma_semaphore, #tpu.memory_space<semaphore_mem>>, %arg16: memref<!tpu.dma_semaphore, #tpu.memory_space<semaphore_mem>>, %arg17: memref<!tpu.dma_semaphore, #tpu.memory_space<semaphore_mem>>) attributes {dimension_semantics = [#tpu.dimension_semantics<core_parallel>, #tpu.dimension_semantics<subcore_parallel>], iteration_bounds = array<i64: 2, 16>, scalar_prefetch = 0 : i64, scratch_operands = 9 : i64, tpu.core_type = #tpu.core_type<sc_vector_subcore>, window_params = [{transform_indices = #map}, {transform_indices = #map}, {transform_indices = #map}, {transform_indices = #map}, {transform_indices = #map}, {transform_indices = #map}, {transform_indices = #map1}]} {
    %mul3A = arith.constant 625 : i32
    %mul3A_0 = arith.muli %arg1, %mul3A : i32
    %mul3A_1 = arith.constant 625 : i32
    %mul3A_2 = arith.muli %arg1, %mul3A_1 : i32
    "tpu.region"() ({
      %run_scoped3A = tpu.sem_alloc : memref<!tpu.dma_semaphore, #tpu.memory_space<semaphore_mem>>
      %dma_start3A = arith.constant 0 : i32
      %dma_start3A_31 = tpu.memref_slice %arg13[%mul3A_2, %dma_start3A] : memref<10000x64xf32, #tpu.memory_space<vmem_shared>> -> memref<625x64xf32, #tpu.memory_space<vmem_shared>>
      %dma_start3A_32 = arith.constant 0 : i32
      %dma_start3A_33 = tpu.memref_slice %arg2[%mul3A_0, %dma_start3A_32] : memref<10000x64xf32, #tpu.memory_space<hbm>> -> memref<625x64xf32, #tpu.memory_space<hbm>>
      tpu.enqueue_dma source(%dma_start3A_33 : memref<625x64xf32, #tpu.memory_space<hbm>>) target(%dma_start3A_31 : memref<625x64xf32, #tpu.memory_space<vmem_shared>>) target_semaphore(%run_scoped3A : memref<!tpu.dma_semaphore, #tpu.memory_space<semaphore_mem>>)
      %dma_wait3A = arith.constant 0 : i32
      %dma_wait3A_34 = tpu.memref_slice %arg13[%mul3A_2, %dma_wait3A] : memref<10000x64xf32, #tpu.memory_space<vmem_shared>> -> memref<625x64xf32, #tpu.memory_space<vmem_shared>>
      %dma_wait3A_35 = arith.constant 0 : i32
      %dma_wait3A_36 = tpu.memref_slice %arg2[%mul3A_0, %dma_wait3A_35] : memref<10000x64xf32, #tpu.memory_space<hbm>> -> memref<625x64xf32, #tpu.memory_space<hbm>>
      tpu.wait_dma2 semaphore(%run_scoped3A : memref<!tpu.dma_semaphore, #tpu.memory_space<semaphore_mem>>) src(%dma_wait3A_36 : memref<625x64xf32, #tpu.memory_space<hbm>>) dst(%dma_wait3A_34 : memref<625x64xf32, #tpu.memory_space<vmem_shared>>)
      tpu.yield
    }) : () -> ()
    %mul3A_3 = arith.constant 632 : i32
    %mul3A_4 = arith.muli %arg1, %mul3A_3 : i32
    "tpu.region"() ({
      %run_scoped3A = tpu.sem_alloc : memref<!tpu.dma_semaphore, #tpu.memory_space<semaphore_mem>>
      %dma_start3A = arith.constant 0 : i32
      %dma_start3A_31 = tpu.memref_slice %arg14[%mul3A_4, %dma_start3A] : memref<10112x64xf32, #tpu.memory_space<vmem_shared>> -> memref<632x64xf32, #tpu.memory_space<vmem_shared>>
      tpu.enqueue_dma source(%arg5 : memref<632x64xf32, #tpu.memory_space<hbm>>) target(%dma_start3A_31 : memref<632x64xf32, #tpu.memory_space<vmem_shared>>) target_semaphore(%run_scoped3A : memref<!tpu.dma_semaphore, #tpu.memory_space<semaphore_mem>>)
      %dma_wait3A = arith.constant 0 : i32
      %dma_wait3A_32 = tpu.memref_slice %arg14[%mul3A_4, %dma_wait3A] : memref<10112x64xf32, #tpu.memory_space<vmem_shared>> -> memref<632x64xf32, #tpu.memory_space<vmem_shared>>
      tpu.wait_dma2 semaphore(%run_scoped3A : memref<!tpu.dma_semaphore, #tpu.memory_space<semaphore_mem>>) src(%arg5 : memref<632x64xf32, #tpu.memory_space<hbm>>) dst(%dma_wait3A_32 : memref<632x64xf32, #tpu.memory_space<vmem_shared>>)
      tpu.yield
    }) : () -> ()
    %barrier3A = arith.constant 0 : index
    tpu.barrier barrier_id(%barrier3A)
    %eq3A = arith.constant 0 : i32
    %eq3A_5 = arith.cmpi eq, %arg0, %eq3A : i32
    %mul3A_6 = arith.constant 80 : i32
    %mul3A_7 = arith.muli %arg1, %mul3A_6 : i32
    %mul3A_8 = arith.constant 80 : i32
    %mul3A_9 = arith.muli %arg1, %mul3A_8 : i32
    %add3A = arith.constant 1280 : i32
    %add3A_10 = arith.addi %add3A, %mul3A_9 : i32
    %select_n3A = arith.select %eq3A_5, %mul3A_7, %add3A_10 : i32
    %eq3A_11 = arith.constant 0 : i32
    %eq3A_12 = arith.cmpi eq, %arg0, %eq3A_11 : i32
    %jit3A = arith.constant 20 : i32
    %jit3A_13 = arith.constant 20 : i32
    %select_n3A_14 = arith.select %eq3A_12, %jit3A, %jit3A_13 : i32
    %while3A = arith.constant 0 : i32
    %while3A_15 = arith.constant 0 : i32
    %while3A_16 = arith.subi %select_n3A_14, %while3A_15 : i32
    %while3A_17 = arith.addi %while3A_15, %while3A_16 : i32
    %while3A_18 = arith.constant 1 : i32
    %while3A_19 = arith.divsi %while3A_16, %while3A_18 : i32
    %while3A_20 = arith.muli %while3A_19, %while3A_18 : i32
    %while3A_21 = arith.addi %while3A_15, %while3A_20 : i32
    %while3A_22 = arith.constant 1 : i32
    scf.for %while3A_31 = %while3A_15 to %while3A_21 step %while3A_22  : i32 {
      %mul3A_32 = arith.constant 4 : i32
      %mul3A_33 = arith.muli %while3A_31, %mul3A_32 : i32
      %add3A_34 = arith.addi %select_n3A, %mul3A_33 : i32
      %add3A_35 = arith.constant 0 : i32
      %add3A_36 = arith.addi %add3A_34, %add3A_35 : i32
      %gt3A_37 = arith.constant 0 : i32
      %gt3A_38 = arith.cmpi sgt, %while3A_31, %gt3A_37 : i32
      %convert_element_type3A_39 = arith.extui %gt3A_38 : i1 to i32
      %cond3A_40 = arith.constant 0 : i32
      %cond3A_41 = arith.cmpi ne, %convert_element_type3A_39, %cond3A_40 : i32
      scf.if %cond3A_41 {
        %dma_wait3A_209 = arith.constant 0 : i32
        %dma_wait3A_210 = arith.constant 0 : i32
        %dma_wait3A_211 = arith.constant 0 : i32
        %dma_wait3A_212 = tpu.memref_slice %arg11[%dma_wait3A_209, %dma_wait3A_210, %dma_wait3A_211] : memref<2x128x64xf32, #tpu.memory_space<vmem>> -> memref<1x128x64xf32, #tpu.memory_space<vmem>>
        %dma_wait3A_213 = tpu.memref_squeeze %dma_wait3A_212 : memref<1x128x64xf32, #tpu.memory_space<vmem>> -> memref<128x64xf32, #tpu.memory_space<vmem>>
        %dma_wait3A_214 = arith.constant 0 : i32
        %dma_wait3A_215 = arith.constant 0 : i32
        %dma_wait3A_216 = tpu.memref_slice %arg2[%dma_wait3A_214, %dma_wait3A_215] : memref<10000x64xf32, #tpu.memory_space<hbm>> -> memref<128x64xf32, #tpu.memory_space<hbm>>
        %dma_wait3A_217 = arith.constant 0 : i32
        %dma_wait3A_218 = arith.constant 0 : i32
        %dma_wait3A_219 = tpu.memref_slice %arg11[%dma_wait3A_209, %dma_wait3A_217, %dma_wait3A_218] : memref<2x128x64xf32, #tpu.memory_space<vmem>> -> memref<1x128x64xf32, #tpu.memory_space<vmem>>
        %dma_wait3A_220 = tpu.memref_squeeze %dma_wait3A_219 : memref<1x128x64xf32, #tpu.memory_space<vmem>> -> memref<128x64xf32, #tpu.memory_space<vmem>>
        %dma_wait3A_221 = arith.constant 0 : i32
        %dma_wait3A_222 = arith.constant 0 : i32
        %dma_wait3A_223 = tpu.memref_slice %arg2[%dma_wait3A_221, %dma_wait3A_222] : memref<10000x64xf32, #tpu.memory_space<hbm>> -> memref<128x64xf32, #tpu.memory_space<hbm>>
        tpu.wait_dma2 semaphore(%arg16 : memref<!tpu.dma_semaphore, #tpu.memory_space<semaphore_mem>>) src(%dma_wait3A_223 : memref<128x64xf32, #tpu.memory_space<hbm>>) dst(%dma_wait3A_220 : memref<128x64xf32, #tpu.memory_space<vmem>>)
        %dma_wait3A_224 = arith.constant 1 : i32
        %dma_wait3A_225 = arith.constant 0 : i32
        %dma_wait3A_226 = arith.constant 0 : i32
        %dma_wait3A_227 = tpu.memref_slice %arg11[%dma_wait3A_224, %dma_wait3A_225, %dma_wait3A_226] : memref<2x128x64xf32, #tpu.memory_space<vmem>> -> memref<1x128x64xf32, #tpu.memory_space<vmem>>
        %dma_wait3A_228 = tpu.memref_squeeze %dma_wait3A_227 : memref<1x128x64xf32, #tpu.memory_space<vmem>> -> memref<128x64xf32, #tpu.memory_space<vmem>>
        %dma_wait3A_229 = arith.constant 0 : i32
        %dma_wait3A_230 = arith.constant 0 : i32
        %dma_wait3A_231 = tpu.memref_slice %arg2[%dma_wait3A_229, %dma_wait3A_230] : memref<10000x64xf32, #tpu.memory_space<hbm>> -> memref<128x64xf32, #tpu.memory_space<hbm>>
        %dma_wait3A_232 = arith.constant 0 : i32
        %dma_wait3A_233 = arith.constant 0 : i32
        %dma_wait3A_234 = tpu.memref_slice %arg11[%dma_wait3A_224, %dma_wait3A_232, %dma_wait3A_233] : memref<2x128x64xf32, #tpu.memory_space<vmem>> -> memref<1x128x64xf32, #tpu.memory_space<vmem>>
        %dma_wait3A_235 = tpu.memref_squeeze %dma_wait3A_234 : memref<1x128x64xf32, #tpu.memory_space<vmem>> -> memref<128x64xf32, #tpu.memory_space<vmem>>
        %dma_wait3A_236 = arith.constant 0 : i32
        %dma_wait3A_237 = arith.constant 0 : i32
        %dma_wait3A_238 = tpu.memref_slice %arg2[%dma_wait3A_236, %dma_wait3A_237] : memref<10000x64xf32, #tpu.memory_space<hbm>> -> memref<128x64xf32, #tpu.memory_space<hbm>>
        tpu.wait_dma2 semaphore(%arg16 : memref<!tpu.dma_semaphore, #tpu.memory_space<semaphore_mem>>) src(%dma_wait3A_238 : memref<128x64xf32, #tpu.memory_space<hbm>>) dst(%dma_wait3A_235 : memref<128x64xf32, #tpu.memory_space<vmem>>)
      } else {
      }
      %run_scoped3A = arith.constant 0 : i32
      "tpu.region"() ({
        %run_scoped3A_209 = tpu.sem_alloc : memref<!tpu.dma_semaphore, #tpu.memory_space<semaphore_mem>>
        %dma_start3A_210 = arith.constant 0 : i32
        %dma_start3A_211 = arith.constant 0 : i32
        %dma_start3A_212 = tpu.memref_slice %arg9[%run_scoped3A, %dma_start3A_210, %dma_start3A_211] : memref<2x2x128xi32, #tpu.memory_space<vmem>> -> memref<1x2x128xi32, #tpu.memory_space<vmem>>
        %dma_start3A_213 = tpu.memref_squeeze %dma_start3A_212 : memref<1x2x128xi32, #tpu.memory_space<vmem>> -> memref<2x128xi32, #tpu.memory_space<vmem>>
        %dma_start3A_214 = arith.constant 0 : i32
        %dma_start3A_215 = tpu.memref_slice %arg3[%add3A_36, %dma_start3A_214] : memref<2560x128xi32, #tpu.memory_space<hbm>> -> memref<2x128xi32, #tpu.memory_space<hbm>>
        %dma_start3A_216 = arith.constant 0 : i32
        %dma_start3A_217 = arith.constant 0 : i32
        %dma_start3A_218 = tpu.memref_slice %arg9[%run_scoped3A, %dma_start3A_216, %dma_start3A_217] : memref<2x2x128xi32, #tpu.memory_space<vmem>> -> memref<1x2x128xi32, #tpu.memory_space<vmem>>
        %dma_start3A_219 = tpu.memref_squeeze %dma_start3A_218 : memref<1x2x128xi32, #tpu.memory_space<vmem>> -> memref<2x128xi32, #tpu.memory_space<vmem>>
        %dma_start3A_220 = arith.constant 0 : i32
        %dma_start3A_221 = tpu.memref_slice %arg3[%add3A_36, %dma_start3A_220] : memref<2560x128xi32, #tpu.memory_space<hbm>> -> memref<2x128xi32, #tpu.memory_space<hbm>>
        tpu.enqueue_dma source(%dma_start3A_221 : memref<2x128xi32, #tpu.memory_space<hbm>>) target(%dma_start3A_219 : memref<2x128xi32, #tpu.memory_space<vmem>>) target_semaphore(%run_scoped3A_209 : memref<!tpu.dma_semaphore, #tpu.memory_space<semaphore_mem>>)
        %dma_wait3A_222 = arith.constant 0 : i32
        %dma_wait3A_223 = arith.constant 0 : i32
        %dma_wait3A_224 = tpu.memref_slice %arg9[%run_scoped3A, %dma_wait3A_222, %dma_wait3A_223] : memref<2x2x128xi32, #tpu.memory_space<vmem>> -> memref<1x2x128xi32, #tpu.memory_space<vmem>>
        %dma_wait3A_225 = tpu.memref_squeeze %dma_wait3A_224 : memref<1x2x128xi32, #tpu.memory_space<vmem>> -> memref<2x128xi32, #tpu.memory_space<vmem>>
        %dma_wait3A_226 = arith.constant 0 : i32
        %dma_wait3A_227 = tpu.memref_slice %arg3[%add3A_36, %dma_wait3A_226] : memref<2560x128xi32, #tpu.memory_space<hbm>> -> memref<2x128xi32, #tpu.memory_space<hbm>>
        %dma_wait3A_228 = arith.constant 0 : i32
        %dma_wait3A_229 = arith.constant 0 : i32
        %dma_wait3A_230 = tpu.memref_slice %arg9[%run_scoped3A, %dma_wait3A_228, %dma_wait3A_229] : memref<2x2x128xi32, #tpu.memory_space<vmem>> -> memref<1x2x128xi32, #tpu.memory_space<vmem>>
        %dma_wait3A_231 = tpu.memref_squeeze %dma_wait3A_230 : memref<1x2x128xi32, #tpu.memory_space<vmem>> -> memref<2x128xi32, #tpu.memory_space<vmem>>
        %dma_wait3A_232 = arith.constant 0 : i32
        %dma_wait3A_233 = tpu.memref_slice %arg3[%add3A_36, %dma_wait3A_232] : memref<2560x128xi32, #tpu.memory_space<hbm>> -> memref<2x128xi32, #tpu.memory_space<hbm>>
        tpu.wait_dma2 semaphore(%run_scoped3A_209 : memref<!tpu.dma_semaphore, #tpu.memory_space<semaphore_mem>>) src(%dma_wait3A_233 : memref<2x128xi32, #tpu.memory_space<hbm>>) dst(%dma_wait3A_231 : memref<2x128xi32, #tpu.memory_space<vmem>>)
        tpu.yield
      }) : () -> ()
      %run_scoped3A_42 = arith.constant 0 : i32
      "tpu.region"() ({
        %run_scoped3A_209 = tpu.sem_alloc : memref<!tpu.dma_semaphore, #tpu.memory_space<semaphore_mem>>
        %dma_start3A_210 = arith.constant 0 : i32
        %dma_start3A_211 = arith.constant 0 : i32
        %dma_start3A_212 = tpu.memref_slice %arg10[%run_scoped3A_42, %dma_start3A_210, %dma_start3A_211] : memref<2x2x128xi32, #tpu.memory_space<vmem>> -> memref<1x2x128xi32, #tpu.memory_space<vmem>>
        %dma_start3A_213 = tpu.memref_squeeze %dma_start3A_212 : memref<1x2x128xi32, #tpu.memory_space<vmem>> -> memref<2x128xi32, #tpu.memory_space<vmem>>
        %dma_start3A_214 = arith.constant 0 : i32
        %dma_start3A_215 = tpu.memref_slice %arg4[%add3A_36, %dma_start3A_214] : memref<2560x128xi32, #tpu.memory_space<hbm>> -> memref<2x128xi32, #tpu.memory_space<hbm>>
        %dma_start3A_216 = arith.constant 0 : i32
        %dma_start3A_217 = arith.constant 0 : i32
        %dma_start3A_218 = tpu.memref_slice %arg10[%run_scoped3A_42, %dma_start3A_216, %dma_start3A_217] : memref<2x2x128xi32, #tpu.memory_space<vmem>> -> memref<1x2x128xi32, #tpu.memory_space<vmem>>
        %dma_start3A_219 = tpu.memref_squeeze %dma_start3A_218 : memref<1x2x128xi32, #tpu.memory_space<vmem>> -> memref<2x128xi32, #tpu.memory_space<vmem>>
        %dma_start3A_220 = arith.constant 0 : i32
        %dma_start3A_221 = tpu.memref_slice %arg4[%add3A_36, %dma_start3A_220] : memref<2560x128xi32, #tpu.memory_space<hbm>> -> memref<2x128xi32, #tpu.memory_space<hbm>>
        tpu.enqueue_dma source(%dma_start3A_221 : memref<2x128xi32, #tpu.memory_space<hbm>>) target(%dma_start3A_219 : memref<2x128xi32, #tpu.memory_space<vmem>>) target_semaphore(%run_scoped3A_209 : memref<!tpu.dma_semaphore, #tpu.memory_space<semaphore_mem>>)
        %dma_wait3A_222 = arith.constant 0 : i32
        %dma_wait3A_223 = arith.constant 0 : i32
        %dma_wait3A_224 = tpu.memref_slice %arg10[%run_scoped3A_42, %dma_wait3A_222, %dma_wait3A_223] : memref<2x2x128xi32, #tpu.memory_space<vmem>> -> memref<1x2x128xi32, #tpu.memory_space<vmem>>
        %dma_wait3A_225 = tpu.memref_squeeze %dma_wait3A_224 : memref<1x2x128xi32, #tpu.memory_space<vmem>> -> memref<2x128xi32, #tpu.memory_space<vmem>>
        %dma_wait3A_226 = arith.constant 0 : i32
        %dma_wait3A_227 = tpu.memref_slice %arg4[%add3A_36, %dma_wait3A_226] : memref<2560x128xi32, #tpu.memory_space<hbm>> -> memref<2x128xi32, #tpu.memory_space<hbm>>
        %dma_wait3A_228 = arith.constant 0 : i32
        %dma_wait3A_229 = arith.constant 0 : i32
        %dma_wait3A_230 = tpu.memref_slice %arg10[%run_scoped3A_42, %dma_wait3A_228, %dma_wait3A_229] : memref<2x2x128xi32, #tpu.memory_space<vmem>> -> memref<1x2x128xi32, #tpu.memory_space<vmem>>
        %dma_wait3A_231 = tpu.memref_squeeze %dma_wait3A_230 : memref<1x2x128xi32, #tpu.memory_space<vmem>> -> memref<2x128xi32, #tpu.memory_space<vmem>>
        %dma_wait3A_232 = arith.constant 0 : i32
        %dma_wait3A_233 = tpu.memref_slice %arg4[%add3A_36, %dma_wait3A_232] : memref<2560x128xi32, #tpu.memory_space<hbm>> -> memref<2x128xi32, #tpu.memory_space<hbm>>
        tpu.wait_dma2 semaphore(%run_scoped3A_209 : memref<!tpu.dma_semaphore, #tpu.memory_space<semaphore_mem>>) src(%dma_wait3A_233 : memref<2x128xi32, #tpu.memory_space<hbm>>) dst(%dma_wait3A_231 : memref<2x128xi32, #tpu.memory_space<vmem>>)
        tpu.yield
      }) : () -> ()
      %dma_start3A = arith.constant 0 : i32
      %dma_start3A_43 = arith.constant 0 : i32
      %dma_start3A_44 = arith.constant 0 : i32
      %dma_start3A_45 = arith.constant 0 : i32
      %dma_start3A_46 = arith.constant 0 : i32
      %dma_start3A_47 = tpu.memref_slice %arg11[%dma_start3A_44, %dma_start3A_45, %dma_start3A_46] : memref<2x128x64xf32, #tpu.memory_space<vmem>> -> memref<1x128x64xf32, #tpu.memory_space<vmem>>
      %dma_start3A_48 = tpu.memref_squeeze %dma_start3A_47 : memref<1x128x64xf32, #tpu.memory_space<vmem>> -> memref<128x64xf32, #tpu.memory_space<vmem>>
      %dma_start3A_49 = arith.constant 0 : i32
      %dma_start3A_50 = tpu.memref_slice %arg9[%dma_start3A, %dma_start3A_43, %dma_start3A_49] : memref<2x2x128xi32, #tpu.memory_space<vmem>> -> memref<1x1x128xi32, #tpu.memory_space<vmem>>
      %dma_start3A_51 = tpu.memref_squeeze %dma_start3A_50 : memref<1x1x128xi32, #tpu.memory_space<vmem>> -> memref<128xi32, #tpu.memory_space<vmem>>
      %dma_start3A_52 = arith.constant 0 : i32
      %dma_start3A_53 = arith.constant 0 : i32
      %dma_start3A_54 = tpu.memref_slice %arg13[%dma_start3A_52, %dma_start3A_53] : memref<10000x64xf32, #tpu.memory_space<vmem_shared>> -> memref<10000x64xf32, #tpu.memory_space<vmem_shared>>
      tpu.enqueue_indirect_dma source(%dma_start3A_54 : memref<10000x64xf32, #tpu.memory_space<vmem_shared>>) target(%dma_start3A_48 : memref<128x64xf32, #tpu.memory_space<vmem>>) offsets(%dma_start3A_51 : memref<128xi32, #tpu.memory_space<vmem>>) semaphore(%arg15 : memref<!tpu.dma_semaphore, #tpu.memory_space<semaphore_mem>>)
      %dma_start3A_55 = arith.constant 0 : i32
      %dma_start3A_56 = arith.constant 1 : i32
      %dma_start3A_57 = arith.constant 1 : i32
      %dma_start3A_58 = arith.constant 0 : i32
      %dma_start3A_59 = arith.constant 0 : i32
      %dma_start3A_60 = tpu.memref_slice %arg11[%dma_start3A_57, %dma_start3A_58, %dma_start3A_59] : memref<2x128x64xf32, #tpu.memory_space<vmem>> -> memref<1x128x64xf32, #tpu.memory_space<vmem>>
      %dma_start3A_61 = tpu.memref_squeeze %dma_start3A_60 : memref<1x128x64xf32, #tpu.memory_space<vmem>> -> memref<128x64xf32, #tpu.memory_space<vmem>>
      %dma_start3A_62 = arith.constant 0 : i32
      %dma_start3A_63 = tpu.memref_slice %arg9[%dma_start3A_55, %dma_start3A_56, %dma_start3A_62] : memref<2x2x128xi32, #tpu.memory_space<vmem>> -> memref<1x1x128xi32, #tpu.memory_space<vmem>>
      %dma_start3A_64 = tpu.memref_squeeze %dma_start3A_63 : memref<1x1x128xi32, #tpu.memory_space<vmem>> -> memref<128xi32, #tpu.memory_space<vmem>>
      %dma_start3A_65 = arith.constant 0 : i32
      %dma_start3A_66 = arith.constant 0 : i32
      %dma_start3A_67 = tpu.memref_slice %arg13[%dma_start3A_65, %dma_start3A_66] : memref<10000x64xf32, #tpu.memory_space<vmem_shared>> -> memref<10000x64xf32, #tpu.memory_space<vmem_shared>>
      tpu.enqueue_indirect_dma source(%dma_start3A_67 : memref<10000x64xf32, #tpu.memory_space<vmem_shared>>) target(%dma_start3A_61 : memref<128x64xf32, #tpu.memory_space<vmem>>) offsets(%dma_start3A_64 : memref<128xi32, #tpu.memory_space<vmem>>) semaphore(%arg15 : memref<!tpu.dma_semaphore, #tpu.memory_space<semaphore_mem>>)
      %dma_wait3A = arith.constant 0 : i32
      %dma_wait3A_68 = arith.constant 0 : i32
      %dma_wait3A_69 = arith.constant 0 : i32
      %dma_wait3A_70 = arith.constant 0 : i32
      %dma_wait3A_71 = arith.constant 0 : i32
      %dma_wait3A_72 = tpu.memref_slice %arg11[%dma_wait3A_69, %dma_wait3A_70, %dma_wait3A_71] : memref<2x128x64xf32, #tpu.memory_space<vmem>> -> memref<1x128x64xf32, #tpu.memory_space<vmem>>
      %dma_wait3A_73 = tpu.memref_squeeze %dma_wait3A_72 : memref<1x128x64xf32, #tpu.memory_space<vmem>> -> memref<128x64xf32, #tpu.memory_space<vmem>>
      %dma_wait3A_74 = arith.constant 0 : i32
      %dma_wait3A_75 = tpu.memref_slice %arg9[%dma_wait3A, %dma_wait3A_68, %dma_wait3A_74] : memref<2x2x128xi32, #tpu.memory_space<vmem>> -> memref<1x1x128xi32, #tpu.memory_space<vmem>>
      %dma_wait3A_76 = tpu.memref_squeeze %dma_wait3A_75 : memref<1x1x128xi32, #tpu.memory_space<vmem>> -> memref<128xi32, #tpu.memory_space<vmem>>
      %dma_wait3A_77 = arith.constant 0 : i32
      %dma_wait3A_78 = arith.constant 0 : i32
      %dma_wait3A_79 = tpu.memref_slice %arg13[%dma_wait3A_77, %dma_wait3A_78] : memref<10000x64xf32, #tpu.memory_space<vmem_shared>> -> memref<10000x64xf32, #tpu.memory_space<vmem_shared>>
      tpu.wait_indirect_dma semaphore(%arg15 : memref<!tpu.dma_semaphore, #tpu.memory_space<semaphore_mem>>) src(%dma_wait3A_79 : memref<10000x64xf32, #tpu.memory_space<vmem_shared>>) dst(%dma_wait3A_73 : memref<128x64xf32, #tpu.memory_space<vmem>>)
      %dma_wait3A_80 = arith.constant 0 : i32
      %dma_wait3A_81 = arith.constant 1 : i32
      %dma_wait3A_82 = arith.constant 1 : i32
      %dma_wait3A_83 = arith.constant 0 : i32
      %dma_wait3A_84 = arith.constant 0 : i32
      %dma_wait3A_85 = tpu.memref_slice %arg11[%dma_wait3A_82, %dma_wait3A_83, %dma_wait3A_84] : memref<2x128x64xf32, #tpu.memory_space<vmem>> -> memref<1x128x64xf32, #tpu.memory_space<vmem>>
      %dma_wait3A_86 = tpu.memref_squeeze %dma_wait3A_85 : memref<1x128x64xf32, #tpu.memory_space<vmem>> -> memref<128x64xf32, #tpu.memory_space<vmem>>
      %dma_wait3A_87 = arith.constant 0 : i32
      %dma_wait3A_88 = tpu.memref_slice %arg9[%dma_wait3A_80, %dma_wait3A_81, %dma_wait3A_87] : memref<2x2x128xi32, #tpu.memory_space<vmem>> -> memref<1x1x128xi32, #tpu.memory_space<vmem>>
      %dma_wait3A_89 = tpu.memref_squeeze %dma_wait3A_88 : memref<1x1x128xi32, #tpu.memory_space<vmem>> -> memref<128xi32, #tpu.memory_space<vmem>>
      %dma_wait3A_90 = arith.constant 0 : i32
      %dma_wait3A_91 = arith.constant 0 : i32
      %dma_wait3A_92 = tpu.memref_slice %arg13[%dma_wait3A_90, %dma_wait3A_91] : memref<10000x64xf32, #tpu.memory_space<vmem_shared>> -> memref<10000x64xf32, #tpu.memory_space<vmem_shared>>
      tpu.wait_indirect_dma semaphore(%arg15 : memref<!tpu.dma_semaphore, #tpu.memory_space<semaphore_mem>>) src(%dma_wait3A_92 : memref<10000x64xf32, #tpu.memory_space<vmem_shared>>) dst(%dma_wait3A_86 : memref<128x64xf32, #tpu.memory_space<vmem>>)
      %dma_start3A_93 = arith.constant 0 : i32
      %dma_start3A_94 = arith.constant 0 : i32
      %dma_start3A_95 = arith.constant 0 : i32
      %dma_start3A_96 = arith.constant 0 : i32
      %dma_start3A_97 = arith.constant 0 : i32
      %dma_start3A_98 = tpu.memref_slice %arg11[%dma_start3A_93, %dma_start3A_96, %dma_start3A_97] : memref<2x128x64xf32, #tpu.memory_space<vmem>> -> memref<1x128x64xf32, #tpu.memory_space<vmem>>
      %dma_start3A_99 = tpu.memref_squeeze %dma_start3A_98 : memref<1x128x64xf32, #tpu.memory_space<vmem>> -> memref<128x64xf32, #tpu.memory_space<vmem>>
      %dma_start3A_100 = arith.constant 0 : i32
      %dma_start3A_101 = tpu.memref_slice %arg10[%dma_start3A_94, %dma_start3A_95, %dma_start3A_100] : memref<2x2x128xi32, #tpu.memory_space<vmem>> -> memref<1x1x128xi32, #tpu.memory_space<vmem>>
      %dma_start3A_102 = tpu.memref_squeeze %dma_start3A_101 : memref<1x1x128xi32, #tpu.memory_space<vmem>> -> memref<128xi32, #tpu.memory_space<vmem>>
      %dma_start3A_103 = arith.constant 0 : i32
      %dma_start3A_104 = arith.constant 0 : i32
      %dma_start3A_105 = tpu.memref_slice %arg14[%dma_start3A_103, %dma_start3A_104] : memref<10112x64xf32, #tpu.memory_space<vmem_shared>> -> memref<10112x64xf32, #tpu.memory_space<vmem_shared>>
      tpu.enqueue_indirect_dma source(%dma_start3A_99 : memref<128x64xf32, #tpu.memory_space<vmem>>) target(%dma_start3A_105 : memref<10112x64xf32, #tpu.memory_space<vmem_shared>>) offsets(%dma_start3A_102 : memref<128xi32, #tpu.memory_space<vmem>>) semaphore(%arg16 : memref<!tpu.dma_semaphore, #tpu.memory_space<semaphore_mem>>) {add = true}
      %dma_start3A_106 = arith.constant 1 : i32
      %dma_start3A_107 = arith.constant 0 : i32
      %dma_start3A_108 = arith.constant 1 : i32
      %dma_start3A_109 = arith.constant 0 : i32
      %dma_start3A_110 = arith.constant 0 : i32
      %dma_start3A_111 = tpu.memref_slice %arg11[%dma_start3A_106, %dma_start3A_109, %dma_start3A_110] : memref<2x128x64xf32, #tpu.memory_space<vmem>> -> memref<1x128x64xf32, #tpu.memory_space<vmem>>
      %dma_start3A_112 = tpu.memref_squeeze %dma_start3A_111 : memref<1x128x64xf32, #tpu.memory_space<vmem>> -> memref<128x64xf32, #tpu.memory_space<vmem>>
      %dma_start3A_113 = arith.constant 0 : i32
      %dma_start3A_114 = tpu.memref_slice %arg10[%dma_start3A_107, %dma_start3A_108, %dma_start3A_113] : memref<2x2x128xi32, #tpu.memory_space<vmem>> -> memref<1x1x128xi32, #tpu.memory_space<vmem>>
      %dma_start3A_115 = tpu.memref_squeeze %dma_start3A_114 : memref<1x1x128xi32, #tpu.memory_space<vmem>> -> memref<128xi32, #tpu.memory_space<vmem>>
      %dma_start3A_116 = arith.constant 0 : i32
      %dma_start3A_117 = arith.constant 0 : i32
      %dma_start3A_118 = tpu.memref_slice %arg14[%dma_start3A_116, %dma_start3A_117] : memref<10112x64xf32, #tpu.memory_space<vmem_shared>> -> memref<10112x64xf32, #tpu.memory_space<vmem_shared>>
      tpu.enqueue_indirect_dma source(%dma_start3A_112 : memref<128x64xf32, #tpu.memory_space<vmem>>) target(%dma_start3A_118 : memref<10112x64xf32, #tpu.memory_space<vmem_shared>>) offsets(%dma_start3A_115 : memref<128xi32, #tpu.memory_space<vmem>>) semaphore(%arg16 : memref<!tpu.dma_semaphore, #tpu.memory_space<semaphore_mem>>) {add = true}
      %mul3A_119 = arith.constant 4 : i32
      %mul3A_120 = arith.muli %while3A_31, %mul3A_119 : i32
      %add3A_121 = arith.addi %select_n3A, %mul3A_120 : i32
      %add3A_122 = arith.constant 2 : i32
      %add3A_123 = arith.addi %add3A_121, %add3A_122 : i32
      %gt3A_124 = arith.constant 0 : i32
      %gt3A_125 = arith.cmpi sgt, %while3A_31, %gt3A_124 : i32
      %convert_element_type3A_126 = arith.extui %gt3A_125 : i1 to i32
      %cond3A_127 = arith.constant 0 : i32
      %cond3A_128 = arith.cmpi ne, %convert_element_type3A_126, %cond3A_127 : i32
      scf.if %cond3A_128 {
        %dma_wait3A_209 = arith.constant 0 : i32
        %dma_wait3A_210 = arith.constant 0 : i32
        %dma_wait3A_211 = arith.constant 0 : i32
        %dma_wait3A_212 = tpu.memref_slice %arg12[%dma_wait3A_209, %dma_wait3A_210, %dma_wait3A_211] : memref<2x128x64xf32, #tpu.memory_space<vmem>> -> memref<1x128x64xf32, #tpu.memory_space<vmem>>
        %dma_wait3A_213 = tpu.memref_squeeze %dma_wait3A_212 : memref<1x128x64xf32, #tpu.memory_space<vmem>> -> memref<128x64xf32, #tpu.memory_space<vmem>>
        %dma_wait3A_214 = arith.constant 0 : i32
        %dma_wait3A_215 = arith.constant 0 : i32
        %dma_wait3A_216 = tpu.memref_slice %arg2[%dma_wait3A_214, %dma_wait3A_215] : memref<10000x64xf32, #tpu.memory_space<hbm>> -> memref<128x64xf32, #tpu.memory_space<hbm>>
        %dma_wait3A_217 = arith.constant 0 : i32
        %dma_wait3A_218 = arith.constant 0 : i32
        %dma_wait3A_219 = tpu.memref_slice %arg12[%dma_wait3A_209, %dma_wait3A_217, %dma_wait3A_218] : memref<2x128x64xf32, #tpu.memory_space<vmem>> -> memref<1x128x64xf32, #tpu.memory_space<vmem>>
        %dma_wait3A_220 = tpu.memref_squeeze %dma_wait3A_219 : memref<1x128x64xf32, #tpu.memory_space<vmem>> -> memref<128x64xf32, #tpu.memory_space<vmem>>
        %dma_wait3A_221 = arith.constant 0 : i32
        %dma_wait3A_222 = arith.constant 0 : i32
        %dma_wait3A_223 = tpu.memref_slice %arg2[%dma_wait3A_221, %dma_wait3A_222] : memref<10000x64xf32, #tpu.memory_space<hbm>> -> memref<128x64xf32, #tpu.memory_space<hbm>>
        tpu.wait_dma2 semaphore(%arg17 : memref<!tpu.dma_semaphore, #tpu.memory_space<semaphore_mem>>) src(%dma_wait3A_223 : memref<128x64xf32, #tpu.memory_space<hbm>>) dst(%dma_wait3A_220 : memref<128x64xf32, #tpu.memory_space<vmem>>)
        %dma_wait3A_224 = arith.constant 1 : i32
        %dma_wait3A_225 = arith.constant 0 : i32
        %dma_wait3A_226 = arith.constant 0 : i32
        %dma_wait3A_227 = tpu.memref_slice %arg12[%dma_wait3A_224, %dma_wait3A_225, %dma_wait3A_226] : memref<2x128x64xf32, #tpu.memory_space<vmem>> -> memref<1x128x64xf32, #tpu.memory_space<vmem>>
        %dma_wait3A_228 = tpu.memref_squeeze %dma_wait3A_227 : memref<1x128x64xf32, #tpu.memory_space<vmem>> -> memref<128x64xf32, #tpu.memory_space<vmem>>
        %dma_wait3A_229 = arith.constant 0 : i32
        %dma_wait3A_230 = arith.constant 0 : i32
        %dma_wait3A_231 = tpu.memref_slice %arg2[%dma_wait3A_229, %dma_wait3A_230] : memref<10000x64xf32, #tpu.memory_space<hbm>> -> memref<128x64xf32, #tpu.memory_space<hbm>>
        %dma_wait3A_232 = arith.constant 0 : i32
        %dma_wait3A_233 = arith.constant 0 : i32
        %dma_wait3A_234 = tpu.memref_slice %arg12[%dma_wait3A_224, %dma_wait3A_232, %dma_wait3A_233] : memref<2x128x64xf32, #tpu.memory_space<vmem>> -> memref<1x128x64xf32, #tpu.memory_space<vmem>>
        %dma_wait3A_235 = tpu.memref_squeeze %dma_wait3A_234 : memref<1x128x64xf32, #tpu.memory_space<vmem>> -> memref<128x64xf32, #tpu.memory_space<vmem>>
        %dma_wait3A_236 = arith.constant 0 : i32
        %dma_wait3A_237 = arith.constant 0 : i32
        %dma_wait3A_238 = tpu.memref_slice %arg2[%dma_wait3A_236, %dma_wait3A_237] : memref<10000x64xf32, #tpu.memory_space<hbm>> -> memref<128x64xf32, #tpu.memory_space<hbm>>
        tpu.wait_dma2 semaphore(%arg17 : memref<!tpu.dma_semaphore, #tpu.memory_space<semaphore_mem>>) src(%dma_wait3A_238 : memref<128x64xf32, #tpu.memory_space<hbm>>) dst(%dma_wait3A_235 : memref<128x64xf32, #tpu.memory_space<vmem>>)
      } else {
      }
      %run_scoped3A_129 = arith.constant 1 : i32
      "tpu.region"() ({
        %run_scoped3A_209 = tpu.sem_alloc : memref<!tpu.dma_semaphore, #tpu.memory_space<semaphore_mem>>
        %dma_start3A_210 = arith.constant 0 : i32
        %dma_start3A_211 = arith.constant 0 : i32
        %dma_start3A_212 = tpu.memref_slice %arg9[%run_scoped3A_129, %dma_start3A_210, %dma_start3A_211] : memref<2x2x128xi32, #tpu.memory_space<vmem>> -> memref<1x2x128xi32, #tpu.memory_space<vmem>>
        %dma_start3A_213 = tpu.memref_squeeze %dma_start3A_212 : memref<1x2x128xi32, #tpu.memory_space<vmem>> -> memref<2x128xi32, #tpu.memory_space<vmem>>
        %dma_start3A_214 = arith.constant 0 : i32
        %dma_start3A_215 = tpu.memref_slice %arg3[%add3A_123, %dma_start3A_214] : memref<2560x128xi32, #tpu.memory_space<hbm>> -> memref<2x128xi32, #tpu.memory_space<hbm>>
        %dma_start3A_216 = arith.constant 0 : i32
        %dma_start3A_217 = arith.constant 0 : i32
        %dma_start3A_218 = tpu.memref_slice %arg9[%run_scoped3A_129, %dma_start3A_216, %dma_start3A_217] : memref<2x2x128xi32, #tpu.memory_space<vmem>> -> memref<1x2x128xi32, #tpu.memory_space<vmem>>
        %dma_start3A_219 = tpu.memref_squeeze %dma_start3A_218 : memref<1x2x128xi32, #tpu.memory_space<vmem>> -> memref<2x128xi32, #tpu.memory_space<vmem>>
        %dma_start3A_220 = arith.constant 0 : i32
        %dma_start3A_221 = tpu.memref_slice %arg3[%add3A_123, %dma_start3A_220] : memref<2560x128xi32, #tpu.memory_space<hbm>> -> memref<2x128xi32, #tpu.memory_space<hbm>>
        tpu.enqueue_dma source(%dma_start3A_221 : memref<2x128xi32, #tpu.memory_space<hbm>>) target(%dma_start3A_219 : memref<2x128xi32, #tpu.memory_space<vmem>>) target_semaphore(%run_scoped3A_209 : memref<!tpu.dma_semaphore, #tpu.memory_space<semaphore_mem>>)
        %dma_wait3A_222 = arith.constant 0 : i32
        %dma_wait3A_223 = arith.constant 0 : i32
        %dma_wait3A_224 = tpu.memref_slice %arg9[%run_scoped3A_129, %dma_wait3A_222, %dma_wait3A_223] : memref<2x2x128xi32, #tpu.memory_space<vmem>> -> memref<1x2x128xi32, #tpu.memory_space<vmem>>
        %dma_wait3A_225 = tpu.memref_squeeze %dma_wait3A_224 : memref<1x2x128xi32, #tpu.memory_space<vmem>> -> memref<2x128xi32, #tpu.memory_space<vmem>>
        %dma_wait3A_226 = arith.constant 0 : i32
        %dma_wait3A_227 = tpu.memref_slice %arg3[%add3A_123, %dma_wait3A_226] : memref<2560x128xi32, #tpu.memory_space<hbm>> -> memref<2x128xi32, #tpu.memory_space<hbm>>
        %dma_wait3A_228 = arith.constant 0 : i32
        %dma_wait3A_229 = arith.constant 0 : i32
        %dma_wait3A_230 = tpu.memref_slice %arg9[%run_scoped3A_129, %dma_wait3A_228, %dma_wait3A_229] : memref<2x2x128xi32, #tpu.memory_space<vmem>> -> memref<1x2x128xi32, #tpu.memory_space<vmem>>
        %dma_wait3A_231 = tpu.memref_squeeze %dma_wait3A_230 : memref<1x2x128xi32, #tpu.memory_space<vmem>> -> memref<2x128xi32, #tpu.memory_space<vmem>>
        %dma_wait3A_232 = arith.constant 0 : i32
        %dma_wait3A_233 = tpu.memref_slice %arg3[%add3A_123, %dma_wait3A_232] : memref<2560x128xi32, #tpu.memory_space<hbm>> -> memref<2x128xi32, #tpu.memory_space<hbm>>
        tpu.wait_dma2 semaphore(%run_scoped3A_209 : memref<!tpu.dma_semaphore, #tpu.memory_space<semaphore_mem>>) src(%dma_wait3A_233 : memref<2x128xi32, #tpu.memory_space<hbm>>) dst(%dma_wait3A_231 : memref<2x128xi32, #tpu.memory_space<vmem>>)
        tpu.yield
      }) : () -> ()
      %run_scoped3A_130 = arith.constant 1 : i32
      "tpu.region"() ({
        %run_scoped3A_209 = tpu.sem_alloc : memref<!tpu.dma_semaphore, #tpu.memory_space<semaphore_mem>>
        %dma_start3A_210 = arith.constant 0 : i32
        %dma_start3A_211 = arith.constant 0 : i32
        %dma_start3A_212 = tpu.memref_slice %arg10[%run_scoped3A_130, %dma_start3A_210, %dma_start3A_211] : memref<2x2x128xi32, #tpu.memory_space<vmem>> -> memref<1x2x128xi32, #tpu.memory_space<vmem>>
        %dma_start3A_213 = tpu.memref_squeeze %dma_start3A_212 : memref<1x2x128xi32, #tpu.memory_space<vmem>> -> memref<2x128xi32, #tpu.memory_space<vmem>>
        %dma_start3A_214 = arith.constant 0 : i32
        %dma_start3A_215 = tpu.memref_slice %arg4[%add3A_123, %dma_start3A_214] : memref<2560x128xi32, #tpu.memory_space<hbm>> -> memref<2x128xi32, #tpu.memory_space<hbm>>
        %dma_start3A_216 = arith.constant 0 : i32
        %dma_start3A_217 = arith.constant 0 : i32
        %dma_start3A_218 = tpu.memref_slice %arg10[%run_scoped3A_130, %dma_start3A_216, %dma_start3A_217] : memref<2x2x128xi32, #tpu.memory_space<vmem>> -> memref<1x2x128xi32, #tpu.memory_space<vmem>>
        %dma_start3A_219 = tpu.memref_squeeze %dma_start3A_218 : memref<1x2x128xi32, #tpu.memory_space<vmem>> -> memref<2x128xi32, #tpu.memory_space<vmem>>
        %dma_start3A_220 = arith.constant 0 : i32
        %dma_start3A_221 = tpu.memref_slice %arg4[%add3A_123, %dma_start3A_220] : memref<2560x128xi32, #tpu.memory_space<hbm>> -> memref<2x128xi32, #tpu.memory_space<hbm>>
        tpu.enqueue_dma source(%dma_start3A_221 : memref<2x128xi32, #tpu.memory_space<hbm>>) target(%dma_start3A_219 : memref<2x128xi32, #tpu.memory_space<vmem>>) target_semaphore(%run_scoped3A_209 : memref<!tpu.dma_semaphore, #tpu.memory_space<semaphore_mem>>)
        %dma_wait3A_222 = arith.constant 0 : i32
        %dma_wait3A_223 = arith.constant 0 : i32
        %dma_wait3A_224 = tpu.memref_slice %arg10[%run_scoped3A_130, %dma_wait3A_222, %dma_wait3A_223] : memref<2x2x128xi32, #tpu.memory_space<vmem>> -> memref<1x2x128xi32, #tpu.memory_space<vmem>>
        %dma_wait3A_225 = tpu.memref_squeeze %dma_wait3A_224 : memref<1x2x128xi32, #tpu.memory_space<vmem>> -> memref<2x128xi32, #tpu.memory_space<vmem>>
        %dma_wait3A_226 = arith.constant 0 : i32
        %dma_wait3A_227 = tpu.memref_slice %arg4[%add3A_123, %dma_wait3A_226] : memref<2560x128xi32, #tpu.memory_space<hbm>> -> memref<2x128xi32, #tpu.memory_space<hbm>>
        %dma_wait3A_228 = arith.constant 0 : i32
        %dma_wait3A_229 = arith.constant 0 : i32
        %dma_wait3A_230 = tpu.memref_slice %arg10[%run_scoped3A_130, %dma_wait3A_228, %dma_wait3A_229] : memref<2x2x128xi32, #tpu.memory_space<vmem>> -> memref<1x2x128xi32, #tpu.memory_space<vmem>>
        %dma_wait3A_231 = tpu.memref_squeeze %dma_wait3A_230 : memref<1x2x128xi32, #tpu.memory_space<vmem>> -> memref<2x128xi32, #tpu.memory_space<vmem>>
        %dma_wait3A_232 = arith.constant 0 : i32
        %dma_wait3A_233 = tpu.memref_slice %arg4[%add3A_123, %dma_wait3A_232] : memref<2560x128xi32, #tpu.memory_space<hbm>> -> memref<2x128xi32, #tpu.memory_space<hbm>>
        tpu.wait_dma2 semaphore(%run_scoped3A_209 : memref<!tpu.dma_semaphore, #tpu.memory_space<semaphore_mem>>) src(%dma_wait3A_233 : memref<2x128xi32, #tpu.memory_space<hbm>>) dst(%dma_wait3A_231 : memref<2x128xi32, #tpu.memory_space<vmem>>)
        tpu.yield
      }) : () -> ()
      %dma_start3A_131 = arith.constant 1 : i32
      %dma_start3A_132 = arith.constant 0 : i32
      %dma_start3A_133 = arith.constant 0 : i32
      %dma_start3A_134 = arith.constant 0 : i32
      %dma_start3A_135 = arith.constant 0 : i32
      %dma_start3A_136 = tpu.memref_slice %arg12[%dma_start3A_133, %dma_start3A_134, %dma_start3A_135] : memref<2x128x64xf32, #tpu.memory_space<vmem>> -> memref<1x128x64xf32, #tpu.memory_space<vmem>>
      %dma_start3A_137 = tpu.memref_squeeze %dma_start3A_136 : memref<1x128x64xf32, #tpu.memory_space<vmem>> -> memref<128x64xf32, #tpu.memory_space<vmem>>
      %dma_start3A_138 = arith.constant 0 : i32
      %dma_start3A_139 = tpu.memref_slice %arg9[%dma_start3A_131, %dma_start3A_132, %dma_start3A_138] : memref<2x2x128xi32, #tpu.memory_space<vmem>> -> memref<1x1x128xi32, #tpu.memory_space<vmem>>
      %dma_start3A_140 = tpu.memref_squeeze %dma_start3A_139 : memref<1x1x128xi32, #tpu.memory_space<vmem>> -> memref<128xi32, #tpu.memory_space<vmem>>
      %dma_start3A_141 = arith.constant 0 : i32
      %dma_start3A_142 = arith.constant 0 : i32
      %dma_start3A_143 = tpu.memref_slice %arg13[%dma_start3A_141, %dma_start3A_142] : memref<10000x64xf32, #tpu.memory_space<vmem_shared>> -> memref<10000x64xf32, #tpu.memory_space<vmem_shared>>
      tpu.enqueue_indirect_dma source(%dma_start3A_143 : memref<10000x64xf32, #tpu.memory_space<vmem_shared>>) target(%dma_start3A_137 : memref<128x64xf32, #tpu.memory_space<vmem>>) offsets(%dma_start3A_140 : memref<128xi32, #tpu.memory_space<vmem>>) semaphore(%arg15 : memref<!tpu.dma_semaphore, #tpu.memory_space<semaphore_mem>>)
      %dma_start3A_144 = arith.constant 1 : i32
      %dma_start3A_145 = arith.constant 1 : i32
      %dma_start3A_146 = arith.constant 1 : i32
      %dma_start3A_147 = arith.constant 0 : i32
      %dma_start3A_148 = arith.constant 0 : i32
      %dma_start3A_149 = tpu.memref_slice %arg12[%dma_start3A_146, %dma_start3A_147, %dma_start3A_148] : memref<2x128x64xf32, #tpu.memory_space<vmem>> -> memref<1x128x64xf32, #tpu.memory_space<vmem>>
      %dma_start3A_150 = tpu.memref_squeeze %dma_start3A_149 : memref<1x128x64xf32, #tpu.memory_space<vmem>> -> memref<128x64xf32, #tpu.memory_space<vmem>>
      %dma_start3A_151 = arith.constant 0 : i32
      %dma_start3A_152 = tpu.memref_slice %arg9[%dma_start3A_144, %dma_start3A_145, %dma_start3A_151] : memref<2x2x128xi32, #tpu.memory_space<vmem>> -> memref<1x1x128xi32, #tpu.memory_space<vmem>>
      %dma_start3A_153 = tpu.memref_squeeze %dma_start3A_152 : memref<1x1x128xi32, #tpu.memory_space<vmem>> -> memref<128xi32, #tpu.memory_space<vmem>>
      %dma_start3A_154 = arith.constant 0 : i32
      %dma_start3A_155 = arith.constant 0 : i32
      %dma_start3A_156 = tpu.memref_slice %arg13[%dma_start3A_154, %dma_start3A_155] : memref<10000x64xf32, #tpu.memory_space<vmem_shared>> -> memref<10000x64xf32, #tpu.memory_space<vmem_shared>>
      tpu.enqueue_indirect_dma source(%dma_start3A_156 : memref<10000x64xf32, #tpu.memory_space<vmem_shared>>) target(%dma_start3A_150 : memref<128x64xf32, #tpu.memory_space<vmem>>) offsets(%dma_start3A_153 : memref<128xi32, #tpu.memory_space<vmem>>) semaphore(%arg15 : memref<!tpu.dma_semaphore, #tpu.memory_space<semaphore_mem>>)
      %dma_wait3A_157 = arith.constant 1 : i32
      %dma_wait3A_158 = arith.constant 0 : i32
      %dma_wait3A_159 = arith.constant 0 : i32
      %dma_wait3A_160 = arith.constant 0 : i32
      %dma_wait3A_161 = arith.constant 0 : i32
      %dma_wait3A_162 = tpu.memref_slice %arg12[%dma_wait3A_159, %dma_wait3A_160, %dma_wait3A_161] : memref<2x128x64xf32, #tpu.memory_space<vmem>> -> memref<1x128x64xf32, #tpu.memory_space<vmem>>
      %dma_wait3A_163 = tpu.memref_squeeze %dma_wait3A_162 : memref<1x128x64xf32, #tpu.memory_space<vmem>> -> memref<128x64xf32, #tpu.memory_space<vmem>>
      %dma_wait3A_164 = arith.constant 0 : i32
      %dma_wait3A_165 = tpu.memref_slice %arg9[%dma_wait3A_157, %dma_wait3A_158, %dma_wait3A_164] : memref<2x2x128xi32, #tpu.memory_space<vmem>> -> memref<1x1x128xi32, #tpu.memory_space<vmem>>
      %dma_wait3A_166 = tpu.memref_squeeze %dma_wait3A_165 : memref<1x1x128xi32, #tpu.memory_space<vmem>> -> memref<128xi32, #tpu.memory_space<vmem>>
      %dma_wait3A_167 = arith.constant 0 : i32
      %dma_wait3A_168 = arith.constant 0 : i32
      %dma_wait3A_169 = tpu.memref_slice %arg13[%dma_wait3A_167, %dma_wait3A_168] : memref<10000x64xf32, #tpu.memory_space<vmem_shared>> -> memref<10000x64xf32, #tpu.memory_space<vmem_shared>>
      tpu.wait_indirect_dma semaphore(%arg15 : memref<!tpu.dma_semaphore, #tpu.memory_space<semaphore_mem>>) src(%dma_wait3A_169 : memref<10000x64xf32, #tpu.memory_space<vmem_shared>>) dst(%dma_wait3A_163 : memref<128x64xf32, #tpu.memory_space<vmem>>)
      %dma_wait3A_170 = arith.constant 1 : i32
      %dma_wait3A_171 = arith.constant 1 : i32
      %dma_wait3A_172 = arith.constant 1 : i32
      %dma_wait3A_173 = arith.constant 0 : i32
      %dma_wait3A_174 = arith.constant 0 : i32
      %dma_wait3A_175 = tpu.memref_slice %arg12[%dma_wait3A_172, %dma_wait3A_173, %dma_wait3A_174] : memref<2x128x64xf32, #tpu.memory_space<vmem>> -> memref<1x128x64xf32, #tpu.memory_space<vmem>>
      %dma_wait3A_176 = tpu.memref_squeeze %dma_wait3A_175 : memref<1x128x64xf32, #tpu.memory_space<vmem>> -> memref<128x64xf32, #tpu.memory_space<vmem>>
      %dma_wait3A_177 = arith.constant 0 : i32
      %dma_wait3A_178 = tpu.memref_slice %arg9[%dma_wait3A_170, %dma_wait3A_171, %dma_wait3A_177] : memref<2x2x128xi32, #tpu.memory_space<vmem>> -> memref<1x1x128xi32, #tpu.memory_space<vmem>>
      %dma_wait3A_179 = tpu.memref_squeeze %dma_wait3A_178 : memref<1x1x128xi32, #tpu.memory_space<vmem>> -> memref<128xi32, #tpu.memory_space<vmem>>
      %dma_wait3A_180 = arith.constant 0 : i32
      %dma_wait3A_181 = arith.constant 0 : i32
      %dma_wait3A_182 = tpu.memref_slice %arg13[%dma_wait3A_180, %dma_wait3A_181] : memref<10000x64xf32, #tpu.memory_space<vmem_shared>> -> memref<10000x64xf32, #tpu.memory_space<vmem_shared>>
      tpu.wait_indirect_dma semaphore(%arg15 : memref<!tpu.dma_semaphore, #tpu.memory_space<semaphore_mem>>) src(%dma_wait3A_182 : memref<10000x64xf32, #tpu.memory_space<vmem_shared>>) dst(%dma_wait3A_176 : memref<128x64xf32, #tpu.memory_space<vmem>>)
      %dma_start3A_183 = arith.constant 0 : i32
      %dma_start3A_184 = arith.constant 1 : i32
      %dma_start3A_185 = arith.constant 0 : i32
      %dma_start3A_186 = arith.constant 0 : i32
      %dma_start3A_187 = arith.constant 0 : i32
      %dma_start3A_188 = tpu.memref_slice %arg12[%dma_start3A_183, %dma_start3A_186, %dma_start3A_187] : memref<2x128x64xf32, #tpu.memory_space<vmem>> -> memref<1x128x64xf32, #tpu.memory_space<vmem>>
      %dma_start3A_189 = tpu.memref_squeeze %dma_start3A_188 : memref<1x128x64xf32, #tpu.memory_space<vmem>> -> memref<128x64xf32, #tpu.memory_space<vmem>>
      %dma_start3A_190 = arith.constant 0 : i32
      %dma_start3A_191 = tpu.memref_slice %arg10[%dma_start3A_184, %dma_start3A_185, %dma_start3A_190] : memref<2x2x128xi32, #tpu.memory_space<vmem>> -> memref<1x1x128xi32, #tpu.memory_space<vmem>>
      %dma_start3A_192 = tpu.memref_squeeze %dma_start3A_191 : memref<1x1x128xi32, #tpu.memory_space<vmem>> -> memref<128xi32, #tpu.memory_space<vmem>>
      %dma_start3A_193 = arith.constant 0 : i32
      %dma_start3A_194 = arith.constant 0 : i32
      %dma_start3A_195 = tpu.memref_slice %arg14[%dma_start3A_193, %dma_start3A_194] : memref<10112x64xf32, #tpu.memory_space<vmem_shared>> -> memref<10112x64xf32, #tpu.memory_space<vmem_shared>>
      tpu.enqueue_indirect_dma source(%dma_start3A_189 : memref<128x64xf32, #tpu.memory_space<vmem>>) target(%dma_start3A_195 : memref<10112x64xf32, #tpu.memory_space<vmem_shared>>) offsets(%dma_start3A_192 : memref<128xi32, #tpu.memory_space<vmem>>) semaphore(%arg17 : memref<!tpu.dma_semaphore, #tpu.memory_space<semaphore_mem>>) {add = true}
      %dma_start3A_196 = arith.constant 1 : i32
      %dma_start3A_197 = arith.constant 1 : i32
      %dma_start3A_198 = arith.constant 1 : i32
      %dma_start3A_199 = arith.constant 0 : i32
      %dma_start3A_200 = arith.constant 0 : i32
      %dma_start3A_201 = tpu.memref_slice %arg12[%dma_start3A_196, %dma_start3A_199, %dma_start3A_200] : memref<2x128x64xf32, #tpu.memory_space<vmem>> -> memref<1x128x64xf32, #tpu.memory_space<vmem>>
      %dma_start3A_202 = tpu.memref_squeeze %dma_start3A_201 : memref<1x128x64xf32, #tpu.memory_space<vmem>> -> memref<128x64xf32, #tpu.memory_space<vmem>>
      %dma_start3A_203 = arith.constant 0 : i32
      %dma_start3A_204 = tpu.memref_slice %arg10[%dma_start3A_197, %dma_start3A_198, %dma_start3A_203] : memref<2x2x128xi32, #tpu.memory_space<vmem>> -> memref<1x1x128xi32, #tpu.memory_space<vmem>>
      %dma_start3A_205 = tpu.memref_squeeze %dma_start3A_204 : memref<1x1x128xi32, #tpu.memory_space<vmem>> -> memref<128xi32, #tpu.memory_space<vmem>>
      %dma_start3A_206 = arith.constant 0 : i32
      %dma_start3A_207 = arith.constant 0 : i32
      %dma_start3A_208 = tpu.memref_slice %arg14[%dma_start3A_206, %dma_start3A_207] : memref<10112x64xf32, #tpu.memory_space<vmem_shared>> -> memref<10112x64xf32, #tpu.memory_space<vmem_shared>>
      tpu.enqueue_indirect_dma source(%dma_start3A_202 : memref<128x64xf32, #tpu.memory_space<vmem>>) target(%dma_start3A_208 : memref<10112x64xf32, #tpu.memory_space<vmem_shared>>) offsets(%dma_start3A_205 : memref<128xi32, #tpu.memory_space<vmem>>) semaphore(%arg17 : memref<!tpu.dma_semaphore, #tpu.memory_space<semaphore_mem>>) {add = true}
    }
    %while3A_23 = arith.constant 1 : i32
    scf.for %while3A_31 = %while3A_21 to %while3A_17 step %while3A_23  : i32 {
      %mul3A_32 = arith.constant 4 : i32
      %mul3A_33 = arith.muli %while3A_31, %mul3A_32 : i32
      %add3A_34 = arith.addi %select_n3A, %mul3A_33 : i32
      %add3A_35 = arith.constant 0 : i32
      %add3A_36 = arith.addi %add3A_34, %add3A_35 : i32
      %gt3A_37 = arith.constant 0 : i32
      %gt3A_38 = arith.cmpi sgt, %while3A_31, %gt3A_37 : i32
      %convert_element_type3A_39 = arith.extui %gt3A_38 : i1 to i32
      %cond3A_40 = arith.constant 0 : i32
      %cond3A_41 = arith.cmpi ne, %convert_element_type3A_39, %cond3A_40 : i32
      scf.if %cond3A_41 {
        %dma_wait3A_209 = arith.constant 0 : i32
        %dma_wait3A_210 = arith.constant 0 : i32
        %dma_wait3A_211 = arith.constant 0 : i32
        %dma_wait3A_212 = tpu.memref_slice %arg11[%dma_wait3A_209, %dma_wait3A_210, %dma_wait3A_211] : memref<2x128x64xf32, #tpu.memory_space<vmem>> -> memref<1x128x64xf32, #tpu.memory_space<vmem>>
        %dma_wait3A_213 = tpu.memref_squeeze %dma_wait3A_212 : memref<1x128x64xf32, #tpu.memory_space<vmem>> -> memref<128x64xf32, #tpu.memory_space<vmem>>
        %dma_wait3A_214 = arith.constant 0 : i32
        %dma_wait3A_215 = arith.constant 0 : i32
        %dma_wait3A_216 = tpu.memref_slice %arg2[%dma_wait3A_214, %dma_wait3A_215] : memref<10000x64xf32, #tpu.memory_space<hbm>> -> memref<128x64xf32, #tpu.memory_space<hbm>>
        %dma_wait3A_217 = arith.constant 0 : i32
        %dma_wait3A_218 = arith.constant 0 : i32
        %dma_wait3A_219 = tpu.memref_slice %arg11[%dma_wait3A_209, %dma_wait3A_217, %dma_wait3A_218] : memref<2x128x64xf32, #tpu.memory_space<vmem>> -> memref<1x128x64xf32, #tpu.memory_space<vmem>>
        %dma_wait3A_220 = tpu.memref_squeeze %dma_wait3A_219 : memref<1x128x64xf32, #tpu.memory_space<vmem>> -> memref<128x64xf32, #tpu.memory_space<vmem>>
        %dma_wait3A_221 = arith.constant 0 : i32
        %dma_wait3A_222 = arith.constant 0 : i32
        %dma_wait3A_223 = tpu.memref_slice %arg2[%dma_wait3A_221, %dma_wait3A_222] : memref<10000x64xf32, #tpu.memory_space<hbm>> -> memref<128x64xf32, #tpu.memory_space<hbm>>
        tpu.wait_dma2 semaphore(%arg16 : memref<!tpu.dma_semaphore, #tpu.memory_space<semaphore_mem>>) src(%dma_wait3A_223 : memref<128x64xf32, #tpu.memory_space<hbm>>) dst(%dma_wait3A_220 : memref<128x64xf32, #tpu.memory_space<vmem>>)
        %dma_wait3A_224 = arith.constant 1 : i32
        %dma_wait3A_225 = arith.constant 0 : i32
        %dma_wait3A_226 = arith.constant 0 : i32
        %dma_wait3A_227 = tpu.memref_slice %arg11[%dma_wait3A_224, %dma_wait3A_225, %dma_wait3A_226] : memref<2x128x64xf32, #tpu.memory_space<vmem>> -> memref<1x128x64xf32, #tpu.memory_space<vmem>>
        %dma_wait3A_228 = tpu.memref_squeeze %dma_wait3A_227 : memref<1x128x64xf32, #tpu.memory_space<vmem>> -> memref<128x64xf32, #tpu.memory_space<vmem>>
        %dma_wait3A_229 = arith.constant 0 : i32
        %dma_wait3A_230 = arith.constant 0 : i32
        %dma_wait3A_231 = tpu.memref_slice %arg2[%dma_wait3A_229, %dma_wait3A_230] : memref<10000x64xf32, #tpu.memory_space<hbm>> -> memref<128x64xf32, #tpu.memory_space<hbm>>
        %dma_wait3A_232 = arith.constant 0 : i32
        %dma_wait3A_233 = arith.constant 0 : i32
        %dma_wait3A_234 = tpu.memref_slice %arg11[%dma_wait3A_224, %dma_wait3A_232, %dma_wait3A_233] : memref<2x128x64xf32, #tpu.memory_space<vmem>> -> memref<1x128x64xf32, #tpu.memory_space<vmem>>
        %dma_wait3A_235 = tpu.memref_squeeze %dma_wait3A_234 : memref<1x128x64xf32, #tpu.memory_space<vmem>> -> memref<128x64xf32, #tpu.memory_space<vmem>>
        %dma_wait3A_236 = arith.constant 0 : i32
        %dma_wait3A_237 = arith.constant 0 : i32
        %dma_wait3A_238 = tpu.memref_slice %arg2[%dma_wait3A_236, %dma_wait3A_237] : memref<10000x64xf32, #tpu.memory_space<hbm>> -> memref<128x64xf32, #tpu.memory_space<hbm>>
        tpu.wait_dma2 semaphore(%arg16 : memref<!tpu.dma_semaphore, #tpu.memory_space<semaphore_mem>>) src(%dma_wait3A_238 : memref<128x64xf32, #tpu.memory_space<hbm>>) dst(%dma_wait3A_235 : memref<128x64xf32, #tpu.memory_space<vmem>>)
      } else {
      }
      %run_scoped3A = arith.constant 0 : i32
      "tpu.region"() ({
        %run_scoped3A_209 = tpu.sem_alloc : memref<!tpu.dma_semaphore, #tpu.memory_space<semaphore_mem>>
        %dma_start3A_210 = arith.constant 0 : i32
        %dma_start3A_211 = arith.constant 0 : i32
        %dma_start3A_212 = tpu.memref_slice %arg9[%run_scoped3A, %dma_start3A_210, %dma_start3A_211] : memref<2x2x128xi32, #tpu.memory_space<vmem>> -> memref<1x2x128xi32, #tpu.memory_space<vmem>>
        %dma_start3A_213 = tpu.memref_squeeze %dma_start3A_212 : memref<1x2x128xi32, #tpu.memory_space<vmem>> -> memref<2x128xi32, #tpu.memory_space<vmem>>
        %dma_start3A_214 = arith.constant 0 : i32
        %dma_start3A_215 = tpu.memref_slice %arg3[%add3A_36, %dma_start3A_214] : memref<2560x128xi32, #tpu.memory_space<hbm>> -> memref<2x128xi32, #tpu.memory_space<hbm>>
        %dma_start3A_216 = arith.constant 0 : i32
        %dma_start3A_217 = arith.constant 0 : i32
        %dma_start3A_218 = tpu.memref_slice %arg9[%run_scoped3A, %dma_start3A_216, %dma_start3A_217] : memref<2x2x128xi32, #tpu.memory_space<vmem>> -> memref<1x2x128xi32, #tpu.memory_space<vmem>>
        %dma_start3A_219 = tpu.memref_squeeze %dma_start3A_218 : memref<1x2x128xi32, #tpu.memory_space<vmem>> -> memref<2x128xi32, #tpu.memory_space<vmem>>
        %dma_start3A_220 = arith.constant 0 : i32
        %dma_start3A_221 = tpu.memref_slice %arg3[%add3A_36, %dma_start3A_220] : memref<2560x128xi32, #tpu.memory_space<hbm>> -> memref<2x128xi32, #tpu.memory_space<hbm>>
        tpu.enqueue_dma source(%dma_start3A_221 : memref<2x128xi32, #tpu.memory_space<hbm>>) target(%dma_start3A_219 : memref<2x128xi32, #tpu.memory_space<vmem>>) target_semaphore(%run_scoped3A_209 : memref<!tpu.dma_semaphore, #tpu.memory_space<semaphore_mem>>)
        %dma_wait3A_222 = arith.constant 0 : i32
        %dma_wait3A_223 = arith.constant 0 : i32
        %dma_wait3A_224 = tpu.memref_slice %arg9[%run_scoped3A, %dma_wait3A_222, %dma_wait3A_223] : memref<2x2x128xi32, #tpu.memory_space<vmem>> -> memref<1x2x128xi32, #tpu.memory_space<vmem>>
        %dma_wait3A_225 = tpu.memref_squeeze %dma_wait3A_224 : memref<1x2x128xi32, #tpu.memory_space<vmem>> -> memref<2x128xi32, #tpu.memory_space<vmem>>
        %dma_wait3A_226 = arith.constant 0 : i32
        %dma_wait3A_227 = tpu.memref_slice %arg3[%add3A_36, %dma_wait3A_226] : memref<2560x128xi32, #tpu.memory_space<hbm>> -> memref<2x128xi32, #tpu.memory_space<hbm>>
        %dma_wait3A_228 = arith.constant 0 : i32
        %dma_wait3A_229 = arith.constant 0 : i32
        %dma_wait3A_230 = tpu.memref_slice %arg9[%run_scoped3A, %dma_wait3A_228, %dma_wait3A_229] : memref<2x2x128xi32, #tpu.memory_space<vmem>> -> memref<1x2x128xi32, #tpu.memory_space<vmem>>
        %dma_wait3A_231 = tpu.memref_squeeze %dma_wait3A_230 : memref<1x2x128xi32, #tpu.memory_space<vmem>> -> memref<2x128xi32, #tpu.memory_space<vmem>>
        %dma_wait3A_232 = arith.constant 0 : i32
        %dma_wait3A_233 = tpu.memref_slice %arg3[%add3A_36, %dma_wait3A_232] : memref<2560x128xi32, #tpu.memory_space<hbm>> -> memref<2x128xi32, #tpu.memory_space<hbm>>
        tpu.wait_dma2 semaphore(%run_scoped3A_209 : memref<!tpu.dma_semaphore, #tpu.memory_space<semaphore_mem>>) src(%dma_wait3A_233 : memref<2x128xi32, #tpu.memory_space<hbm>>) dst(%dma_wait3A_231 : memref<2x128xi32, #tpu.memory_space<vmem>>)
        tpu.yield
      }) : () -> ()
      %run_scoped3A_42 = arith.constant 0 : i32
      "tpu.region"() ({
        %run_scoped3A_209 = tpu.sem_alloc : memref<!tpu.dma_semaphore, #tpu.memory_space<semaphore_mem>>
        %dma_start3A_210 = arith.constant 0 : i32
        %dma_start3A_211 = arith.constant 0 : i32
        %dma_start3A_212 = tpu.memref_slice %arg10[%run_scoped3A_42, %dma_start3A_210, %dma_start3A_211] : memref<2x2x128xi32, #tpu.memory_space<vmem>> -> memref<1x2x128xi32, #tpu.memory_space<vmem>>
        %dma_start3A_213 = tpu.memref_squeeze %dma_start3A_212 : memref<1x2x128xi32, #tpu.memory_space<vmem>> -> memref<2x128xi32, #tpu.memory_space<vmem>>
        %dma_start3A_214 = arith.constant 0 : i32
        %dma_start3A_215 = tpu.memref_slice %arg4[%add3A_36, %dma_start3A_214] : memref<2560x128xi32, #tpu.memory_space<hbm>> -> memref<2x128xi32, #tpu.memory_space<hbm>>
        %dma_start3A_216 = arith.constant 0 : i32
        %dma_start3A_217 = arith.constant 0 : i32
        %dma_start3A_218 = tpu.memref_slice %arg10[%run_scoped3A_42, %dma_start3A_216, %dma_start3A_217] : memref<2x2x128xi32, #tpu.memory_space<vmem>> -> memref<1x2x128xi32, #tpu.memory_space<vmem>>
        %dma_start3A_219 = tpu.memref_squeeze %dma_start3A_218 : memref<1x2x128xi32, #tpu.memory_space<vmem>> -> memref<2x128xi32, #tpu.memory_space<vmem>>
        %dma_start3A_220 = arith.constant 0 : i32
        %dma_start3A_221 = tpu.memref_slice %arg4[%add3A_36, %dma_start3A_220] : memref<2560x128xi32, #tpu.memory_space<hbm>> -> memref<2x128xi32, #tpu.memory_space<hbm>>
        tpu.enqueue_dma source(%dma_start3A_221 : memref<2x128xi32, #tpu.memory_space<hbm>>) target(%dma_start3A_219 : memref<2x128xi32, #tpu.memory_space<vmem>>) target_semaphore(%run_scoped3A_209 : memref<!tpu.dma_semaphore, #tpu.memory_space<semaphore_mem>>)
        %dma_wait3A_222 = arith.constant 0 : i32
        %dma_wait3A_223 = arith.constant 0 : i32
        %dma_wait3A_224 = tpu.memref_slice %arg10[%run_scoped3A_42, %dma_wait3A_222, %dma_wait3A_223] : memref<2x2x128xi32, #tpu.memory_space<vmem>> -> memref<1x2x128xi32, #tpu.memory_space<vmem>>
        %dma_wait3A_225 = tpu.memref_squeeze %dma_wait3A_224 : memref<1x2x128xi32, #tpu.memory_space<vmem>> -> memref<2x128xi32, #tpu.memory_space<vmem>>
        %dma_wait3A_226 = arith.constant 0 : i32
        %dma_wait3A_227 = tpu.memref_slice %arg4[%add3A_36, %dma_wait3A_226] : memref<2560x128xi32, #tpu.memory_space<hbm>> -> memref<2x128xi32, #tpu.memory_space<hbm>>
        %dma_wait3A_228 = arith.constant 0 : i32
        %dma_wait3A_229 = arith.constant 0 : i32
        %dma_wait3A_230 = tpu.memref_slice %arg10[%run_scoped3A_42, %dma_wait3A_228, %dma_wait3A_229] : memref<2x2x128xi32, #tpu.memory_space<vmem>> -> memref<1x2x128xi32, #tpu.memory_space<vmem>>
        %dma_wait3A_231 = tpu.memref_squeeze %dma_wait3A_230 : memref<1x2x128xi32, #tpu.memory_space<vmem>> -> memref<2x128xi32, #tpu.memory_space<vmem>>
        %dma_wait3A_232 = arith.constant 0 : i32
        %dma_wait3A_233 = tpu.memref_slice %arg4[%add3A_36, %dma_wait3A_232] : memref<2560x128xi32, #tpu.memory_space<hbm>> -> memref<2x128xi32, #tpu.memory_space<hbm>>
        tpu.wait_dma2 semaphore(%run_scoped3A_209 : memref<!tpu.dma_semaphore, #tpu.memory_space<semaphore_mem>>) src(%dma_wait3A_233 : memref<2x128xi32, #tpu.memory_space<hbm>>) dst(%dma_wait3A_231 : memref<2x128xi32, #tpu.memory_space<vmem>>)
        tpu.yield
      }) : () -> ()
      %dma_start3A = arith.constant 0 : i32
      %dma_start3A_43 = arith.constant 0 : i32
      %dma_start3A_44 = arith.constant 0 : i32
      %dma_start3A_45 = arith.constant 0 : i32
      %dma_start3A_46 = arith.constant 0 : i32
      %dma_start3A_47 = tpu.memref_slice %arg11[%dma_start3A_44, %dma_start3A_45, %dma_start3A_46] : memref<2x128x64xf32, #tpu.memory_space<vmem>> -> memref<1x128x64xf32, #tpu.memory_space<vmem>>
      %dma_start3A_48 = tpu.memref_squeeze %dma_start3A_47 : memref<1x128x64xf32, #tpu.memory_space<vmem>> -> memref<128x64xf32, #tpu.memory_space<vmem>>
      %dma_start3A_49 = arith.constant 0 : i32
      %dma_start3A_50 = tpu.memref_slice %arg9[%dma_start3A, %dma_start3A_43, %dma_start3A_49] : memref<2x2x128xi32, #tpu.memory_space<vmem>> -> memref<1x1x128xi32, #tpu.memory_space<vmem>>
      %dma_start3A_51 = tpu.memref_squeeze %dma_start3A_50 : memref<1x1x128xi32, #tpu.memory_space<vmem>> -> memref<128xi32, #tpu.memory_space<vmem>>
      %dma_start3A_52 = arith.constant 0 : i32
      %dma_start3A_53 = arith.constant 0 : i32
      %dma_start3A_54 = tpu.memref_slice %arg13[%dma_start3A_52, %dma_start3A_53] : memref<10000x64xf32, #tpu.memory_space<vmem_shared>> -> memref<10000x64xf32, #tpu.memory_space<vmem_shared>>
      tpu.enqueue_indirect_dma source(%dma_start3A_54 : memref<10000x64xf32, #tpu.memory_space<vmem_shared>>) target(%dma_start3A_48 : memref<128x64xf32, #tpu.memory_space<vmem>>) offsets(%dma_start3A_51 : memref<128xi32, #tpu.memory_space<vmem>>) semaphore(%arg15 : memref<!tpu.dma_semaphore, #tpu.memory_space<semaphore_mem>>)
      %dma_start3A_55 = arith.constant 0 : i32
      %dma_start3A_56 = arith.constant 1 : i32
      %dma_start3A_57 = arith.constant 1 : i32
      %dma_start3A_58 = arith.constant 0 : i32
      %dma_start3A_59 = arith.constant 0 : i32
      %dma_start3A_60 = tpu.memref_slice %arg11[%dma_start3A_57, %dma_start3A_58, %dma_start3A_59] : memref<2x128x64xf32, #tpu.memory_space<vmem>> -> memref<1x128x64xf32, #tpu.memory_space<vmem>>
      %dma_start3A_61 = tpu.memref_squeeze %dma_start3A_60 : memref<1x128x64xf32, #tpu.memory_space<vmem>> -> memref<128x64xf32, #tpu.memory_space<vmem>>
      %dma_start3A_62 = arith.constant 0 : i32
      %dma_start3A_63 = tpu.memref_slice %arg9[%dma_start3A_55, %dma_start3A_56, %dma_start3A_62] : memref<2x2x128xi32, #tpu.memory_space<vmem>> -> memref<1x1x128xi32, #tpu.memory_space<vmem>>
      %dma_start3A_64 = tpu.memref_squeeze %dma_start3A_63 : memref<1x1x128xi32, #tpu.memory_space<vmem>> -> memref<128xi32, #tpu.memory_space<vmem>>
      %dma_start3A_65 = arith.constant 0 : i32
      %dma_start3A_66 = arith.constant 0 : i32
      %dma_start3A_67 = tpu.memref_slice %arg13[%dma_start3A_65, %dma_start3A_66] : memref<10000x64xf32, #tpu.memory_space<vmem_shared>> -> memref<10000x64xf32, #tpu.memory_space<vmem_shared>>
      tpu.enqueue_indirect_dma source(%dma_start3A_67 : memref<10000x64xf32, #tpu.memory_space<vmem_shared>>) target(%dma_start3A_61 : memref<128x64xf32, #tpu.memory_space<vmem>>) offsets(%dma_start3A_64 : memref<128xi32, #tpu.memory_space<vmem>>) semaphore(%arg15 : memref<!tpu.dma_semaphore, #tpu.memory_space<semaphore_mem>>)
      %dma_wait3A = arith.constant 0 : i32
      %dma_wait3A_68 = arith.constant 0 : i32
      %dma_wait3A_69 = arith.constant 0 : i32
      %dma_wait3A_70 = arith.constant 0 : i32
      %dma_wait3A_71 = arith.constant 0 : i32
      %dma_wait3A_72 = tpu.memref_slice %arg11[%dma_wait3A_69, %dma_wait3A_70, %dma_wait3A_71] : memref<2x128x64xf32, #tpu.memory_space<vmem>> -> memref<1x128x64xf32, #tpu.memory_space<vmem>>
      %dma_wait3A_73 = tpu.memref_squeeze %dma_wait3A_72 : memref<1x128x64xf32, #tpu.memory_space<vmem>> -> memref<128x64xf32, #tpu.memory_space<vmem>>
      %dma_wait3A_74 = arith.constant 0 : i32
      %dma_wait3A_75 = tpu.memref_slice %arg9[%dma_wait3A, %dma_wait3A_68, %dma_wait3A_74] : memref<2x2x128xi32, #tpu.memory_space<vmem>> -> memref<1x1x128xi32, #tpu.memory_space<vmem>>
      %dma_wait3A_76 = tpu.memref_squeeze %dma_wait3A_75 : memref<1x1x128xi32, #tpu.memory_space<vmem>> -> memref<128xi32, #tpu.memory_space<vmem>>
      %dma_wait3A_77 = arith.constant 0 : i32
      %dma_wait3A_78 = arith.constant 0 : i32
      %dma_wait3A_79 = tpu.memref_slice %arg13[%dma_wait3A_77, %dma_wait3A_78] : memref<10000x64xf32, #tpu.memory_space<vmem_shared>> -> memref<10000x64xf32, #tpu.memory_space<vmem_shared>>
      tpu.wait_indirect_dma semaphore(%arg15 : memref<!tpu.dma_semaphore, #tpu.memory_space<semaphore_mem>>) src(%dma_wait3A_79 : memref<10000x64xf32, #tpu.memory_space<vmem_shared>>) dst(%dma_wait3A_73 : memref<128x64xf32, #tpu.memory_space<vmem>>)
      %dma_wait3A_80 = arith.constant 0 : i32
      %dma_wait3A_81 = arith.constant 1 : i32
      %dma_wait3A_82 = arith.constant 1 : i32
      %dma_wait3A_83 = arith.constant 0 : i32
      %dma_wait3A_84 = arith.constant 0 : i32
      %dma_wait3A_85 = tpu.memref_slice %arg11[%dma_wait3A_82, %dma_wait3A_83, %dma_wait3A_84] : memref<2x128x64xf32, #tpu.memory_space<vmem>> -> memref<1x128x64xf32, #tpu.memory_space<vmem>>
      %dma_wait3A_86 = tpu.memref_squeeze %dma_wait3A_85 : memref<1x128x64xf32, #tpu.memory_space<vmem>> -> memref<128x64xf32, #tpu.memory_space<vmem>>
      %dma_wait3A_87 = arith.constant 0 : i32
      %dma_wait3A_88 = tpu.memref_slice %arg9[%dma_wait3A_80, %dma_wait3A_81, %dma_wait3A_87] : memref<2x2x128xi32, #tpu.memory_space<vmem>> -> memref<1x1x128xi32, #tpu.memory_space<vmem>>
      %dma_wait3A_89 = tpu.memref_squeeze %dma_wait3A_88 : memref<1x1x128xi32, #tpu.memory_space<vmem>> -> memref<128xi32, #tpu.memory_space<vmem>>
      %dma_wait3A_90 = arith.constant 0 : i32
      %dma_wait3A_91 = arith.constant 0 : i32
      %dma_wait3A_92 = tpu.memref_slice %arg13[%dma_wait3A_90, %dma_wait3A_91] : memref<10000x64xf32, #tpu.memory_space<vmem_shared>> -> memref<10000x64xf32, #tpu.memory_space<vmem_shared>>
      tpu.wait_indirect_dma semaphore(%arg15 : memref<!tpu.dma_semaphore, #tpu.memory_space<semaphore_mem>>) src(%dma_wait3A_92 : memref<10000x64xf32, #tpu.memory_space<vmem_shared>>) dst(%dma_wait3A_86 : memref<128x64xf32, #tpu.memory_space<vmem>>)
      %dma_start3A_93 = arith.constant 0 : i32
      %dma_start3A_94 = arith.constant 0 : i32
      %dma_start3A_95 = arith.constant 0 : i32
      %dma_start3A_96 = arith.constant 0 : i32
      %dma_start3A_97 = arith.constant 0 : i32
      %dma_start3A_98 = tpu.memref_slice %arg11[%dma_start3A_93, %dma_start3A_96, %dma_start3A_97] : memref<2x128x64xf32, #tpu.memory_space<vmem>> -> memref<1x128x64xf32, #tpu.memory_space<vmem>>
      %dma_start3A_99 = tpu.memref_squeeze %dma_start3A_98 : memref<1x128x64xf32, #tpu.memory_space<vmem>> -> memref<128x64xf32, #tpu.memory_space<vmem>>
      %dma_start3A_100 = arith.constant 0 : i32
      %dma_start3A_101 = tpu.memref_slice %arg10[%dma_start3A_94, %dma_start3A_95, %dma_start3A_100] : memref<2x2x128xi32, #tpu.memory_space<vmem>> -> memref<1x1x128xi32, #tpu.memory_space<vmem>>
      %dma_start3A_102 = tpu.memref_squeeze %dma_start3A_101 : memref<1x1x128xi32, #tpu.memory_space<vmem>> -> memref<128xi32, #tpu.memory_space<vmem>>
      %dma_start3A_103 = arith.constant 0 : i32
      %dma_start3A_104 = arith.constant 0 : i32
      %dma_start3A_105 = tpu.memref_slice %arg14[%dma_start3A_103, %dma_start3A_104] : memref<10112x64xf32, #tpu.memory_space<vmem_shared>> -> memref<10112x64xf32, #tpu.memory_space<vmem_shared>>
      tpu.enqueue_indirect_dma source(%dma_start3A_99 : memref<128x64xf32, #tpu.memory_space<vmem>>) target(%dma_start3A_105 : memref<10112x64xf32, #tpu.memory_space<vmem_shared>>) offsets(%dma_start3A_102 : memref<128xi32, #tpu.memory_space<vmem>>) semaphore(%arg16 : memref<!tpu.dma_semaphore, #tpu.memory_space<semaphore_mem>>) {add = true}
      %dma_start3A_106 = arith.constant 1 : i32
      %dma_start3A_107 = arith.constant 0 : i32
      %dma_start3A_108 = arith.constant 1 : i32
      %dma_start3A_109 = arith.constant 0 : i32
      %dma_start3A_110 = arith.constant 0 : i32
      %dma_start3A_111 = tpu.memref_slice %arg11[%dma_start3A_106, %dma_start3A_109, %dma_start3A_110] : memref<2x128x64xf32, #tpu.memory_space<vmem>> -> memref<1x128x64xf32, #tpu.memory_space<vmem>>
      %dma_start3A_112 = tpu.memref_squeeze %dma_start3A_111 : memref<1x128x64xf32, #tpu.memory_space<vmem>> -> memref<128x64xf32, #tpu.memory_space<vmem>>
      %dma_start3A_113 = arith.constant 0 : i32
      %dma_start3A_114 = tpu.memref_slice %arg10[%dma_start3A_107, %dma_start3A_108, %dma_start3A_113] : memref<2x2x128xi32, #tpu.memory_space<vmem>> -> memref<1x1x128xi32, #tpu.memory_space<vmem>>
      %dma_start3A_115 = tpu.memref_squeeze %dma_start3A_114 : memref<1x1x128xi32, #tpu.memory_space<vmem>> -> memref<128xi32, #tpu.memory_space<vmem>>
      %dma_start3A_116 = arith.constant 0 : i32
      %dma_start3A_117 = arith.constant 0 : i32
      %dma_start3A_118 = tpu.memref_slice %arg14[%dma_start3A_116, %dma_start3A_117] : memref<10112x64xf32, #tpu.memory_space<vmem_shared>> -> memref<10112x64xf32, #tpu.memory_space<vmem_shared>>
      tpu.enqueue_indirect_dma source(%dma_start3A_112 : memref<128x64xf32, #tpu.memory_space<vmem>>) target(%dma_start3A_118 : memref<10112x64xf32, #tpu.memory_space<vmem_shared>>) offsets(%dma_start3A_115 : memref<128xi32, #tpu.memory_space<vmem>>) semaphore(%arg16 : memref<!tpu.dma_semaphore, #tpu.memory_space<semaphore_mem>>) {add = true}
      %mul3A_119 = arith.constant 4 : i32
      %mul3A_120 = arith.muli %while3A_31, %mul3A_119 : i32
      %add3A_121 = arith.addi %select_n3A, %mul3A_120 : i32
      %add3A_122 = arith.constant 2 : i32
      %add3A_123 = arith.addi %add3A_121, %add3A_122 : i32
      %gt3A_124 = arith.constant 0 : i32
      %gt3A_125 = arith.cmpi sgt, %while3A_31, %gt3A_124 : i32
      %convert_element_type3A_126 = arith.extui %gt3A_125 : i1 to i32
      %cond3A_127 = arith.constant 0 : i32
      %cond3A_128 = arith.cmpi ne, %convert_element_type3A_126, %cond3A_127 : i32
      scf.if %cond3A_128 {
        %dma_wait3A_209 = arith.constant 0 : i32
        %dma_wait3A_210 = arith.constant 0 : i32
        %dma_wait3A_211 = arith.constant 0 : i32
        %dma_wait3A_212 = tpu.memref_slice %arg12[%dma_wait3A_209, %dma_wait3A_210, %dma_wait3A_211] : memref<2x128x64xf32, #tpu.memory_space<vmem>> -> memref<1x128x64xf32, #tpu.memory_space<vmem>>
        %dma_wait3A_213 = tpu.memref_squeeze %dma_wait3A_212 : memref<1x128x64xf32, #tpu.memory_space<vmem>> -> memref<128x64xf32, #tpu.memory_space<vmem>>
        %dma_wait3A_214 = arith.constant 0 : i32
        %dma_wait3A_215 = arith.constant 0 : i32
        %dma_wait3A_216 = tpu.memref_slice %arg2[%dma_wait3A_214, %dma_wait3A_215] : memref<10000x64xf32, #tpu.memory_space<hbm>> -> memref<128x64xf32, #tpu.memory_space<hbm>>
        %dma_wait3A_217 = arith.constant 0 : i32
        %dma_wait3A_218 = arith.constant 0 : i32
        %dma_wait3A_219 = tpu.memref_slice %arg12[%dma_wait3A_209, %dma_wait3A_217, %dma_wait3A_218] : memref<2x128x64xf32, #tpu.memory_space<vmem>> -> memref<1x128x64xf32, #tpu.memory_space<vmem>>
        %dma_wait3A_220 = tpu.memref_squeeze %dma_wait3A_219 : memref<1x128x64xf32, #tpu.memory_space<vmem>> -> memref<128x64xf32, #tpu.memory_space<vmem>>
        %dma_wait3A_221 = arith.constant 0 : i32
        %dma_wait3A_222 = arith.constant 0 : i32
        %dma_wait3A_223 = tpu.memref_slice %arg2[%dma_wait3A_221, %dma_wait3A_222] : memref<10000x64xf32, #tpu.memory_space<hbm>> -> memref<128x64xf32, #tpu.memory_space<hbm>>
        tpu.wait_dma2 semaphore(%arg17 : memref<!tpu.dma_semaphore, #tpu.memory_space<semaphore_mem>>) src(%dma_wait3A_223 : memref<128x64xf32, #tpu.memory_space<hbm>>) dst(%dma_wait3A_220 : memref<128x64xf32, #tpu.memory_space<vmem>>)
        %dma_wait3A_224 = arith.constant 1 : i32
        %dma_wait3A_225 = arith.constant 0 : i32
        %dma_wait3A_226 = arith.constant 0 : i32
        %dma_wait3A_227 = tpu.memref_slice %arg12[%dma_wait3A_224, %dma_wait3A_225, %dma_wait3A_226] : memref<2x128x64xf32, #tpu.memory_space<vmem>> -> memref<1x128x64xf32, #tpu.memory_space<vmem>>
        %dma_wait3A_228 = tpu.memref_squeeze %dma_wait3A_227 : memref<1x128x64xf32, #tpu.memory_space<vmem>> -> memref<128x64xf32, #tpu.memory_space<vmem>>
        %dma_wait3A_229 = arith.constant 0 : i32
        %dma_wait3A_230 = arith.constant 0 : i32
        %dma_wait3A_231 = tpu.memref_slice %arg2[%dma_wait3A_229, %dma_wait3A_230] : memref<10000x64xf32, #tpu.memory_space<hbm>> -> memref<128x64xf32, #tpu.memory_space<hbm>>
        %dma_wait3A_232 = arith.constant 0 : i32
        %dma_wait3A_233 = arith.constant 0 : i32
        %dma_wait3A_234 = tpu.memref_slice %arg12[%dma_wait3A_224, %dma_wait3A_232, %dma_wait3A_233] : memref<2x128x64xf32, #tpu.memory_space<vmem>> -> memref<1x128x64xf32, #tpu.memory_space<vmem>>
        %dma_wait3A_235 = tpu.memref_squeeze %dma_wait3A_234 : memref<1x128x64xf32, #tpu.memory_space<vmem>> -> memref<128x64xf32, #tpu.memory_space<vmem>>
        %dma_wait3A_236 = arith.constant 0 : i32
        %dma_wait3A_237 = arith.constant 0 : i32
        %dma_wait3A_238 = tpu.memref_slice %arg2[%dma_wait3A_236, %dma_wait3A_237] : memref<10000x64xf32, #tpu.memory_space<hbm>> -> memref<128x64xf32, #tpu.memory_space<hbm>>
        tpu.wait_dma2 semaphore(%arg17 : memref<!tpu.dma_semaphore, #tpu.memory_space<semaphore_mem>>) src(%dma_wait3A_238 : memref<128x64xf32, #tpu.memory_space<hbm>>) dst(%dma_wait3A_235 : memref<128x64xf32, #tpu.memory_space<vmem>>)
      } else {
      }
      %run_scoped3A_129 = arith.constant 1 : i32
      "tpu.region"() ({
        %run_scoped3A_209 = tpu.sem_alloc : memref<!tpu.dma_semaphore, #tpu.memory_space<semaphore_mem>>
        %dma_start3A_210 = arith.constant 0 : i32
        %dma_start3A_211 = arith.constant 0 : i32
        %dma_start3A_212 = tpu.memref_slice %arg9[%run_scoped3A_129, %dma_start3A_210, %dma_start3A_211] : memref<2x2x128xi32, #tpu.memory_space<vmem>> -> memref<1x2x128xi32, #tpu.memory_space<vmem>>
        %dma_start3A_213 = tpu.memref_squeeze %dma_start3A_212 : memref<1x2x128xi32, #tpu.memory_space<vmem>> -> memref<2x128xi32, #tpu.memory_space<vmem>>
        %dma_start3A_214 = arith.constant 0 : i32
        %dma_start3A_215 = tpu.memref_slice %arg3[%add3A_123, %dma_start3A_214] : memref<2560x128xi32, #tpu.memory_space<hbm>> -> memref<2x128xi32, #tpu.memory_space<hbm>>
        %dma_start3A_216 = arith.constant 0 : i32
        %dma_start3A_217 = arith.constant 0 : i32
        %dma_start3A_218 = tpu.memref_slice %arg9[%run_scoped3A_129, %dma_start3A_216, %dma_start3A_217] : memref<2x2x128xi32, #tpu.memory_space<vmem>> -> memref<1x2x128xi32, #tpu.memory_space<vmem>>
        %dma_start3A_219 = tpu.memref_squeeze %dma_start3A_218 : memref<1x2x128xi32, #tpu.memory_space<vmem>> -> memref<2x128xi32, #tpu.memory_space<vmem>>
        %dma_start3A_220 = arith.constant 0 : i32
        %dma_start3A_221 = tpu.memref_slice %arg3[%add3A_123, %dma_start3A_220] : memref<2560x128xi32, #tpu.memory_space<hbm>> -> memref<2x128xi32, #tpu.memory_space<hbm>>
        tpu.enqueue_dma source(%dma_start3A_221 : memref<2x128xi32, #tpu.memory_space<hbm>>) target(%dma_start3A_219 : memref<2x128xi32, #tpu.memory_space<vmem>>) target_semaphore(%run_scoped3A_209 : memref<!tpu.dma_semaphore, #tpu.memory_space<semaphore_mem>>)
        %dma_wait3A_222 = arith.constant 0 : i32
        %dma_wait3A_223 = arith.constant 0 : i32
        %dma_wait3A_224 = tpu.memref_slice %arg9[%run_scoped3A_129, %dma_wait3A_222, %dma_wait3A_223] : memref<2x2x128xi32, #tpu.memory_space<vmem>> -> memref<1x2x128xi32, #tpu.memory_space<vmem>>
        %dma_wait3A_225 = tpu.memref_squeeze %dma_wait3A_224 : memref<1x2x128xi32, #tpu.memory_space<vmem>> -> memref<2x128xi32, #tpu.memory_space<vmem>>
        %dma_wait3A_226 = arith.constant 0 : i32
        %dma_wait3A_227 = tpu.memref_slice %arg3[%add3A_123, %dma_wait3A_226] : memref<2560x128xi32, #tpu.memory_space<hbm>> -> memref<2x128xi32, #tpu.memory_space<hbm>>
        %dma_wait3A_228 = arith.constant 0 : i32
        %dma_wait3A_229 = arith.constant 0 : i32
        %dma_wait3A_230 = tpu.memref_slice %arg9[%run_scoped3A_129, %dma_wait3A_228, %dma_wait3A_229] : memref<2x2x128xi32, #tpu.memory_space<vmem>> -> memref<1x2x128xi32, #tpu.memory_space<vmem>>
        %dma_wait3A_231 = tpu.memref_squeeze %dma_wait3A_230 : memref<1x2x128xi32, #tpu.memory_space<vmem>> -> memref<2x128xi32, #tpu.memory_space<vmem>>
        %dma_wait3A_232 = arith.constant 0 : i32
        %dma_wait3A_233 = tpu.memref_slice %arg3[%add3A_123, %dma_wait3A_232] : memref<2560x128xi32, #tpu.memory_space<hbm>> -> memref<2x128xi32, #tpu.memory_space<hbm>>
        tpu.wait_dma2 semaphore(%run_scoped3A_209 : memref<!tpu.dma_semaphore, #tpu.memory_space<semaphore_mem>>) src(%dma_wait3A_233 : memref<2x128xi32, #tpu.memory_space<hbm>>) dst(%dma_wait3A_231 : memref<2x128xi32, #tpu.memory_space<vmem>>)
        tpu.yield
      }) : () -> ()
      %run_scoped3A_130 = arith.constant 1 : i32
      "tpu.region"() ({
        %run_scoped3A_209 = tpu.sem_alloc : memref<!tpu.dma_semaphore, #tpu.memory_space<semaphore_mem>>
        %dma_start3A_210 = arith.constant 0 : i32
        %dma_start3A_211 = arith.constant 0 : i32
        %dma_start3A_212 = tpu.memref_slice %arg10[%run_scoped3A_130, %dma_start3A_210, %dma_start3A_211] : memref<2x2x128xi32, #tpu.memory_space<vmem>> -> memref<1x2x128xi32, #tpu.memory_space<vmem>>
        %dma_start3A_213 = tpu.memref_squeeze %dma_start3A_212 : memref<1x2x128xi32, #tpu.memory_space<vmem>> -> memref<2x128xi32, #tpu.memory_space<vmem>>
        %dma_start3A_214 = arith.constant 0 : i32
        %dma_start3A_215 = tpu.memref_slice %arg4[%add3A_123, %dma_start3A_214] : memref<2560x128xi32, #tpu.memory_space<hbm>> -> memref<2x128xi32, #tpu.memory_space<hbm>>
        %dma_start3A_216 = arith.constant 0 : i32
        %dma_start3A_217 = arith.constant 0 : i32
        %dma_start3A_218 = tpu.memref_slice %arg10[%run_scoped3A_130, %dma_start3A_216, %dma_start3A_217] : memref<2x2x128xi32, #tpu.memory_space<vmem>> -> memref<1x2x128xi32, #tpu.memory_space<vmem>>
        %dma_start3A_219 = tpu.memref_squeeze %dma_start3A_218 : memref<1x2x128xi32, #tpu.memory_space<vmem>> -> memref<2x128xi32, #tpu.memory_space<vmem>>
        %dma_start3A_220 = arith.constant 0 : i32
        %dma_start3A_221 = tpu.memref_slice %arg4[%add3A_123, %dma_start3A_220] : memref<2560x128xi32, #tpu.memory_space<hbm>> -> memref<2x128xi32, #tpu.memory_space<hbm>>
        tpu.enqueue_dma source(%dma_start3A_221 : memref<2x128xi32, #tpu.memory_space<hbm>>) target(%dma_start3A_219 : memref<2x128xi32, #tpu.memory_space<vmem>>) target_semaphore(%run_scoped3A_209 : memref<!tpu.dma_semaphore, #tpu.memory_space<semaphore_mem>>)
        %dma_wait3A_222 = arith.constant 0 : i32
        %dma_wait3A_223 = arith.constant 0 : i32
        %dma_wait3A_224 = tpu.memref_slice %arg10[%run_scoped3A_130, %dma_wait3A_222, %dma_wait3A_223] : memref<2x2x128xi32, #tpu.memory_space<vmem>> -> memref<1x2x128xi32, #tpu.memory_space<vmem>>
        %dma_wait3A_225 = tpu.memref_squeeze %dma_wait3A_224 : memref<1x2x128xi32, #tpu.memory_space<vmem>> -> memref<2x128xi32, #tpu.memory_space<vmem>>
        %dma_wait3A_226 = arith.constant 0 : i32
        %dma_wait3A_227 = tpu.memref_slice %arg4[%add3A_123, %dma_wait3A_226] : memref<2560x128xi32, #tpu.memory_space<hbm>> -> memref<2x128xi32, #tpu.memory_space<hbm>>
        %dma_wait3A_228 = arith.constant 0 : i32
        %dma_wait3A_229 = arith.constant 0 : i32
        %dma_wait3A_230 = tpu.memref_slice %arg10[%run_scoped3A_130, %dma_wait3A_228, %dma_wait3A_229] : memref<2x2x128xi32, #tpu.memory_space<vmem>> -> memref<1x2x128xi32, #tpu.memory_space<vmem>>
        %dma_wait3A_231 = tpu.memref_squeeze %dma_wait3A_230 : memref<1x2x128xi32, #tpu.memory_space<vmem>> -> memref<2x128xi32, #tpu.memory_space<vmem>>
        %dma_wait3A_232 = arith.constant 0 : i32
        %dma_wait3A_233 = tpu.memref_slice %arg4[%add3A_123, %dma_wait3A_232] : memref<2560x128xi32, #tpu.memory_space<hbm>> -> memref<2x128xi32, #tpu.memory_space<hbm>>
        tpu.wait_dma2 semaphore(%run_scoped3A_209 : memref<!tpu.dma_semaphore, #tpu.memory_space<semaphore_mem>>) src(%dma_wait3A_233 : memref<2x128xi32, #tpu.memory_space<hbm>>) dst(%dma_wait3A_231 : memref<2x128xi32, #tpu.memory_space<vmem>>)
        tpu.yield
      }) : () -> ()
      %dma_start3A_131 = arith.constant 1 : i32
      %dma_start3A_132 = arith.constant 0 : i32
      %dma_start3A_133 = arith.constant 0 : i32
      %dma_start3A_134 = arith.constant 0 : i32
      %dma_start3A_135 = arith.constant 0 : i32
      %dma_start3A_136 = tpu.memref_slice %arg12[%dma_start3A_133, %dma_start3A_134, %dma_start3A_135] : memref<2x128x64xf32, #tpu.memory_space<vmem>> -> memref<1x128x64xf32, #tpu.memory_space<vmem>>
      %dma_start3A_137 = tpu.memref_squeeze %dma_start3A_136 : memref<1x128x64xf32, #tpu.memory_space<vmem>> -> memref<128x64xf32, #tpu.memory_space<vmem>>
      %dma_start3A_138 = arith.constant 0 : i32
      %dma_start3A_139 = tpu.memref_slice %arg9[%dma_start3A_131, %dma_start3A_132, %dma_start3A_138] : memref<2x2x128xi32, #tpu.memory_space<vmem>> -> memref<1x1x128xi32, #tpu.memory_space<vmem>>
      %dma_start3A_140 = tpu.memref_squeeze %dma_start3A_139 : memref<1x1x128xi32, #tpu.memory_space<vmem>> -> memref<128xi32, #tpu.memory_space<vmem>>
      %dma_start3A_141 = arith.constant 0 : i32
      %dma_start3A_142 = arith.constant 0 : i32
      %dma_start3A_143 = tpu.memref_slice %arg13[%dma_start3A_141, %dma_start3A_142] : memref<10000x64xf32, #tpu.memory_space<vmem_shared>> -> memref<10000x64xf32, #tpu.memory_space<vmem_shared>>
      tpu.enqueue_indirect_dma source(%dma_start3A_143 : memref<10000x64xf32, #tpu.memory_space<vmem_shared>>) target(%dma_start3A_137 : memref<128x64xf32, #tpu.memory_space<vmem>>) offsets(%dma_start3A_140 : memref<128xi32, #tpu.memory_space<vmem>>) semaphore(%arg15 : memref<!tpu.dma_semaphore, #tpu.memory_space<semaphore_mem>>)
      %dma_start3A_144 = arith.constant 1 : i32
      %dma_start3A_145 = arith.constant 1 : i32
      %dma_start3A_146 = arith.constant 1 : i32
      %dma_start3A_147 = arith.constant 0 : i32
      %dma_start3A_148 = arith.constant 0 : i32
      %dma_start3A_149 = tpu.memref_slice %arg12[%dma_start3A_146, %dma_start3A_147, %dma_start3A_148] : memref<2x128x64xf32, #tpu.memory_space<vmem>> -> memref<1x128x64xf32, #tpu.memory_space<vmem>>
      %dma_start3A_150 = tpu.memref_squeeze %dma_start3A_149 : memref<1x128x64xf32, #tpu.memory_space<vmem>> -> memref<128x64xf32, #tpu.memory_space<vmem>>
      %dma_start3A_151 = arith.constant 0 : i32
      %dma_start3A_152 = tpu.memref_slice %arg9[%dma_start3A_144, %dma_start3A_145, %dma_start3A_151] : memref<2x2x128xi32, #tpu.memory_space<vmem>> -> memref<1x1x128xi32, #tpu.memory_space<vmem>>
      %dma_start3A_153 = tpu.memref_squeeze %dma_start3A_152 : memref<1x1x128xi32, #tpu.memory_space<vmem>> -> memref<128xi32, #tpu.memory_space<vmem>>
      %dma_start3A_154 = arith.constant 0 : i32
      %dma_start3A_155 = arith.constant 0 : i32
      %dma_start3A_156 = tpu.memref_slice %arg13[%dma_start3A_154, %dma_start3A_155] : memref<10000x64xf32, #tpu.memory_space<vmem_shared>> -> memref<10000x64xf32, #tpu.memory_space<vmem_shared>>
      tpu.enqueue_indirect_dma source(%dma_start3A_156 : memref<10000x64xf32, #tpu.memory_space<vmem_shared>>) target(%dma_start3A_150 : memref<128x64xf32, #tpu.memory_space<vmem>>) offsets(%dma_start3A_153 : memref<128xi32, #tpu.memory_space<vmem>>) semaphore(%arg15 : memref<!tpu.dma_semaphore, #tpu.memory_space<semaphore_mem>>)
      %dma_wait3A_157 = arith.constant 1 : i32
      %dma_wait3A_158 = arith.constant 0 : i32
      %dma_wait3A_159 = arith.constant 0 : i32
      %dma_wait3A_160 = arith.constant 0 : i32
      %dma_wait3A_161 = arith.constant 0 : i32
      %dma_wait3A_162 = tpu.memref_slice %arg12[%dma_wait3A_159, %dma_wait3A_160, %dma_wait3A_161] : memref<2x128x64xf32, #tpu.memory_space<vmem>> -> memref<1x128x64xf32, #tpu.memory_space<vmem>>
      %dma_wait3A_163 = tpu.memref_squeeze %dma_wait3A_162 : memref<1x128x64xf32, #tpu.memory_space<vmem>> -> memref<128x64xf32, #tpu.memory_space<vmem>>
      %dma_wait3A_164 = arith.constant 0 : i32
      %dma_wait3A_165 = tpu.memref_slice %arg9[%dma_wait3A_157, %dma_wait3A_158, %dma_wait3A_164] : memref<2x2x128xi32, #tpu.memory_space<vmem>> -> memref<1x1x128xi32, #tpu.memory_space<vmem>>
      %dma_wait3A_166 = tpu.memref_squeeze %dma_wait3A_165 : memref<1x1x128xi32, #tpu.memory_space<vmem>> -> memref<128xi32, #tpu.memory_space<vmem>>
      %dma_wait3A_167 = arith.constant 0 : i32
      %dma_wait3A_168 = arith.constant 0 : i32
      %dma_wait3A_169 = tpu.memref_slice %arg13[%dma_wait3A_167, %dma_wait3A_168] : memref<10000x64xf32, #tpu.memory_space<vmem_shared>> -> memref<10000x64xf32, #tpu.memory_space<vmem_shared>>
      tpu.wait_indirect_dma semaphore(%arg15 : memref<!tpu.dma_semaphore, #tpu.memory_space<semaphore_mem>>) src(%dma_wait3A_169 : memref<10000x64xf32, #tpu.memory_space<vmem_shared>>) dst(%dma_wait3A_163 : memref<128x64xf32, #tpu.memory_space<vmem>>)
      %dma_wait3A_170 = arith.constant 1 : i32
      %dma_wait3A_171 = arith.constant 1 : i32
      %dma_wait3A_172 = arith.constant 1 : i32
      %dma_wait3A_173 = arith.constant 0 : i32
      %dma_wait3A_174 = arith.constant 0 : i32
      %dma_wait3A_175 = tpu.memref_slice %arg12[%dma_wait3A_172, %dma_wait3A_173, %dma_wait3A_174] : memref<2x128x64xf32, #tpu.memory_space<vmem>> -> memref<1x128x64xf32, #tpu.memory_space<vmem>>
      %dma_wait3A_176 = tpu.memref_squeeze %dma_wait3A_175 : memref<1x128x64xf32, #tpu.memory_space<vmem>> -> memref<128x64xf32, #tpu.memory_space<vmem>>
      %dma_wait3A_177 = arith.constant 0 : i32
      %dma_wait3A_178 = tpu.memref_slice %arg9[%dma_wait3A_170, %dma_wait3A_171, %dma_wait3A_177] : memref<2x2x128xi32, #tpu.memory_space<vmem>> -> memref<1x1x128xi32, #tpu.memory_space<vmem>>
      %dma_wait3A_179 = tpu.memref_squeeze %dma_wait3A_178 : memref<1x1x128xi32, #tpu.memory_space<vmem>> -> memref<128xi32, #tpu.memory_space<vmem>>
      %dma_wait3A_180 = arith.constant 0 : i32
      %dma_wait3A_181 = arith.constant 0 : i32
      %dma_wait3A_182 = tpu.memref_slice %arg13[%dma_wait3A_180, %dma_wait3A_181] : memref<10000x64xf32, #tpu.memory_space<vmem_shared>> -> memref<10000x64xf32, #tpu.memory_space<vmem_shared>>
      tpu.wait_indirect_dma semaphore(%arg15 : memref<!tpu.dma_semaphore, #tpu.memory_space<semaphore_mem>>) src(%dma_wait3A_182 : memref<10000x64xf32, #tpu.memory_space<vmem_shared>>) dst(%dma_wait3A_176 : memref<128x64xf32, #tpu.memory_space<vmem>>)
      %dma_start3A_183 = arith.constant 0 : i32
      %dma_start3A_184 = arith.constant 1 : i32
      %dma_start3A_185 = arith.constant 0 : i32
      %dma_start3A_186 = arith.constant 0 : i32
      %dma_start3A_187 = arith.constant 0 : i32
      %dma_start3A_188 = tpu.memref_slice %arg12[%dma_start3A_183, %dma_start3A_186, %dma_start3A_187] : memref<2x128x64xf32, #tpu.memory_space<vmem>> -> memref<1x128x64xf32, #tpu.memory_space<vmem>>
      %dma_start3A_189 = tpu.memref_squeeze %dma_start3A_188 : memref<1x128x64xf32, #tpu.memory_space<vmem>> -> memref<128x64xf32, #tpu.memory_space<vmem>>
      %dma_start3A_190 = arith.constant 0 : i32
      %dma_start3A_191 = tpu.memref_slice %arg10[%dma_start3A_184, %dma_start3A_185, %dma_start3A_190] : memref<2x2x128xi32, #tpu.memory_space<vmem>> -> memref<1x1x128xi32, #tpu.memory_space<vmem>>
      %dma_start3A_192 = tpu.memref_squeeze %dma_start3A_191 : memref<1x1x128xi32, #tpu.memory_space<vmem>> -> memref<128xi32, #tpu.memory_space<vmem>>
      %dma_start3A_193 = arith.constant 0 : i32
      %dma_start3A_194 = arith.constant 0 : i32
      %dma_start3A_195 = tpu.memref_slice %arg14[%dma_start3A_193, %dma_start3A_194] : memref<10112x64xf32, #tpu.memory_space<vmem_shared>> -> memref<10112x64xf32, #tpu.memory_space<vmem_shared>>
      tpu.enqueue_indirect_dma source(%dma_start3A_189 : memref<128x64xf32, #tpu.memory_space<vmem>>) target(%dma_start3A_195 : memref<10112x64xf32, #tpu.memory_space<vmem_shared>>) offsets(%dma_start3A_192 : memref<128xi32, #tpu.memory_space<vmem>>) semaphore(%arg17 : memref<!tpu.dma_semaphore, #tpu.memory_space<semaphore_mem>>) {add = true}
      %dma_start3A_196 = arith.constant 1 : i32
      %dma_start3A_197 = arith.constant 1 : i32
      %dma_start3A_198 = arith.constant 1 : i32
      %dma_start3A_199 = arith.constant 0 : i32
      %dma_start3A_200 = arith.constant 0 : i32
      %dma_start3A_201 = tpu.memref_slice %arg12[%dma_start3A_196, %dma_start3A_199, %dma_start3A_200] : memref<2x128x64xf32, #tpu.memory_space<vmem>> -> memref<1x128x64xf32, #tpu.memory_space<vmem>>
      %dma_start3A_202 = tpu.memref_squeeze %dma_start3A_201 : memref<1x128x64xf32, #tpu.memory_space<vmem>> -> memref<128x64xf32, #tpu.memory_space<vmem>>
      %dma_start3A_203 = arith.constant 0 : i32
      %dma_start3A_204 = tpu.memref_slice %arg10[%dma_start3A_197, %dma_start3A_198, %dma_start3A_203] : memref<2x2x128xi32, #tpu.memory_space<vmem>> -> memref<1x1x128xi32, #tpu.memory_space<vmem>>
      %dma_start3A_205 = tpu.memref_squeeze %dma_start3A_204 : memref<1x1x128xi32, #tpu.memory_space<vmem>> -> memref<128xi32, #tpu.memory_space<vmem>>
      %dma_start3A_206 = arith.constant 0 : i32
      %dma_start3A_207 = arith.constant 0 : i32
      %dma_start3A_208 = tpu.memref_slice %arg14[%dma_start3A_206, %dma_start3A_207] : memref<10112x64xf32, #tpu.memory_space<vmem_shared>> -> memref<10112x64xf32, #tpu.memory_space<vmem_shared>>
      tpu.enqueue_indirect_dma source(%dma_start3A_202 : memref<128x64xf32, #tpu.memory_space<vmem>>) target(%dma_start3A_208 : memref<10112x64xf32, #tpu.memory_space<vmem_shared>>) offsets(%dma_start3A_205 : memref<128xi32, #tpu.memory_space<vmem>>) semaphore(%arg17 : memref<!tpu.dma_semaphore, #tpu.memory_space<semaphore_mem>>) {add = true}
    }
    %gt3A = arith.constant 0 : i32
    %gt3A_24 = arith.cmpi sgt, %select_n3A_14, %gt3A : i32
    %convert_element_type3A = arith.extui %gt3A_24 : i1 to i32
    %cond3A = arith.constant 0 : i32
    %cond3A_25 = arith.cmpi ne, %convert_element_type3A, %cond3A : i32
    scf.if %cond3A_25 {
      %dma_wait3A = arith.constant 0 : i32
      %dma_wait3A_31 = arith.constant 0 : i32
      %dma_wait3A_32 = arith.constant 0 : i32
      %dma_wait3A_33 = tpu.memref_slice %arg11[%dma_wait3A, %dma_wait3A_31, %dma_wait3A_32] : memref<2x128x64xf32, #tpu.memory_space<vmem>> -> memref<1x128x64xf32, #tpu.memory_space<vmem>>
      %dma_wait3A_34 = tpu.memref_squeeze %dma_wait3A_33 : memref<1x128x64xf32, #tpu.memory_space<vmem>> -> memref<128x64xf32, #tpu.memory_space<vmem>>
      %dma_wait3A_35 = arith.constant 0 : i32
      %dma_wait3A_36 = arith.constant 0 : i32
      %dma_wait3A_37 = tpu.memref_slice %arg2[%dma_wait3A_35, %dma_wait3A_36] : memref<10000x64xf32, #tpu.memory_space<hbm>> -> memref<128x64xf32, #tpu.memory_space<hbm>>
      %dma_wait3A_38 = arith.constant 0 : i32
      %dma_wait3A_39 = arith.constant 0 : i32
      %dma_wait3A_40 = tpu.memref_slice %arg11[%dma_wait3A, %dma_wait3A_38, %dma_wait3A_39] : memref<2x128x64xf32, #tpu.memory_space<vmem>> -> memref<1x128x64xf32, #tpu.memory_space<vmem>>
      %dma_wait3A_41 = tpu.memref_squeeze %dma_wait3A_40 : memref<1x128x64xf32, #tpu.memory_space<vmem>> -> memref<128x64xf32, #tpu.memory_space<vmem>>
      %dma_wait3A_42 = arith.constant 0 : i32
      %dma_wait3A_43 = arith.constant 0 : i32
      %dma_wait3A_44 = tpu.memref_slice %arg2[%dma_wait3A_42, %dma_wait3A_43] : memref<10000x64xf32, #tpu.memory_space<hbm>> -> memref<128x64xf32, #tpu.memory_space<hbm>>
      tpu.wait_dma2 semaphore(%arg16 : memref<!tpu.dma_semaphore, #tpu.memory_space<semaphore_mem>>) src(%dma_wait3A_44 : memref<128x64xf32, #tpu.memory_space<hbm>>) dst(%dma_wait3A_41 : memref<128x64xf32, #tpu.memory_space<vmem>>)
      %dma_wait3A_45 = arith.constant 1 : i32
      %dma_wait3A_46 = arith.constant 0 : i32
      %dma_wait3A_47 = arith.constant 0 : i32
      %dma_wait3A_48 = tpu.memref_slice %arg11[%dma_wait3A_45, %dma_wait3A_46, %dma_wait3A_47] : memref<2x128x64xf32, #tpu.memory_space<vmem>> -> memref<1x128x64xf32, #tpu.memory_space<vmem>>
      %dma_wait3A_49 = tpu.memref_squeeze %dma_wait3A_48 : memref<1x128x64xf32, #tpu.memory_space<vmem>> -> memref<128x64xf32, #tpu.memory_space<vmem>>
      %dma_wait3A_50 = arith.constant 0 : i32
      %dma_wait3A_51 = arith.constant 0 : i32
      %dma_wait3A_52 = tpu.memref_slice %arg2[%dma_wait3A_50, %dma_wait3A_51] : memref<10000x64xf32, #tpu.memory_space<hbm>> -> memref<128x64xf32, #tpu.memory_space<hbm>>
      %dma_wait3A_53 = arith.constant 0 : i32
      %dma_wait3A_54 = arith.constant 0 : i32
      %dma_wait3A_55 = tpu.memref_slice %arg11[%dma_wait3A_45, %dma_wait3A_53, %dma_wait3A_54] : memref<2x128x64xf32, #tpu.memory_space<vmem>> -> memref<1x128x64xf32, #tpu.memory_space<vmem>>
      %dma_wait3A_56 = tpu.memref_squeeze %dma_wait3A_55 : memref<1x128x64xf32, #tpu.memory_space<vmem>> -> memref<128x64xf32, #tpu.memory_space<vmem>>
      %dma_wait3A_57 = arith.constant 0 : i32
      %dma_wait3A_58 = arith.constant 0 : i32
      %dma_wait3A_59 = tpu.memref_slice %arg2[%dma_wait3A_57, %dma_wait3A_58] : memref<10000x64xf32, #tpu.memory_space<hbm>> -> memref<128x64xf32, #tpu.memory_space<hbm>>
      tpu.wait_dma2 semaphore(%arg16 : memref<!tpu.dma_semaphore, #tpu.memory_space<semaphore_mem>>) src(%dma_wait3A_59 : memref<128x64xf32, #tpu.memory_space<hbm>>) dst(%dma_wait3A_56 : memref<128x64xf32, #tpu.memory_space<vmem>>)
      %dma_wait3A_60 = arith.constant 0 : i32
      %dma_wait3A_61 = arith.constant 0 : i32
      %dma_wait3A_62 = arith.constant 0 : i32
      %dma_wait3A_63 = tpu.memref_slice %arg12[%dma_wait3A_60, %dma_wait3A_61, %dma_wait3A_62] : memref<2x128x64xf32, #tpu.memory_space<vmem>> -> memref<1x128x64xf32, #tpu.memory_space<vmem>>
      %dma_wait3A_64 = tpu.memref_squeeze %dma_wait3A_63 : memref<1x128x64xf32, #tpu.memory_space<vmem>> -> memref<128x64xf32, #tpu.memory_space<vmem>>
      %dma_wait3A_65 = arith.constant 0 : i32
      %dma_wait3A_66 = arith.constant 0 : i32
      %dma_wait3A_67 = tpu.memref_slice %arg2[%dma_wait3A_65, %dma_wait3A_66] : memref<10000x64xf32, #tpu.memory_space<hbm>> -> memref<128x64xf32, #tpu.memory_space<hbm>>
      %dma_wait3A_68 = arith.constant 0 : i32
      %dma_wait3A_69 = arith.constant 0 : i32
      %dma_wait3A_70 = tpu.memref_slice %arg12[%dma_wait3A_60, %dma_wait3A_68, %dma_wait3A_69] : memref<2x128x64xf32, #tpu.memory_space<vmem>> -> memref<1x128x64xf32, #tpu.memory_space<vmem>>
      %dma_wait3A_71 = tpu.memref_squeeze %dma_wait3A_70 : memref<1x128x64xf32, #tpu.memory_space<vmem>> -> memref<128x64xf32, #tpu.memory_space<vmem>>
      %dma_wait3A_72 = arith.constant 0 : i32
      %dma_wait3A_73 = arith.constant 0 : i32
      %dma_wait3A_74 = tpu.memref_slice %arg2[%dma_wait3A_72, %dma_wait3A_73] : memref<10000x64xf32, #tpu.memory_space<hbm>> -> memref<128x64xf32, #tpu.memory_space<hbm>>
      tpu.wait_dma2 semaphore(%arg17 : memref<!tpu.dma_semaphore, #tpu.memory_space<semaphore_mem>>) src(%dma_wait3A_74 : memref<128x64xf32, #tpu.memory_space<hbm>>) dst(%dma_wait3A_71 : memref<128x64xf32, #tpu.memory_space<vmem>>)
      %dma_wait3A_75 = arith.constant 1 : i32
      %dma_wait3A_76 = arith.constant 0 : i32
      %dma_wait3A_77 = arith.constant 0 : i32
      %dma_wait3A_78 = tpu.memref_slice %arg12[%dma_wait3A_75, %dma_wait3A_76, %dma_wait3A_77] : memref<2x128x64xf32, #tpu.memory_space<vmem>> -> memref<1x128x64xf32, #tpu.memory_space<vmem>>
      %dma_wait3A_79 = tpu.memref_squeeze %dma_wait3A_78 : memref<1x128x64xf32, #tpu.memory_space<vmem>> -> memref<128x64xf32, #tpu.memory_space<vmem>>
      %dma_wait3A_80 = arith.constant 0 : i32
      %dma_wait3A_81 = arith.constant 0 : i32
      %dma_wait3A_82 = tpu.memref_slice %arg2[%dma_wait3A_80, %dma_wait3A_81] : memref<10000x64xf32, #tpu.memory_space<hbm>> -> memref<128x64xf32, #tpu.memory_space<hbm>>
      %dma_wait3A_83 = arith.constant 0 : i32
      %dma_wait3A_84 = arith.constant 0 : i32
      %dma_wait3A_85 = tpu.memref_slice %arg12[%dma_wait3A_75, %dma_wait3A_83, %dma_wait3A_84] : memref<2x128x64xf32, #tpu.memory_space<vmem>> -> memref<1x128x64xf32, #tpu.memory_space<vmem>>
      %dma_wait3A_86 = tpu.memref_squeeze %dma_wait3A_85 : memref<1x128x64xf32, #tpu.memory_space<vmem>> -> memref<128x64xf32, #tpu.memory_space<vmem>>
      %dma_wait3A_87 = arith.constant 0 : i32
      %dma_wait3A_88 = arith.constant 0 : i32
      %dma_wait3A_89 = tpu.memref_slice %arg2[%dma_wait3A_87, %dma_wait3A_88] : memref<10000x64xf32, #tpu.memory_space<hbm>> -> memref<128x64xf32, #tpu.memory_space<hbm>>
      tpu.wait_dma2 semaphore(%arg17 : memref<!tpu.dma_semaphore, #tpu.memory_space<semaphore_mem>>) src(%dma_wait3A_89 : memref<128x64xf32, #tpu.memory_space<hbm>>) dst(%dma_wait3A_86 : memref<128x64xf32, #tpu.memory_space<vmem>>)
    } else {
    }
    %barrier3A_26 = arith.constant 0 : index
    tpu.barrier barrier_id(%barrier3A_26)
    %mul3A_27 = arith.constant 632 : i32
    %mul3A_28 = arith.muli %arg1, %mul3A_27 : i32
    %mul3A_29 = arith.constant 632 : i32
    %mul3A_30 = arith.muli %arg1, %mul3A_29 : i32
    "tpu.region"() ({
      %run_scoped3A = tpu.sem_alloc : memref<!tpu.dma_semaphore, #tpu.memory_space<semaphore_mem>>
      %dma_start3A = arith.constant 0 : i32
      %dma_start3A_31 = tpu.memref_slice %arg8[%arg0, %mul3A_30, %dma_start3A] : memref<2x10112x64xf32, #tpu.memory_space<hbm>> -> memref<1x632x64xf32, #tpu.memory_space<hbm>>
      %dma_start3A_32 = tpu.memref_squeeze %dma_start3A_31 : memref<1x632x64xf32, #tpu.memory_space<hbm>> -> memref<632x64xf32, #tpu.memory_space<hbm>>
      %dma_start3A_33 = arith.constant 0 : i32
      %dma_start3A_34 = tpu.memref_slice %arg14[%mul3A_28, %dma_start3A_33] : memref<10112x64xf32, #tpu.memory_space<vmem_shared>> -> memref<632x64xf32, #tpu.memory_space<vmem_shared>>
      tpu.enqueue_dma source(%dma_start3A_34 : memref<632x64xf32, #tpu.memory_space<vmem_shared>>) target(%dma_start3A_32 : memref<632x64xf32, #tpu.memory_space<hbm>>) target_semaphore(%run_scoped3A : memref<!tpu.dma_semaphore, #tpu.memory_space<semaphore_mem>>)
      %dma_wait3A = arith.constant 0 : i32
      %dma_wait3A_35 = tpu.memref_slice %arg8[%arg0, %mul3A_30, %dma_wait3A] : memref<2x10112x64xf32, #tpu.memory_space<hbm>> -> memref<1x632x64xf32, #tpu.memory_space<hbm>>
      %dma_wait3A_36 = tpu.memref_squeeze %dma_wait3A_35 : memref<1x632x64xf32, #tpu.memory_space<hbm>> -> memref<632x64xf32, #tpu.memory_space<hbm>>
      %dma_wait3A_37 = arith.constant 0 : i32
      %dma_wait3A_38 = tpu.memref_slice %arg14[%mul3A_28, %dma_wait3A_37] : memref<10112x64xf32, #tpu.memory_space<vmem_shared>> -> memref<632x64xf32, #tpu.memory_space<vmem_shared>>
      tpu.wait_dma2 semaphore(%run_scoped3A : memref<!tpu.dma_semaphore, #tpu.memory_space<semaphore_mem>>) src(%dma_wait3A_38 : memref<632x64xf32, #tpu.memory_space<vmem_shared>>) dst(%dma_wait3A_36 : memref<632x64xf32, #tpu.memory_space<hbm>>)
      tpu.yield
    }) : () -> ()
    return
  }
}

module attributes {stable_mosaic.version = 14 : i64} {
  func.func @_tc1(%arg0: memref<10000x128xf32, #tpu.memory_space<vmem>>, %arg1: memref<128x64xf32, #tpu.memory_space<vmem>>, %arg2: memref<128x64xf32, #tpu.memory_space<vmem>>, %arg3: memref<10000x64xf32, #tpu.memory_space<vmem>>, %arg4: memref<10000x64xf32, #tpu.memory_space<vmem>>) attributes {dimension_semantics = [], scalar_prefetch = 0 : i64, scratch_operands = 0 : i64, tpu.core_type = #tpu.core_type<tc>} {
    %get3A = arith.constant 0 : index
    %get3A_0 = arith.constant 0 : index
    %get3A_1 = vector.load %arg0[%get3A, %get3A_0] : memref<10000x128xf32, #tpu.memory_space<vmem>>, vector<10000x128xf32>
    %get3A_2 = arith.constant 0 : index
    %get3A_3 = arith.constant 0 : index
    %get3A_4 = vector.load %arg1[%get3A_2, %get3A_3] : memref<128x64xf32, #tpu.memory_space<vmem>>, vector<128x64xf32>
    %dot_general3A = arith.constant dense<0.000000e+00> : vector<10000x64xf32>
    %dot_general3A_5 = tpu.matmul %get3A_1, %get3A_4, %dot_general3A {dimension_numbers = #tpu.dot_dimension_numbers<[1], [0], [0], [1], [0, 0, 1, 1], [], []>, transpose_lhs_hint = false} : vector<10000x128xf32>, vector<128x64xf32>, vector<10000x64xf32> -> vector<10000x64xf32>
    %swap3A = arith.constant 0 : index
    %swap3A_6 = arith.constant 0 : index
    %swap3A_7 = vector.load %arg3[%swap3A, %swap3A_6] : memref<10000x64xf32, #tpu.memory_space<vmem>>, vector<10000x64xf32>
    tpu.vector_store %arg3[%swap3A, %swap3A_6], %dot_general3A_5 {strides = array<i32>} : memref<10000x64xf32, #tpu.memory_space<vmem>>, vector<10000x64xf32>,
    %get3A_8 = arith.constant 0 : index
    %get3A_9 = arith.constant 0 : index
    %get3A_10 = vector.load %arg2[%get3A_8, %get3A_9] : memref<128x64xf32, #tpu.memory_space<vmem>>, vector<128x64xf32>
    %dot_general3A_11 = arith.constant dense<0.000000e+00> : vector<10000x64xf32>
    %dot_general3A_12 = tpu.matmul %get3A_1, %get3A_10, %dot_general3A_11 {dimension_numbers = #tpu.dot_dimension_numbers<[1], [0], [0], [1], [0, 0, 1, 1], [], []>, transpose_lhs_hint = false} : vector<10000x128xf32>, vector<128x64xf32>, vector<10000x64xf32> -> vector<10000x64xf32>
    %swap3A_13 = arith.constant 0 : index
    %swap3A_14 = arith.constant 0 : index
    %swap3A_15 = vector.load %arg4[%swap3A_13, %swap3A_14] : memref<10000x64xf32, #tpu.memory_space<vmem>>, vector<10000x64xf32>
    tpu.vector_store %arg4[%swap3A_13, %swap3A_14], %dot_general3A_12 {strides = array<i32>} : memref<10000x64xf32, #tpu.memory_space<vmem>>, vector<10000x64xf32>,
    return
  }
}

module attributes {stable_mosaic.version = 14 : i64} {
  func.func @_tc2(%arg0: memref<2x10112x64xf32, #tpu.memory_space<vmem>>, %arg1: memref<2x10112x16xf32, #tpu.memory_space<vmem>>, %arg2: memref<10000x64xf32, #tpu.memory_space<vmem>>, %arg3: memref<64x64xf32, #tpu.memory_space<vmem>>, %arg4: memref<64x64xf32, #tpu.memory_space<vmem>>, %arg5: memref<1x64xf32, #tpu.memory_space<vmem>>, %arg6: memref<1x64xf32, #tpu.memory_space<vmem>>, %arg7: memref<1x64xf32, #tpu.memory_space<vmem>>, %arg8: memref<10000x64xf32, #tpu.memory_space<vmem>>, %arg9: memref<10000x64xf32, #tpu.memory_space<vmem>>, %arg10: memref<10000x1xf32, #tpu.memory_space<vmem>>) attributes {dimension_semantics = [], scalar_prefetch = 0 : i64, scratch_operands = 0 : i64, tpu.core_type = #tpu.core_type<tc>} {
    %get3A = arith.constant 0 : index
    %get3A_0 = arith.constant 0 : index
    %get3A_1 = arith.constant 0 : index
    %get3A_2 = vector.load %arg0[%get3A, %get3A_0, %get3A_1] : memref<2x10112x64xf32, #tpu.memory_space<vmem>>, vector<1x10112x64xf32>
    %get3A_3 = vector.shape_cast %get3A_2 : vector<1x10112x64xf32> to vector<10112x64xf32>
    %get3A_4 = arith.constant 1 : index
    %get3A_5 = arith.constant 0 : index
    %get3A_6 = arith.constant 0 : index
    %get3A_7 = vector.load %arg0[%get3A_4, %get3A_5, %get3A_6] : memref<2x10112x64xf32, #tpu.memory_space<vmem>>, vector<1x10112x64xf32>
    %get3A_8 = vector.shape_cast %get3A_7 : vector<1x10112x64xf32> to vector<10112x64xf32>
    %add3A = arith.addf %get3A_3, %get3A_8 : vector<10112x64xf32>
    %slice3A = vector.extract_strided_slice %add3A {offsets = [0, 0], sizes = [10000, 64], strides = [1, 1]} : vector<10112x64xf32> to vector<10000x64xf32>
    %get3A_9 = arith.constant 0 : index
    %get3A_10 = arith.constant 0 : index
    %get3A_11 = arith.constant 0 : index
    %get3A_12 = vector.load %arg1[%get3A_9, %get3A_10, %get3A_11] : memref<2x10112x16xf32, #tpu.memory_space<vmem>>, vector<1x10112x16xf32>
    %get3A_13 = vector.shape_cast %get3A_12 : vector<1x10112x16xf32> to vector<10112x16xf32>
    %get3A_14 = arith.constant 1 : index
    %get3A_15 = arith.constant 0 : index
    %get3A_16 = arith.constant 0 : index
    %get3A_17 = vector.load %arg1[%get3A_14, %get3A_15, %get3A_16] : memref<2x10112x16xf32, #tpu.memory_space<vmem>>, vector<1x10112x16xf32>
    %get3A_18 = vector.shape_cast %get3A_17 : vector<1x10112x16xf32> to vector<10112x16xf32>
    %add3A_19 = arith.addf %get3A_13, %get3A_18 : vector<10112x16xf32>
    %slice3A_20 = vector.extract_strided_slice %add3A_19 {offsets = [0, 0], sizes = [10000, 1], strides = [1, 1]} : vector<10112x16xf32> to vector<10000x1xf32>
    %max3A = arith.constant 1.000000e+00 : f32
    %max3A_21 = vector.broadcast %max3A : f32 to vector<10000x1xf32>
    %max3A_22 = arith.maximumf %slice3A_20, %max3A_21 : vector<10000x1xf32>
    %div3A = arith.constant 1.000000e+00 : f32
    %div3A_23 = vector.broadcast %div3A : f32 to vector<10000x1xf32>
    %div3A_24 = arith.divf %div3A_23, %max3A_22 : vector<10000x1xf32>
    %mul3A = vector.broadcast %div3A_24 : vector<10000x1xf32> to vector<10000x64xf32>
    %mul3A_25 = arith.mulf %slice3A, %mul3A : vector<10000x64xf32>
    %get3A_26 = arith.constant 0 : index
    %get3A_27 = arith.constant 0 : index
    %get3A_28 = vector.load %arg5[%get3A_26, %get3A_27] : memref<1x64xf32, #tpu.memory_space<vmem>>, vector<1x64xf32>
    %add3A_29 = vector.broadcast %get3A_28 : vector<1x64xf32> to vector<10000x64xf32>
    %add3A_30 = arith.addf %mul3A_25, %add3A_29 : vector<10000x64xf32>
    %get3A_31 = arith.constant 0 : index
    %get3A_32 = arith.constant 0 : index
    %get3A_33 = vector.load %arg2[%get3A_31, %get3A_32] : memref<10000x64xf32, #tpu.memory_space<vmem>>, vector<10000x64xf32>
    %add3A_34 = arith.addf %add3A_30, %get3A_33 : vector<10000x64xf32>
    %mul3A_35 = arith.constant 0.999994993 : f32
    %mul3A_36 = vector.broadcast %mul3A_35 : f32 to vector<10000x64xf32>
    %mul3A_37 = arith.mulf %add3A_34, %mul3A_36 : vector<10000x64xf32>
    %get3A_38 = arith.constant 0 : index
    %get3A_39 = arith.constant 0 : index
    %get3A_40 = vector.load %arg6[%get3A_38, %get3A_39] : memref<1x64xf32, #tpu.memory_space<vmem>>, vector<1x64xf32>
    %mul3A_41 = vector.broadcast %get3A_40 : vector<1x64xf32> to vector<10000x64xf32>
    %mul3A_42 = arith.mulf %mul3A_37, %mul3A_41 : vector<10000x64xf32>
    %get3A_43 = arith.constant 0 : index
    %get3A_44 = arith.constant 0 : index
    %get3A_45 = vector.load %arg7[%get3A_43, %get3A_44] : memref<1x64xf32, #tpu.memory_space<vmem>>, vector<1x64xf32>
    %add3A_46 = vector.broadcast %get3A_45 : vector<1x64xf32> to vector<10000x64xf32>
    %add3A_47 = arith.addf %mul3A_42, %add3A_46 : vector<10000x64xf32>
    %max3A_48 = arith.constant 0.000000e+00 : f32
    %max3A_49 = vector.broadcast %max3A_48 : f32 to vector<10000x64xf32>
    %max3A_50 = arith.maximumf %add3A_47, %max3A_49 : vector<10000x64xf32>
    %get3A_51 = arith.constant 0 : index
    %get3A_52 = arith.constant 0 : index
    %get3A_53 = vector.load %arg3[%get3A_51, %get3A_52] : memref<64x64xf32, #tpu.memory_space<vmem>>, vector<64x64xf32>
    %dot_general3A = arith.constant dense<0.000000e+00> : vector<10000x64xf32>
    %dot_general3A_54 = tpu.matmul %max3A_50, %get3A_53, %dot_general3A {dimension_numbers = #tpu.dot_dimension_numbers<[1], [0], [0], [1], [0, 0, 1, 1], [], []>, transpose_lhs_hint = false} : vector<10000x64xf32>, vector<64x64xf32>, vector<10000x64xf32> -> vector<10000x64xf32>
    %swap3A = arith.constant 0 : index
    %swap3A_55 = arith.constant 0 : index
    %swap3A_56 = vector.load %arg8[%swap3A, %swap3A_55] : memref<10000x64xf32, #tpu.memory_space<vmem>>, vector<10000x64xf32>
    tpu.vector_store %arg8[%swap3A, %swap3A_55], %dot_general3A_54 {strides = array<i32>} : memref<10000x64xf32, #tpu.memory_space<vmem>>, vector<10000x64xf32>,
    %get3A_57 = arith.constant 0 : index
    %get3A_58 = arith.constant 0 : index
    %get3A_59 = vector.load %arg4[%get3A_57, %get3A_58] : memref<64x64xf32, #tpu.memory_space<vmem>>, vector<64x64xf32>
    %dot_general3A_60 = arith.constant dense<0.000000e+00> : vector<10000x64xf32>
    %dot_general3A_61 = tpu.matmul %max3A_50, %get3A_59, %dot_general3A_60 {dimension_numbers = #tpu.dot_dimension_numbers<[1], [0], [0], [1], [0, 0, 1, 1], [], []>, transpose_lhs_hint = false} : vector<10000x64xf32>, vector<64x64xf32>, vector<10000x64xf32> -> vector<10000x64xf32>
    %swap3A_62 = arith.constant 0 : index
    %swap3A_63 = arith.constant 0 : index
    %swap3A_64 = vector.load %arg9[%swap3A_62, %swap3A_63] : memref<10000x64xf32, #tpu.memory_space<vmem>>, vector<10000x64xf32>
    tpu.vector_store %arg9[%swap3A_62, %swap3A_63], %dot_general3A_61 {strides = array<i32>} : memref<10000x64xf32, #tpu.memory_space<vmem>>, vector<10000x64xf32>,
    %swap3A_65 = arith.constant 0 : index
    %swap3A_66 = arith.constant 0 : index
    %swap3A_67 = vector.load %arg10[%swap3A_65, %swap3A_66] : memref<10000x1xf32, #tpu.memory_space<vmem>>, vector<10000x1xf32>
    tpu.vector_store %arg10[%swap3A_65, %swap3A_66], %div3A_24 {strides = array<i32>} : memref<10000x1xf32, #tpu.memory_space<vmem>>, vector<10000x1xf32>,
    return
  }
}

module attributes {stable_mosaic.version = 14 : i64} {
  func.func @_tc3(%arg0: memref<2x10112x64xf32, #tpu.memory_space<vmem>>, %arg1: memref<10000x64xf32, #tpu.memory_space<vmem>>, %arg2: memref<10000x1xf32, #tpu.memory_space<vmem>>, %arg3: memref<1x64xf32, #tpu.memory_space<vmem>>, %arg4: memref<1x64xf32, #tpu.memory_space<vmem>>, %arg5: memref<1x64xf32, #tpu.memory_space<vmem>>, %arg6: memref<64x32xf32, #tpu.memory_space<vmem>>, %arg7: memref<1x32xf32, #tpu.memory_space<vmem>>, %arg8: memref<32x1xf32, #tpu.memory_space<vmem>>, %arg9: memref<1x1xf32, #tpu.memory_space<vmem>>, %arg10: memref<10000x1xf32, #tpu.memory_space<vmem>>) attributes {dimension_semantics = [], scalar_prefetch = 0 : i64, scratch_operands = 0 : i64, tpu.core_type = #tpu.core_type<tc>} {
    %get3A = arith.constant 0 : index
    %get3A_0 = arith.constant 0 : index
    %get3A_1 = arith.constant 0 : index
    %get3A_2 = vector.load %arg0[%get3A, %get3A_0, %get3A_1] : memref<2x10112x64xf32, #tpu.memory_space<vmem>>, vector<1x10112x64xf32>
    %get3A_3 = vector.shape_cast %get3A_2 : vector<1x10112x64xf32> to vector<10112x64xf32>
    %get3A_4 = arith.constant 1 : index
    %get3A_5 = arith.constant 0 : index
    %get3A_6 = arith.constant 0 : index
    %get3A_7 = vector.load %arg0[%get3A_4, %get3A_5, %get3A_6] : memref<2x10112x64xf32, #tpu.memory_space<vmem>>, vector<1x10112x64xf32>
    %get3A_8 = vector.shape_cast %get3A_7 : vector<1x10112x64xf32> to vector<10112x64xf32>
    %add3A = arith.addf %get3A_3, %get3A_8 : vector<10112x64xf32>
    %slice3A = vector.extract_strided_slice %add3A {offsets = [0, 0], sizes = [10000, 64], strides = [1, 1]} : vector<10112x64xf32> to vector<10000x64xf32>
    %get3A_9 = arith.constant 0 : index
    %get3A_10 = arith.constant 0 : index
    %get3A_11 = vector.load %arg2[%get3A_9, %get3A_10] : memref<10000x1xf32, #tpu.memory_space<vmem>>, vector<10000x1xf32>
    %mul3A = vector.broadcast %get3A_11 : vector<10000x1xf32> to vector<10000x64xf32>
    %mul3A_12 = arith.mulf %slice3A, %mul3A : vector<10000x64xf32>
    %get3A_13 = arith.constant 0 : index
    %get3A_14 = arith.constant 0 : index
    %get3A_15 = vector.load %arg3[%get3A_13, %get3A_14] : memref<1x64xf32, #tpu.memory_space<vmem>>, vector<1x64xf32>
    %add3A_16 = vector.broadcast %get3A_15 : vector<1x64xf32> to vector<10000x64xf32>
    %add3A_17 = arith.addf %mul3A_12, %add3A_16 : vector<10000x64xf32>
    %get3A_18 = arith.constant 0 : index
    %get3A_19 = arith.constant 0 : index
    %get3A_20 = vector.load %arg1[%get3A_18, %get3A_19] : memref<10000x64xf32, #tpu.memory_space<vmem>>, vector<10000x64xf32>
    %add3A_21 = arith.addf %add3A_17, %get3A_20 : vector<10000x64xf32>
    %mul3A_22 = arith.constant 0.999994993 : f32
    %mul3A_23 = vector.broadcast %mul3A_22 : f32 to vector<10000x64xf32>
    %mul3A_24 = arith.mulf %add3A_21, %mul3A_23 : vector<10000x64xf32>
    %get3A_25 = arith.constant 0 : index
    %get3A_26 = arith.constant 0 : index
    %get3A_27 = vector.load %arg4[%get3A_25, %get3A_26] : memref<1x64xf32, #tpu.memory_space<vmem>>, vector<1x64xf32>
    %mul3A_28 = vector.broadcast %get3A_27 : vector<1x64xf32> to vector<10000x64xf32>
    %mul3A_29 = arith.mulf %mul3A_24, %mul3A_28 : vector<10000x64xf32>
    %get3A_30 = arith.constant 0 : index
    %get3A_31 = arith.constant 0 : index
    %get3A_32 = vector.load %arg5[%get3A_30, %get3A_31] : memref<1x64xf32, #tpu.memory_space<vmem>>, vector<1x64xf32>
    %add3A_33 = vector.broadcast %get3A_32 : vector<1x64xf32> to vector<10000x64xf32>
    %add3A_34 = arith.addf %mul3A_29, %add3A_33 : vector<10000x64xf32>
    %max3A = arith.constant 0.000000e+00 : f32
    %max3A_35 = vector.broadcast %max3A : f32 to vector<10000x64xf32>
    %max3A_36 = arith.maximumf %add3A_34, %max3A_35 : vector<10000x64xf32>
    %get3A_37 = arith.constant 0 : index
    %get3A_38 = arith.constant 0 : index
    %get3A_39 = vector.load %arg6[%get3A_37, %get3A_38] : memref<64x32xf32, #tpu.memory_space<vmem>>, vector<64x32xf32>
    %dot_general3A = arith.constant dense<0.000000e+00> : vector<10000x32xf32>
    %dot_general3A_40 = tpu.matmul %max3A_36, %get3A_39, %dot_general3A {dimension_numbers = #tpu.dot_dimension_numbers<[1], [0], [0], [1], [0, 0, 1, 1], [], []>, transpose_lhs_hint = false} : vector<10000x64xf32>, vector<64x32xf32>, vector<10000x32xf32> -> vector<10000x32xf32>
    %get3A_41 = arith.constant 0 : index
    %get3A_42 = arith.constant 0 : index
    %get3A_43 = vector.load %arg7[%get3A_41, %get3A_42] : memref<1x32xf32, #tpu.memory_space<vmem>>, vector<1x32xf32>
    %add3A_44 = vector.broadcast %get3A_43 : vector<1x32xf32> to vector<10000x32xf32>
    %add3A_45 = arith.addf %dot_general3A_40, %add3A_44 : vector<10000x32xf32>
    %max3A_46 = arith.constant 0.000000e+00 : f32
    %max3A_47 = vector.broadcast %max3A_46 : f32 to vector<10000x32xf32>
    %max3A_48 = arith.maximumf %add3A_45, %max3A_47 : vector<10000x32xf32>
    %get3A_49 = arith.constant 0 : index
    %get3A_50 = arith.constant 0 : index
    %get3A_51 = vector.load %arg8[%get3A_49, %get3A_50] : memref<32x1xf32, #tpu.memory_space<vmem>>, vector<32x1xf32>
    %dot_general3A_52 = arith.constant dense<0.000000e+00> : vector<10000x1xf32>
    %dot_general3A_53 = tpu.matmul %max3A_48, %get3A_51, %dot_general3A_52 {dimension_numbers = #tpu.dot_dimension_numbers<[1], [0], [0], [1], [0, 0, 1, 1], [], []>, transpose_lhs_hint = false} : vector<10000x32xf32>, vector<32x1xf32>, vector<10000x1xf32> -> vector<10000x1xf32>
    %get3A_54 = arith.constant 0 : index
    %get3A_55 = arith.constant 0 : index
    %get3A_56 = vector.load %arg9[%get3A_54, %get3A_55] : memref<1x1xf32, #tpu.memory_space<vmem>>, vector<1x1xf32>
    %add3A_57 = vector.broadcast %get3A_56 : vector<1x1xf32> to vector<10000x1xf32>
    %add3A_58 = arith.addf %dot_general3A_53, %add3A_57 : vector<10000x1xf32>
    %logistic3A = arith.negf %add3A_58 : vector<10000x1xf32>
    %logistic3A_59 = math.exp %logistic3A : vector<10000x1xf32>
    %logistic3A_60 = arith.constant 1.000000e+00 : f32
    %logistic3A_61 = vector.broadcast %logistic3A_60 : f32 to vector<10000x1xf32>
    %logistic3A_62 = arith.addf %logistic3A_61, %logistic3A_59 : vector<10000x1xf32>
    %logistic3A_63 = arith.divf %logistic3A_61, %logistic3A_62 : vector<10000x1xf32>
    %swap3A = arith.constant 0 : index
    %swap3A_64 = arith.constant 0 : index
    %swap3A_65 = vector.load %arg10[%swap3A, %swap3A_64] : memref<10000x1xf32, #tpu.memory_space<vmem>>, vector<10000x1xf32>
    tpu.vector_store %arg10[%swap3A, %swap3A_64], %logistic3A_63 {strides = array<i32>} : memref<10000x1xf32, #tpu.memory_space<vmem>>, vector<10000x1xf32>,
    return
  }
}

</mosaic_0001>

<sc_bundles>
// kernel: kernel.10.cloned.1.call-start
scs
__scs_entry_jumppad:
0x0: {  	(pc) =	sbr.rel $0x88, $3  }
0x1: {  	(tag) =	ssettag $0x0;
	lr =	simm.s32 $0x1  }
0x2: {  	[smem:$0x3F91] =	sst lr;
	_ =	strace $0xD0000000  }
0x3: {  	_ = 	snop  }
0x4: {  	_ = 	snop  }
0x5: {  	_ = 	snop  }
0x6: {  	_ = 	snop  }
0x7: {  	_ = 	snop  }
__scs_overlays_trampoline_lowered:
0x8: {  	[smem:$0x3FA0] =	sst s0  }
0x9: {  	[smem:$0x3FA1] =	sst s1  }
0xa: {  	[smem:$0x3FA2] =	sst s2  }
0xb: {  	[smem:$0x3FA3] =	sst s3  }
0xc: {  	[smem:$0x3FA4] =	sst s4  }
0xd: {  	[smem:$0x3FA5] =	sst s5  }
0xe: {  	[smem:$0x3FA6] =	sst s6  }
0xf: {  	[smem:$0x3FA7] =	sst s7  }
0x10: {  	[smem:$0x3FA8] =	sst s8  }
0x11: {  	[smem:$0x3FA9] =	sst s9;
	s0 =	simm.s32 @!p0 $0x0  }
0x12: {  	s1 =	sld [smem:$0x3F8F];
	s0 =	simm.s32 @p0 $0x1  }
0x13: {  	[smem:$0x3FAA] =	sst s0;
	s0 =	simm.s32 @!p1 $0x0  }
0x14: {  	s2 =	sld [smem:$0x3F8E];
	s0 =	simm.s32 @p1 $0x1  }
0x15: {  	[smem:$0x3FAB] =	sst s0;
	s0 =	simm.s32 @!p2 $0x0  }
0x16: {  	s3 =	sld [smem:$0x3FDB];
	s0 =	simm.s32 @p2 $0x1  }
0x17: {  	s4 =	simm.s32 $0x1BF5;
	[smem:$0x3FAD] =	sst s0  }
0x18: {  	s0 =	sld [smem:$0x3F90];
	_ =	swait.ge [sflag:s4], $0x0  }
0x19: {  	s7 =	sld [smem:$0x3F91]  }
0x1a: {  	s8 =	sadd.s32 $0xFFFFE003, lr  }
0x1b: {  	s9 =	sadd.s32 $0xFFFFFEF7, lr;
	s5 =	simm.s32 $0xFFFFFFFF;
	p2 =	slt.u32 s8, $0xFFFFF086  }
0x1c: {  	p1 =	slt.u32 s9, $0xF7A;
	s5 =	simm.s32 @!p2 $0x0  }
0x1d: {  	s5 =	simm.s32 @p1 $0x1;
	p0 =	seq.s32 s7, s2  }
0x1e: {  	s7 =	smul.u32 @!p0 $0xF7A, s2;
	p2 =	seq.s32 @!p0 s5, $0x0  }
0x1f: {  	s9 =	smul.u32 $0xF7A, s1;
	s8 =	simm.s32 @!p0 $0x1BF5;
	p2 =	por !p2, p0  }
0x20: {  	[sflag:s8] =	ssyncset.s32 @!p0 $0xFFFFF086;
	s6 =	sadd.s32 @!p0 s3, s7;
	s7 =	simm.s32 @!p0 $0x108  }
0x21: {  	s3 =	sadd.s32 s3, s9;
	s6 =	sadd.s32 @!p0 $0x88, s6;
	s7 =	simm.s32 @p2 $0x1082  }
0x22: {  	[simem:s7], [sflag:s8] =	dma.local @!p0 [hbm:s6], $0xF7A  }
0x23: {  	s9 =	sor.u32 $0xD0000000, s2;
	s6 =	simm.s32 $0x108;
	_ =	swait.ge @!p0 [sflag:s8], $0x0  }
0x24: {  	s3 =	sadd.s32 $0x88, s3;
	s6 =	simm.s32 @!p1 $0x1082;
	[sflag:s4] =	ssyncset.s32 $0xFFFFF086  }
0x25: {  	[simem:s6], [sflag:s4] =	dma.local [hbm:s3], $0xF7A  }
0x26: {  	[smem:$0x3F91] =	sst s1;
	(tag) =	ssettag s2;
	_ =	strace s9  }
0x27: {  	s1 =	sld [smem:$0x3FA1]  }
0x28: {  	s2 =	sld [smem:$0x3FA2]  }
0x29: {  	s4 =	sld [smem:$0x3FA4]  }
0x2a: {  	p0 =	seq.s32 s5, $0x0;
	s5 =	sld [smem:$0x3FA5]  }
0x2b: {  	s6 =	sld [smem:$0x3FA6]  }
0x2c: {  	s7 =	sld [smem:$0x3FA7]  }
0x2d: {  	s3 =	simm.s32 $0x108;
	s8 =	sld [smem:$0x3FA8]  }
0x2e: {  	s3 =	simm.s32 @!p0 $0x1082;
	s9 =	sld [smem:$0x3FA9]  }
0x2f: {  	lr =	sadd.s32 s0, s3;
	s0 =	sld [smem:$0x3FA0]  }
0x30: {  	s3 =	sld [smem:$0x3FA3]  }
0x31: {  	[smem:$0x3FAC] =	sst s10  }
0x32: {  	s10 =	sld [smem:$0x3FAA];
	_ =	sdelay $0x3  }
0x33: {  	p0 =	seq.s32 s10, $0x1;
	s10 =	sld [smem:$0x3FAC];
	_ =	sdelay $0x3  }
0x34: {  	[smem:$0x3FAC] =	sst s10  }
0x35: {  	s10 =	sld [smem:$0x3FAB];
	_ =	sdelay $0x3  }
0x36: {  	p1 =	seq.s32 s10, $0x1;
	s10 =	sld [smem:$0x3FAC];
	_ =	sdelay $0x3  }
0x37: {  	[smem:$0x3FAC] =	sst s10  }
0x38: {  	s10 =	sld [smem:$0x3FAD]  }
0x39: {  	_ = 	snop;
	(pc) =	sbr.ind lr, $3  }
0x3a: {  	_ = 	snop  }
0x3b: {  	_ = 	snop  }
0x3c: {  	p2 =	seq.s32 s10, $0x1;
	s10 =	sld [smem:$0x3FAC]  }
0x3d: {  	_ =	shalt  }
0x3e: {  	_ =	shalt  }
0x3f: {  	_ =	shalt  }
0x40: {  	_ =	shalt  }
0x41: {  	_ =	shalt  }
0x42: {  	_ =	shalt  }
0x43: {  	_ =	shalt  }
0x44: {  	_ =	shalt  }
0x45: {  	_ =	shalt  }
0x46: {  	_ =	shalt  }
0x47: {  	_ =	shalt  }
0x48: {  	_ =	shalt  }
0x49: {  	_ =	shalt  }
0x4a: {  	_ =	shalt  }
0x4b: {  	_ =	shalt  }
0x4c: {  	_ =	shalt  }
0x4d: {  	_ =	shalt  }
0x4e: {  	_ =	shalt  }
0x4f: {  	_ =	shalt  }
0x50: {  	_ =	shalt  }
0x51: {  	_ =	shalt  }
0x52: {  	_ =	shalt  }
0x53: {  	_ =	shalt  }
0x54: {  	_ =	shalt  }
0x55: {  	_ =	shalt  }
0x56: {  	_ =	shalt  }
0x57: {  	_ =	shalt  }
0x58: {  	_ =	shalt  }
0x59: {  	_ =	shalt  }
0x5a: {  	_ =	shalt  }
0x5b: {  	_ =	shalt  }
0x5c: {  	_ =	shalt  }
0x5d: {  	_ =	shalt  }
0x5e: {  	_ =	shalt  }
0x5f: {  	_ =	shalt  }
0x60: {  	_ =	shalt  }
0x61: {  	_ =	shalt  }
0x62: {  	_ =	shalt  }
0x63: {  	_ =	shalt  }
0x64: {  	_ =	shalt  }
0x65: {  	_ =	shalt  }
0x66: {  	_ =	shalt  }
0x67: {  	_ =	shalt  }
0x68: {  	_ =	shalt  }
0x69: {  	_ =	shalt  }
0x6a: {  	_ =	shalt  }
0x6b: {  	_ =	shalt  }
0x6c: {  	_ =	shalt  }
0x6d: {  	_ =	shalt  }
0x6e: {  	_ =	shalt  }
0x6f: {  	_ =	shalt  }
0x70: {  	_ =	shalt  }
0x71: {  	_ =	shalt  }
0x72: {  	_ =	shalt  }
0x73: {  	_ =	shalt  }
0x74: {  	_ =	shalt  }
0x75: {  	_ =	shalt  }
0x76: {  	_ =	shalt  }
0x77: {  	_ =	shalt  }
0x78: {  	_ =	shalt  }
0x79: {  	_ =	shalt  }
0x7a: {  	_ =	shalt  }
0x7b: {  	_ =	shalt  }
0x7c: {  	_ =	shalt  }
0x7d: {  	_ =	shalt  }
0x7e: {  	_ =	shalt  }
0x7f: {  	_ =	shalt  }
0x80: {  	_ =	shalt  }
0x81: {  	_ =	shalt  }
0x82: {  	_ =	shalt  }
0x83: {  	_ =	shalt  }
0x84: {  	_ =	shalt  }
0x85: {  	_ =	shalt  }
0x86: {  	_ =	shalt  }
0x87: {  	_ =	shalt  }
.Lfunc_end0:
.L_simem_size_0:
called_computation.1_lowered:
.L_overlay_start_0:
0x88: {  	s2 =	sld [smem:$0x3FD9]  }
0x89: {  	s3 =	sld [smem:$0x3FFE];
	_ =	sdelay $0x1  }
0x8a: {  	s1 =	srdreg.scid  }
0x8b: {  	s0 =	sand.u32 $0x1, s1  }
0x8c: {  	s16 =	sshll.u32 s0, $0xA;
	s2 =	sadd.s32 s3, s2  }
0x8d: {  	s2 =	sadd.s32 s2, s16  }
0x8e: {  	[smem:$0x3FB8] =	sst s2  }
0x8f: {  	_ = 	snop  }
0x90: {  	(tm) =	ssettm $0x1  }
0x91: {  	s17 =	sld [smem:$0x3FFB];
	_ =	sdelay $0x3  }
0x92: {  	_ =	strace s17  }
0x93: {  	s2 =	sld [smem:$0x3FFC];
	_ =	sdelay $0x3  }
0x94: {  	_ =	strace s2  }
0x95: {  	s2 =	sld [smem:$0x3FFD];
	_ =	sdelay $0x3  }
0x96: {  	_ =	strace s2  }
0x97: {  	_ =	strace $0x8FFFFFFF  }
0x98: {  	s18 =	sld [smem:$0x3FDB];
	_ =	sdelay $0x1  }
0x99: {  	s19 =	simm.s32 $_scs_section_size  }
0x9a: {  	s4 =	simm.s32 $_size__tile_overlayer_lowered;
	s5 =	simm.s32 $_tile_overlayer_lowered  }
0x9b: {  	s22 =	simm.s32 $0x1BFF;
	s21 =	sshll.u32 s5, $0x1;
	s2 =	sadd.s32 s19, s18  }
0x9c: {  	s6 =	simm.s32 $0x0;
	s20 =	sshll.u32 s4, $0x1;
	s4 =	sadd.s32 s21, s2  }
0x9d: {  	[timem:s6], [sflag:s22] =	dma.local [hbm:s4], s20  }
0x9e: {  	_ =	swait.ge [sflag:s22], s20  }
0x9f: {  	s3 =	ssub.s32 $0x0, s20;
	[sflag:s22] =	ssyncset.done $0x0  }
0xa0: {  	[sflag:s22] =	ssyncadd.s32 s3;
	_ =	sdelay $0x1  }
0xa1: {  	s23 =	simm.s32 $0x1B8B  }
0xa2: {  	_ =	swait.ge [sflag:s23], $0x1  }
0xa3: {  	[sflag:s23] =	ssyncset.done $0x0  }
0xa4: {  	s25 =	simm.s32 $0x1B8E;
	s24 =	sld [smem:$0x3FFE];
	[sflag:s23] =	ssyncadd.s32 $0xFFFFFFFF  }
0xa5: {  	s26 =	simm.s32 $execute0_lowered;
	[smem:$0x3FD2] =	sst s25  }
0xa6: {  	s4 =	sshll.u32 s26, $0x1;
	_ =	strace $0x80000049;
	[dreg:$0x1] =	wrdreg $0xFFFFFFFF  }
0xa7: {  	s28 =	simm.s32 $_size_execute0_lowered;
	s2 =	sadd.s32 s2, s4;
	[dreg:$0x0] =	wrdreg $0x0  }
0xa8: {  	s4 =	sshll.u32 s28, $0x1;
	[dreg:$0x2] =	wrdreg s2  }
0xa9: {  	[dreg:$0x3] =	wrdreg s4  }
0xaa: {  	[dreg:$0x4] =	wrdreg $0xC0  }
0xab: {  	_ =	task [dreg:s6], $0x5FFFF  }
0xac: {  	[dreg:$0x1] =	wrdreg $0xFFFFFFFF  }
0xad: {  	[dreg:$0x0] =	wrdreg $0x60  }
0xae: {  	[dreg:$0x2] =	wrdreg s24  }
0xaf: {  	[dreg:$0x3] =	wrdreg $0x84000  }
0xb0: {  	[dreg:$0x4] =	wrdreg $0x120400  }
0xb1: {  	[dreg:$0x5] =	wrdreg $0x9  }
0xb2: {  	_ =	task.clear_ibuf [dreg:s6], $0x6FFFF;
	_ =	strace $0x90000049  }
0xb3: {  	s29 =	simm.s32 $0x9;
	_ =	strace $0x8000004B  }
0xb4: {  	_ =	swait.ge [sflag:s29], $0x1  }
0xb5: {  	[sflag:s29] =	ssyncadd.s32 $0xFFFFFFFF  }
0xb6: {  	_ =	strace $0x9000004B  }
0xb7: {  	_ =	sfence  }
0xb8: {  	s30 =	sld [smem:$0x0];
	_ =	sdelay $0x2  }
0xb9: {  	s31 =	sshll.u32 s1, $0xD;
	s1 =	sshrl.u32 s1, $0x2  }
0xba: {  	s3 =	sand.u32 $0x4000, s31;
	s1 =	sadd.s32 s1, s30  }
0xbb: {  	s0 =	sor.u32 s3, s0;
	s1 =	sshll.u32 s1, $0x11  }
0xbc: {  	s0 =	sor.u32 s1, s0  }
0xbd: {  	s0 =	sadd.s32 $0x8F2B, s0  }
0xbe: {  	[sflag:s0] =	ssyncadd.remote.s32 $0x1  }
0xbf: {  	_ =	sfence.sel $0xFFFF  }
0xc0: {  	[dreg:$0x0] =	wrdreg $0xFFFFFFFF;
	(pc) =	sbr.abs _section_cstart, $3  }
0xc1: {  	[dreg:$0x1] =	wrdreg $0xFFFFFFFF  }
0xc2: {  	_ =	task.clear_ibuf [dreg:s6], $0x2FFFF;
	_ =	strace $0x9FFFFFFF  }
0xc3: {  	(tm) =	ssettm $0x7FFFFFFF  }
tec
execute0_lowered:
.L_overlay_start_1:
0x0: {  	(tag) =	ssettag $0x1  }
0x1: {  	s0 =	rddreg [dreg:$0x0]  }
0x2: {  	s2 =	rddreg [dreg:$0x1]  }
0x3: {  	s3 =	rddreg [dreg:$0x2]  }
0x4: {  	s14 =	stileid.u32;
	s5 =	srdreg.scid;
	s4 =	simm.s32 $0x0  }
0x5: {  	s15 =	simm.s32 $0x4;
	s17 =	simm.s32 $0x200;
	s18 =	simm.s32 $0x80  }
0x6: {  	s19 =	simm.s32 $0x400;
	s20 =	simm.s32 $0x2400;
	s21 =	simm.s32 $0x1  }
0x7: {  	s28 =	simm.s32 $0x6400;
	s29 =	simm.s32 $0x380;
	s30 =	simm.s32 $0x2  }
0x8: {  	s31 =	simm.s32 $0x3;
	s1 =	smul.u32 $0x9C40, s14;
	s8 =	sand.u32 $0x1, s5  }
0x9: {  	s9 =	smul.u32 $0x9E00, s14;
	[smem:$0x7FF] =	sst s4;
	s12 =	sadd.s32 $0x1F800, s0  }
0xa: {  	s13 =	sadd.s32 $0x15800, s0;
	s23 =	sadd.s32 $0x29800, s0;
	s25 =	sshll.u32 s14, $0x6  }
0xb: {  	s6 =	smul.u32 $0x9E000, s8;
	_ =	strace $0x8000004A;
	s10 =	ssub.s32 $0x2, s8  }
0xc: {  	[dreg:$0x4] =	wrdreg s23;
	p0 =	seq.s32 s8, $0x0;
	s23 =	simm.s32 $0x100  }
0xd: {  	s22 =	sshrl.u32 s1, $0x3;
	s11 =	sshrl.u32 s10, $0x1;
	s1 =	sadd.s32 s1, s2  }
0xe: {  	s16 =	sadd.s32 s9, s3;
	s7 =	sadd.s32 s22, s0;
	s6 =	sadd.s32 s9, s6  }
0xf: {  	s10 =	ssub.s32 s10, s11;
	s11 =	smul.u32 $0x500, s14;
	s16 =	sshrl.u32 s16, $0x3  }
0x10: {  	s22 =	simm.s32 $0x280;
	s6 =	sshrl.u32 s6, $0x3;
	s24 =	sadd.s32 $0x1E00, s7  }
0x11: {  	s7 =	sor.u32 $0x1C04, s25;
	s9 =	smax.u32 s10, $0x1;
	s25 =	simm.s32 $0x4400  }
0x12: {  	s0 =	sadd.s32 s6, s0;
	[dreg:$0x5] =	wrdreg s24;
	s14 =	sadd.s32 $0x5000, s11  }
0x13: {  	s24 =	simm.s32 $0x300;
	s14 =	smov.u32 @p0 s11;
	s0 =	sadd.s32 $0x2AE00, s0  }
0x14: {  	[dreg:$0x6] =	wrdreg s0;
	s10 =	sadd.s32 s12, s14;
	s26 =	sor.u32 $0x20, s14  }
0x15: {  	s11 =	sadd.s32 s13, s14;
	s14 =	sshrl.u32 s1, $0x3;
	s0 =	simm.s32 $0x0  }
0x16: {  	s12 =	sadd.s32 s12, s26;
	s13 =	sadd.s32 s13, s26;
	s26 =	simm.s32 $0x180  }
.LBB2_1:
0x17: {  	s1 =	rddreg [dreg:$0x5]  }
0x18: {  	[spmem:s14], [sflag:s7] =	dma.local [hbm:s1], $0x1388  }
0x19: {  	_ =	swait.ge [sflag:s15], $0x1388  }
0x1a: {  	[sflag:s15] =	ssyncset.done $0x0  }
0x1b: {  	s6 =	rddreg [dreg:$0x4];
	[sflag:s15] =	ssyncadd.s32 $0xFFFFEC78  }
0x1c: {  	[spmem:s16], [sflag:s7] =	dma.local [hbm:s6], $0x13C0  }
0x1d: {  	_ =	swait.ge [sflag:s15], $0x13C0  }
0x1e: {  	[sflag:s15] =	ssyncset.done $0x0  }
0x1f: {  	[sflag:s15] =	ssyncadd.s32 $0xFFFFEC40  }
0x20: {  	[bflag:$0x0] =	sbarrier.arrive $0xFFFF  }
0x21: {  	[tilespmem:s4], [sflag:$0x4] =	stream.linear.gather [hbm4b:s10+s4], $0x100, $0x38;
	[tilespmem:$0x1BE40] =	vst v63  }
0x22: {  	_ =	swait.ge [sflag:s15], $0x100  }
0x23: {  	[sflag:s15] =	ssyncset.done $0x0  }
0x24: {  	[sflag:s15] =	ssyncadd.s32 $0xFFFFFF00  }
0x25: {  	[tilespmem:s17], [sflag:$0x4] =	stream.linear.gather [hbm4b:s11+s4], $0x100, $0x38;
	[tilespmem:$0x1BE40] =	vst v63  }
0x26: {  	_ =	swait.ge [sflag:s15], $0x100  }
0x27: {  	[sflag:s15] =	ssyncset.done $0x0  }
0x28: {  	[sflag:s15] =	ssyncadd.s32 $0xFFFFFF00  }
0x29: {  	[tilespmem:s19], [sflag:$0x1] =	stream.indirect.gather [spmem:s2], $0x40, s4, s18, $0xb8;
	[tilespmem:$0x1BE40] =	vst v63  }
0x2a: {  	_ = 	snop  }
0x2b: {  	[tilespmem:s20], [sflag:$0x1] =	stream.indirect.gather [spmem:s2], $0x40, s18, s18, $0xb8;
	[tilespmem:$0x1BE40] =	vst v63  }
0x2c: {  	_ =	swait.ge [sflag:s21], $0x2000  }
0x2d: {  	[sflag:s21] =	ssyncset.done $0x0  }
0x2e: {  	[sflag:s21] =	ssyncadd.s32 $0xFFFFE000  }
0x2f: {  	_ =	swait.ge [sflag:s21], $0x2000  }
0x30: {  	[sflag:s21] =	ssyncset.done $0x0  }
0x31: {  	[sflag:s21] =	ssyncadd.s32 $0xFFFFE000  }
0x32: {  	[spmem:s3] =	stream.indirect.scatter.add.f32 [tilespmem:s19], [sflag:$0x2], $0x40, s17, s18, $0xb8;
	[tilespmem:$0x1BE40] =	vst v63  }
0x33: {  	_ = 	snop  }
0x34: {  	[spmem:s3] =	stream.indirect.scatter.add.f32 [tilespmem:s20], [sflag:$0x2], $0x40, s22, s18, $0xb8;
	[tilespmem:$0x1BE40] =	vst v63  }
0x35: {  	_ = 	snop  }
0x36: {  	[tilespmem:s23], [sflag:$0x4] =	stream.linear.gather [hbm4b:s12+s4], $0x100, $0x38;
	[tilespmem:$0x1BE40] =	vst v63  }
0x37: {  	_ =	swait.ge [sflag:s15], $0x100  }
0x38: {  	[sflag:s15] =	ssyncset.done $0x0  }
0x39: {  	[sflag:s15] =	ssyncadd.s32 $0xFFFFFF00  }
0x3a: {  	[tilespmem:s24], [sflag:$0x4] =	stream.linear.gather [hbm4b:s13+s4], $0x100, $0x38;
	[tilespmem:$0x1BE40] =	vst v63  }
0x3b: {  	_ =	swait.ge [sflag:s15], $0x100  }
0x3c: {  	[sflag:s15] =	ssyncset.done $0x0  }
0x3d: {  	[sflag:s15] =	ssyncadd.s32 $0xFFFFFF00  }
0x3e: {  	[tilespmem:s25], [sflag:$0x1] =	stream.indirect.gather [spmem:s2], $0x40, s23, s18, $0xb8;
	[tilespmem:$0x1BE40] =	vst v63  }
0x3f: {  	_ = 	snop  }
0x40: {  	[tilespmem:s28], [sflag:$0x1] =	stream.indirect.gather [spmem:s2], $0x40, s26, s18, $0xb8;
	[tilespmem:$0x1BE40] =	vst v63  }
0x41: {  	_ =	swait.ge [sflag:s21], $0x2000  }
0x42: {  	[sflag:s21] =	ssyncset.done $0x0  }
0x43: {  	[sflag:s21] =	ssyncadd.s32 $0xFFFFE000  }
0x44: {  	_ =	swait.ge [sflag:s21], $0x2000  }
0x45: {  	[sflag:s21] =	ssyncset.done $0x0  }
0x46: {  	[sflag:s21] =	ssyncadd.s32 $0xFFFFE000  }
0x47: {  	[spmem:s3] =	stream.indirect.scatter.add.f32 [tilespmem:s25], [sflag:$0x3], $0x40, s24, s18, $0xb8;
	[tilespmem:$0x1BE40] =	vst v63  }
0x48: {  	_ = 	snop  }
0x49: {  	[spmem:s3] =	stream.indirect.scatter.add.f32 [tilespmem:s28], [sflag:$0x3], $0x40, s29, s18, $0xb8;
	[tilespmem:$0x1BE40] =	vst v63  }
0x4a: {  	_ =	swait.ge [sflag:s30], $0x2000  }
0x4b: {  	[sflag:s30] =	ssyncset.done $0x0  }
0x4c: {  	[sflag:s30] =	ssyncadd.s32 $0xFFFFE000  }
0x4d: {  	_ =	swait.ge [sflag:s30], $0x2000  }
0x4e: {  	s1 =	sadd.s32 $0xFFFFFB40, s10;
	[sflag:s30] =	ssyncset.done $0x0  }
0x4f: {  	s5 =	sadd.s32 $0x500, s1;
	[sflag:s30] =	ssyncadd.s32 $0xFFFFE000  }
0x50: {  	[tilespmem:s4], [sflag:$0x4] =	stream.linear.gather [hbm4b:s5+s4], $0x100, $0x38;
	[tilespmem:$0x1BE40] =	vst v63  }
0x51: {  	_ =	swait.ge [sflag:s15], $0x100  }
0x52: {  	s8 =	sadd.s32 $0xFFFFFB40, s11;
	[sflag:s15] =	ssyncset.done $0x0  }
0x53: {  	s6 =	sadd.s32 $0x500, s8;
	[sflag:s15] =	ssyncadd.s32 $0xFFFFFF00  }
0x54: {  	[tilespmem:s17], [sflag:$0x4] =	stream.linear.gather [hbm4b:s6+s4], $0x100, $0x38;
	[tilespmem:$0x1BE40] =	vst v63  }
0x55: {  	_ =	swait.ge [sflag:s15], $0x100  }
0x56: {  	[sflag:s15] =	ssyncset.done $0x0  }
0x57: {  	[sflag:s15] =	ssyncadd.s32 $0xFFFFFF00  }
0x58: {  	[tilespmem:s19], [sflag:$0x1] =	stream.indirect.gather [spmem:s2], $0x40, s4, s18, $0xb8;
	[tilespmem:$0x1BE40] =	vst v63  }
0x59: {  	_ = 	snop  }
0x5a: {  	[tilespmem:s20], [sflag:$0x1] =	stream.indirect.gather [spmem:s2], $0x40, s18, s18, $0xb8;
	[tilespmem:$0x1BE40] =	vst v63  }
0x5b: {  	_ =	swait.ge [sflag:s21], $0x2000  }
0x5c: {  	[sflag:s21] =	ssyncset.done $0x0  }
0x5d: {  	[sflag:s21] =	ssyncadd.s32 $0xFFFFE000  }
0x5e: {  	_ =	swait.ge [sflag:s21], $0x2000  }
0x5f: {  	[sflag:s21] =	ssyncset.done $0x0  }
0x60: {  	[sflag:s21] =	ssyncadd.s32 $0xFFFFE000  }
0x61: {  	[spmem:s3] =	stream.indirect.scatter.add.f32 [tilespmem:s19], [sflag:$0x2], $0x40, s17, s18, $0xb8;
	[tilespmem:$0x1BE40] =	vst v63  }
0x62: {  	_ = 	snop  }
0x63: {  	[spmem:s3] =	stream.indirect.scatter.add.f32 [tilespmem:s20], [sflag:$0x2], $0x40, s22, s18, $0xb8;
	[tilespmem:$0x1BE40] =	vst v63  }
0x64: {  	_ =	swait.ge [sflag:s31], $0x2000  }
0x65: {  	[sflag:s31] =	ssyncset.done $0x0  }
0x66: {  	[sflag:s31] =	ssyncadd.s32 $0xFFFFE000  }
0x67: {  	_ =	swait.ge [sflag:s31], $0x2000  }
0x68: {  	[sflag:s31] =	ssyncset.done $0x0  }
0x69: {  	s1 =	sadd.s32 $0x520, s1;
	[sflag:s31] =	ssyncadd.s32 $0xFFFFE000  }
0x6a: {  	[tilespmem:s23], [sflag:$0x4] =	stream.linear.gather [hbm4b:s1+s4], $0x100, $0x38;
	[tilespmem:$0x1BE40] =	vst v63  }
0x6b: {  	_ =	swait.ge [sflag:s15], $0x100  }
0x6c: {  	[sflag:s15] =	ssyncset.done $0x0  }
0x6d: {  	s8 =	sadd.s32 $0x520, s8;
	[sflag:s15] =	ssyncadd.s32 $0xFFFFFF00  }
0x6e: {  	[tilespmem:s24], [sflag:$0x4] =	stream.linear.gather [hbm4b:s8+s4], $0x100, $0x38;
	[tilespmem:$0x1BE40] =	vst v63  }
0x6f: {  	_ =	swait.ge [sflag:s15], $0x100  }
0x70: {  	[sflag:s15] =	ssyncset.done $0x0  }
0x71: {  	[sflag:s15] =	ssyncadd.s32 $0xFFFFFF00  }
0x72: {  	[tilespmem:s25], [sflag:$0x1] =	stream.indirect.gather [spmem:s2], $0x40, s23, s18, $0xb8;
	[tilespmem:$0x1BE40] =	vst v63  }
0x73: {  	_ = 	snop  }
0x74: {  	[tilespmem:s28], [sflag:$0x1] =	stream.indirect.gather [spmem:s2], $0x40, s26, s18, $0xb8;
	[tilespmem:$0x1BE40] =	vst v63  }
0x75: {  	_ =	swait.ge [sflag:s21], $0x2000  }
0x76: {  	[sflag:s21] =	ssyncset.done $0x0  }
0x77: {  	[sflag:s21] =	ssyncadd.s32 $0xFFFFE000  }
0x78: {  	_ =	swait.ge [sflag:s21], $0x2000  }
0x79: {  	[sflag:s21] =	ssyncset.done $0x0  }
0x7a: {  	s1 =	simm.s32 $0xFFFFFB80;
	[sflag:s21] =	ssyncadd.s32 $0xFFFFE000  }
0x7b: {  	[spmem:s3] =	stream.indirect.scatter.add.f32 [tilespmem:s25], [sflag:$0x3], $0x40, s24, s18, $0xb8;
	[tilespmem:$0x1BE40] =	vst v63  }
.LBB2_2:
0x7c: {  	[spmem:s3] =	stream.indirect.scatter.add.f32 [tilespmem:s28], [sflag:$0x3], $0x40, s29, s18, $0xb8;
	[tilespmem:$0x1BE40] =	vst v63  }
0x7d: {  	s5 =	smov.u32 s1  }
0x7e: {  	p0 =	sne.s32 s1, $0xFFFFFFC0;
	s1 =	sadd.s32 $0x40, s1;
	_ =	swait.ge [sflag:s30], $0x2000  }
0x7f: {  	[sflag:s30] =	ssyncset.done $0x0  }
0x80: {  	[sflag:s30] =	ssyncadd.s32 $0xFFFFE000  }
0x81: {  	_ =	swait.ge [sflag:s30], $0x2000  }
0x82: {  	s6 =	sadd.s32 s5, s10;
	[sflag:s30] =	ssyncset.done $0x0  }
0x83: {  	s8 =	sadd.s32 $0x500, s6;
	[sflag:s30] =	ssyncadd.s32 $0xFFFFE000  }
0x84: {  	[tilespmem:s4], [sflag:$0x4] =	stream.linear.gather [hbm4b:s8+s4], $0x100, $0x38;
	[tilespmem:$0x1BE40] =	vst v63  }
0x85: {  	_ =	swait.ge [sflag:s15], $0x100  }
0x86: {  	s5 =	sadd.s32 s5, s11;
	[sflag:s15] =	ssyncset.done $0x0  }
0x87: {  	s8 =	sadd.s32 $0x500, s5;
	[sflag:s15] =	ssyncadd.s32 $0xFFFFFF00  }
0x88: {  	[tilespmem:s17], [sflag:$0x4] =	stream.linear.gather [hbm4b:s8+s4], $0x100, $0x38;
	[tilespmem:$0x1BE40] =	vst v63  }
0x89: {  	_ =	swait.ge [sflag:s15], $0x100  }
0x8a: {  	[sflag:s15] =	ssyncset.done $0x0  }
0x8b: {  	[sflag:s15] =	ssyncadd.s32 $0xFFFFFF00  }
0x8c: {  	[tilespmem:s19], [sflag:$0x1] =	stream.indirect.gather [spmem:s2], $0x40, s4, s18, $0xb8;
	[tilespmem:$0x1BE40] =	vst v63  }
0x8d: {  	_ = 	snop  }
0x8e: {  	[tilespmem:s20], [sflag:$0x1] =	stream.indirect.gather [spmem:s2], $0x40, s18, s18, $0xb8;
	[tilespmem:$0x1BE40] =	vst v63  }
0x8f: {  	_ =	swait.ge [sflag:s21], $0x2000  }
0x90: {  	[sflag:s21] =	ssyncset.done $0x0  }
0x91: {  	[sflag:s21] =	ssyncadd.s32 $0xFFFFE000  }
0x92: {  	_ =	swait.ge [sflag:s21], $0x2000  }
0x93: {  	[sflag:s21] =	ssyncset.done $0x0  }
0x94: {  	[sflag:s21] =	ssyncadd.s32 $0xFFFFE000  }
0x95: {  	[spmem:s3] =	stream.indirect.scatter.add.f32 [tilespmem:s19], [sflag:$0x2], $0x40, s17, s18, $0xb8;
	[tilespmem:$0x1BE40] =	vst v63  }
0x96: {  	_ = 	snop  }
0x97: {  	[spmem:s3] =	stream.indirect.scatter.add.f32 [tilespmem:s20], [sflag:$0x2], $0x40, s22, s18, $0xb8;
	[tilespmem:$0x1BE40] =	vst v63  }
0x98: {  	_ =	swait.ge [sflag:s31], $0x2000  }
0x99: {  	[sflag:s31] =	ssyncset.done $0x0  }
0x9a: {  	[sflag:s31] =	ssyncadd.s32 $0xFFFFE000  }
0x9b: {  	_ =	swait.ge [sflag:s31], $0x2000  }
0x9c: {  	[sflag:s31] =	ssyncset.done $0x0  }
0x9d: {  	s6 =	sadd.s32 $0x520, s6;
	[sflag:s31] =	ssyncadd.s32 $0xFFFFE000  }
0x9e: {  	[tilespmem:s23], [sflag:$0x4] =	stream.linear.gather [hbm4b:s6+s4], $0x100, $0x38;
	[tilespmem:$0x1BE40] =	vst v63  }
0x9f: {  	_ =	swait.ge [sflag:s15], $0x100  }
0xa0: {  	[sflag:s15] =	ssyncset.done $0x0  }
0xa1: {  	s5 =	sadd.s32 $0x520, s5;
	[sflag:s15] =	ssyncadd.s32 $0xFFFFFF00  }
0xa2: {  	[tilespmem:s24], [sflag:$0x4] =	stream.linear.gather [hbm4b:s5+s4], $0x100, $0x38;
	[tilespmem:$0x1BE40] =	vst v63  }
0xa3: {  	_ =	swait.ge [sflag:s15], $0x100  }
0xa4: {  	[sflag:s15] =	ssyncset.done $0x0  }
0xa5: {  	[sflag:s15] =	ssyncadd.s32 $0xFFFFFF00  }
0xa6: {  	[tilespmem:s25], [sflag:$0x1] =	stream.indirect.gather [spmem:s2], $0x40, s23, s18, $0xb8;
	[tilespmem:$0x1BE40] =	vst v63  }
0xa7: {  	_ = 	snop  }
0xa8: {  	[tilespmem:s28], [sflag:$0x1] =	stream.indirect.gather [spmem:s2], $0x40, s26, s18, $0xb8;
	[tilespmem:$0x1BE40] =	vst v63  }
0xa9: {  	_ =	swait.ge [sflag:s21], $0x2000  }
0xaa: {  	[sflag:s21] =	ssyncset.done $0x0  }
.Ltmp0:
0xab: {  	[sflag:s21] =	ssyncadd.s32 $0xFFFFE000;
	(pc) =	sbr.rel @p0 .LBB2_2-.Ltmp0, $4  }
0xac: {  	_ =	swait.ge [sflag:s21], $0x2000  }
0xad: {  	[sflag:s21] =	ssyncset.done $0x0  }
0xae: {  	[sflag:s21] =	ssyncadd.s32 $0xFFFFE000  }
0xaf: {  	[spmem:s3] =	stream.indirect.scatter.add.f32 [tilespmem:s25], [sflag:$0x3], $0x40, s24, s18, $0xb8;
	[tilespmem:$0x1BE40] =	vst v63  }
0xb0: {  	[spmem:s3] =	stream.indirect.scatter.add.f32 [tilespmem:s28], [sflag:$0x3], $0x40, s29, s18, $0xb8;
	[tilespmem:$0x1BE40] =	vst v63  }
0xb1: {  	_ =	swait.ge [sflag:s30], $0x2000  }
0xb2: {  	[sflag:s30] =	ssyncset.done $0x0  }
0xb3: {  	[sflag:s30] =	ssyncadd.s32 $0xFFFFE000  }
0xb4: {  	_ =	swait.ge [sflag:s30], $0x2000  }
0xb5: {  	[sflag:s30] =	ssyncset.done $0x0  }
0xb6: {  	[sflag:s30] =	ssyncadd.s32 $0xFFFFE000  }
0xb7: {  	_ =	swait.ge [sflag:s31], $0x2000  }
0xb8: {  	[sflag:s31] =	ssyncset.done $0x0  }
0xb9: {  	[sflag:s31] =	ssyncadd.s32 $0xFFFFE000  }
0xba: {  	_ =	swait.ge [sflag:s31], $0x2000  }
0xbb: {  	[sflag:s31] =	ssyncset.done $0x0  }
0xbc: {  	s0 =	sadd.s32 $0x1, s0;
	[sflag:s31] =	ssyncadd.s32 $0xFFFFE000  }
0xbd: {  	p0 =	sne.s32 s0, s9;
	[bflag:$0x0] =	sbarrier.arrive $0xFFFF  }
.Ltmp1:
0xbe: {  	s1 =	rddreg [dreg:$0x6];
	(pc) =	sbr.rel @p0 .LBB2_1-.Ltmp1, $4  }
0xbf: {  	[hbm:s1], [sflag:s7] =	dma.local [spmem:s16], $0x13C0  }
0xc0: {  	_ =	swait.ge [sflag:s15], $0x13C0  }
0xc1: {  	[sflag:s15] =	ssyncset.done $0x0  }
0xc2: {  	[sflag:s15] =	ssyncadd.s32 $0xFFFFEC40  }
0xc3: {  	_ =	sfence.sel $0x180000  }
0xc4: {  	[bflag:$0x0] =	sbarrier.arrive $0xFFFF  }
0xc5: {  	_ =	strace $0x9000004A  }
0xc6: {  	s0 =	stileid.u32;
	[bflag:$0x2] =	sbarrier.arrive $0xFFFF  }
0xc7: {  	p0 =	sne.s32 s0, $0x0;
	s0 =	rddreg [dreg:$0x3]  }
0xc8: {  	s0 =	sadd.s32 @!p0 $0x100000, s0  }
0xc9: {  	[sflag:s0] =	ssyncadd.tile.s32 @!p0 $0x1;
	_ =	shalt  }
.Lfunc_end2:
_tile_overlayer_lowered:
.L_overlay_start_2:
0xca: {  	(tag) =	ssettag $0x2  }
0xcb: {  	s0 =	rddreg [dreg:$0x0];
	s2 =	stileid.u32  }
0xcc: {  	s1 =	rddreg [dreg:$0x1];
	p0 =	sne.s32 s2, $0x0  }
0xcd: {  	s3 =	rddreg [dreg:$0x2];
	[bflag:$0x3] =	sbarrier.arrive $0xFFFF;
	s2 =	simm.s32 @!p0 $0x1C04  }
0xce: {  	[timem:s3], [sflag:s2] =	dma.local @!p0 [hbm:s0], s1  }
0xcf: {  	s0 =	simm.s32 @!p0 $0x4  }
0xd0: {  	_ =	swait.ge @!p0 [sflag:s0], s1  }
0xd1: {  	s1 =	ssub.s32 @!p0 $0x0, s1;
	[sflag:s0] =	ssyncset.done @!p0 $0x0  }
0xd2: {  	[sflag:s0] =	ssyncadd.s32 @!p0 s1  }
0xd3: {  	[bflag:$0x3] =	sbarrier.arrive $0xFFFF  }
0xd4: {  	_ =	shalt  }

// kernel: kernel.7.cloned.1.call-start
scs
__scs_entry_jumppad:
0x0: {  	(pc) =	sbr.rel $0x88, $3  }
0x1: {  	(tag) =	ssettag $0x0;
	lr =	simm.s32 $0x1  }
0x2: {  	[smem:$0x3F91] =	sst lr;
	_ =	strace $0xD0000000  }
0x3: {  	_ = 	snop  }
0x4: {  	_ = 	snop  }
0x5: {  	_ = 	snop  }
0x6: {  	_ = 	snop  }
0x7: {  	_ = 	snop  }
__scs_overlays_trampoline_lowered:
0x8: {  	[smem:$0x3FA0] =	sst s0  }
0x9: {  	[smem:$0x3FA1] =	sst s1  }
0xa: {  	[smem:$0x3FA2] =	sst s2  }
0xb: {  	[smem:$0x3FA3] =	sst s3  }
0xc: {  	[smem:$0x3FA4] =	sst s4  }
0xd: {  	[smem:$0x3FA5] =	sst s5  }
0xe: {  	[smem:$0x3FA6] =	sst s6  }
0xf: {  	[smem:$0x3FA7] =	sst s7  }
0x10: {  	[smem:$0x3FA8] =	sst s8  }
0x11: {  	[smem:$0x3FA9] =	sst s9;
	s0 =	simm.s32 @!p0 $0x0  }
0x12: {  	s1 =	sld [smem:$0x3F8F];
	s0 =	simm.s32 @p0 $0x1  }
0x13: {  	[smem:$0x3FAA] =	sst s0;
	s0 =	simm.s32 @!p1 $0x0  }
0x14: {  	s2 =	sld [smem:$0x3F8E];
	s0 =	simm.s32 @p1 $0x1  }
0x15: {  	[smem:$0x3FAB] =	sst s0;
	s0 =	simm.s32 @!p2 $0x0  }
0x16: {  	s3 =	sld [smem:$0x3FDB];
	s0 =	simm.s32 @p2 $0x1  }
0x17: {  	s4 =	simm.s32 $0x1BF5;
	[smem:$0x3FAD] =	sst s0  }
0x18: {  	s0 =	sld [smem:$0x3F90];
	_ =	swait.ge [sflag:s4], $0x0  }
0x19: {  	s7 =	sld [smem:$0x3F91]  }
0x1a: {  	s8 =	sadd.s32 $0xFFFFE003, lr  }
0x1b: {  	s9 =	sadd.s32 $0xFFFFFEF7, lr;
	s5 =	simm.s32 $0xFFFFFFFF;
	p2 =	slt.u32 s8, $0xFFFFF086  }
0x1c: {  	p1 =	slt.u32 s9, $0xF7A;
	s5 =	simm.s32 @!p2 $0x0  }
0x1d: {  	s5 =	simm.s32 @p1 $0x1;
	p0 =	seq.s32 s7, s2  }
0x1e: {  	s7 =	smul.u32 @!p0 $0xF7A, s2;
	p2 =	seq.s32 @!p0 s5, $0x0  }
0x1f: {  	s9 =	smul.u32 $0xF7A, s1;
	s8 =	simm.s32 @!p0 $0x1BF5;
	p2 =	por !p2, p0  }
0x20: {  	[sflag:s8] =	ssyncset.s32 @!p0 $0xFFFFF086;
	s6 =	sadd.s32 @!p0 s3, s7;
	s7 =	simm.s32 @!p0 $0x108  }
0x21: {  	s3 =	sadd.s32 s3, s9;
	s6 =	sadd.s32 @!p0 $0x88, s6;
	s7 =	simm.s32 @p2 $0x1082  }
0x22: {  	[simem:s7], [sflag:s8] =	dma.local @!p0 [hbm:s6], $0xF7A  }
0x23: {  	s9 =	sor.u32 $0xD0000000, s2;
	s6 =	simm.s32 $0x108;
	_ =	swait.ge @!p0 [sflag:s8], $0x0  }
0x24: {  	s3 =	sadd.s32 $0x88, s3;
	s6 =	simm.s32 @!p1 $0x1082;
	[sflag:s4] =	ssyncset.s32 $0xFFFFF086  }
0x25: {  	[simem:s6], [sflag:s4] =	dma.local [hbm:s3], $0xF7A  }
0x26: {  	[smem:$0x3F91] =	sst s1;
	(tag) =	ssettag s2;
	_ =	strace s9  }
0x27: {  	s1 =	sld [smem:$0x3FA1]  }
0x28: {  	s2 =	sld [smem:$0x3FA2]  }
0x29: {  	s4 =	sld [smem:$0x3FA4]  }
0x2a: {  	p0 =	seq.s32 s5, $0x0;
	s5 =	sld [smem:$0x3FA5]  }
0x2b: {  	s6 =	sld [smem:$0x3FA6]  }
0x2c: {  	s7 =	sld [smem:$0x3FA7]  }
0x2d: {  	s3 =	simm.s32 $0x108;
	s8 =	sld [smem:$0x3FA8]  }
0x2e: {  	s3 =	simm.s32 @!p0 $0x1082;
	s9 =	sld [smem:$0x3FA9]  }
0x2f: {  	lr =	sadd.s32 s0, s3;
	s0 =	sld [smem:$0x3FA0]  }
0x30: {  	s3 =	sld [smem:$0x3FA3]  }
0x31: {  	[smem:$0x3FAC] =	sst s10  }
0x32: {  	s10 =	sld [smem:$0x3FAA];
	_ =	sdelay $0x3  }
0x33: {  	p0 =	seq.s32 s10, $0x1;
	s10 =	sld [smem:$0x3FAC];
	_ =	sdelay $0x3  }
0x34: {  	[smem:$0x3FAC] =	sst s10  }
0x35: {  	s10 =	sld [smem:$0x3FAB];
	_ =	sdelay $0x3  }
0x36: {  	p1 =	seq.s32 s10, $0x1;
	s10 =	sld [smem:$0x3FAC];
	_ =	sdelay $0x3  }
0x37: {  	[smem:$0x3FAC] =	sst s10  }
0x38: {  	s10 =	sld [smem:$0x3FAD]  }
0x39: {  	_ = 	snop;
	(pc) =	sbr.ind lr, $3  }
0x3a: {  	_ = 	snop  }
0x3b: {  	_ = 	snop  }
0x3c: {  	p2 =	seq.s32 s10, $0x1;
	s10 =	sld [smem:$0x3FAC]  }
0x3d: {  	_ =	shalt  }
0x3e: {  	_ =	shalt  }
0x3f: {  	_ =	shalt  }
0x40: {  	_ =	shalt  }
0x41: {  	_ =	shalt  }
0x42: {  	_ =	shalt  }
0x43: {  	_ =	shalt  }
0x44: {  	_ =	shalt  }
0x45: {  	_ =	shalt  }
0x46: {  	_ =	shalt  }
0x47: {  	_ =	shalt  }
0x48: {  	_ =	shalt  }
0x49: {  	_ =	shalt  }
0x4a: {  	_ =	shalt  }
0x4b: {  	_ =	shalt  }
0x4c: {  	_ =	shalt  }
0x4d: {  	_ =	shalt  }
0x4e: {  	_ =	shalt  }
0x4f: {  	_ =	shalt  }
0x50: {  	_ =	shalt  }
0x51: {  	_ =	shalt  }
0x52: {  	_ =	shalt  }
0x53: {  	_ =	shalt  }
0x54: {  	_ =	shalt  }
0x55: {  	_ =	shalt  }
0x56: {  	_ =	shalt  }
0x57: {  	_ =	shalt  }
0x58: {  	_ =	shalt  }
0x59: {  	_ =	shalt  }
0x5a: {  	_ =	shalt  }
0x5b: {  	_ =	shalt  }
0x5c: {  	_ =	shalt  }
0x5d: {  	_ =	shalt  }
0x5e: {  	_ =	shalt  }
0x5f: {  	_ =	shalt  }
0x60: {  	_ =	shalt  }
0x61: {  	_ =	shalt  }
0x62: {  	_ =	shalt  }
0x63: {  	_ =	shalt  }
0x64: {  	_ =	shalt  }
0x65: {  	_ =	shalt  }
0x66: {  	_ =	shalt  }
0x67: {  	_ =	shalt  }
0x68: {  	_ =	shalt  }
0x69: {  	_ =	shalt  }
0x6a: {  	_ =	shalt  }
0x6b: {  	_ =	shalt  }
0x6c: {  	_ =	shalt  }
0x6d: {  	_ =	shalt  }
0x6e: {  	_ =	shalt  }
0x6f: {  	_ =	shalt  }
0x70: {  	_ =	shalt  }
0x71: {  	_ =	shalt  }
0x72: {  	_ =	shalt  }
0x73: {  	_ =	shalt  }
0x74: {  	_ =	shalt  }
0x75: {  	_ =	shalt  }
0x76: {  	_ =	shalt  }
0x77: {  	_ =	shalt  }
0x78: {  	_ =	shalt  }
0x79: {  	_ =	shalt  }
0x7a: {  	_ =	shalt  }
0x7b: {  	_ =	shalt  }
0x7c: {  	_ =	shalt  }
0x7d: {  	_ =	shalt  }
0x7e: {  	_ =	shalt  }
0x7f: {  	_ =	shalt  }
0x80: {  	_ =	shalt  }
0x81: {  	_ =	shalt  }
0x82: {  	_ =	shalt  }
0x83: {  	_ =	shalt  }
0x84: {  	_ =	shalt  }
0x85: {  	_ =	shalt  }
0x86: {  	_ =	shalt  }
0x87: {  	_ =	shalt  }
.Lfunc_end0:
.L_simem_size_0:
called_computation_lowered:
.L_overlay_start_0:
0x88: {  	s2 =	sld [smem:$0x3FD9]  }
0x89: {  	s3 =	sld [smem:$0x3FFE];
	_ =	sdelay $0x1  }
0x8a: {  	s1 =	srdreg.scid  }
0x8b: {  	s0 =	sand.u32 $0x1, s1  }
0x8c: {  	s17 =	sshll.u32 s0, $0xA;
	s2 =	sadd.s32 s3, s2  }
0x8d: {  	s2 =	sadd.s32 s2, s17  }
0x8e: {  	[smem:$0x3FB8] =	sst s2  }
0x8f: {  	_ = 	snop  }
0x90: {  	s2 =	sld [smem:$0x3FD0];
	(tm) =	ssettm $0x1  }
0x91: {  	s18 =	sld [smem:$0x3FFB];
	_ =	sdelay $0x3  }
0x92: {  	_ =	strace s18  }
0x93: {  	s3 =	sld [smem:$0x3FFC];
	_ =	sdelay $0x3  }
0x94: {  	_ =	strace s3  }
0x95: {  	s3 =	sld [smem:$0x3FFD];
	_ =	sdelay $0x3  }
0x96: {  	_ =	strace s3  }
0x97: {  	_ =	strace $0x8FFFFFFF  }
0x98: {  	s19 =	sld [smem:$0x3FDB];
	_ =	sdelay $0x1  }
0x99: {  	s4 =	simm.s32 $_scs_section_size  }
0x9a: {  	s5 =	simm.s32 $_size__tile_overlayer_lowered;
	s6 =	simm.s32 $_tile_overlayer_lowered  }
0x9b: {  	s22 =	simm.s32 $0x1BFF;
	s21 =	sshll.u32 s6, $0x1;
	s3 =	sadd.s32 s4, s19  }
0x9c: {  	s7 =	simm.s32 $0x0;
	s20 =	sshll.u32 s5, $0x1;
	s5 =	sadd.s32 s21, s3  }
0x9d: {  	[timem:s7], [sflag:s22] =	dma.local [hbm:s5], s20  }
0x9e: {  	_ =	swait.ge [sflag:s22], s20  }
0x9f: {  	s4 =	ssub.s32 $0x0, s20;
	[sflag:s22] =	ssyncset.done $0x0  }
0xa0: {  	[sflag:s22] =	ssyncadd.s32 s4;
	_ =	sdelay $0x1  }
0xa1: {  	s23 =	simm.s32 $0x1B8B  }
0xa2: {  	_ =	swait.ge [sflag:s23], $0x1  }
0xa3: {  	[sflag:s23] =	ssyncset.done $0x0  }
0xa4: {  	s25 =	simm.s32 $0x1B8E;
	s24 =	sld [smem:$0x3FFE];
	[sflag:s23] =	ssyncadd.s32 $0xFFFFFFFF  }
0xa5: {  	s26 =	simm.s32 $execute0_lowered;
	[smem:$0x3FD2] =	sst s25  }
0xa6: {  	s5 =	sshll.u32 s26, $0x1;
	_ =	strace $0x80000046;
	[dreg:$0x1] =	wrdreg $0xFFFFFFFF  }
0xa7: {  	s28 =	simm.s32 $_size_execute0_lowered;
	s3 =	sadd.s32 s3, s5;
	[dreg:$0x0] =	wrdreg $0x0  }
0xa8: {  	s5 =	sshll.u32 s28, $0x1;
	[dreg:$0x2] =	wrdreg s3  }
0xa9: {  	[dreg:$0x3] =	wrdreg s5  }
0xaa: {  	[dreg:$0x4] =	wrdreg $0xC0  }
0xab: {  	_ =	task [dreg:s7], $0x5FFFF  }
0xac: {  	[dreg:$0x1] =	wrdreg $0xFFFFFFFF  }
0xad: {  	[dreg:$0x0] =	wrdreg $0x60  }
0xae: {  	[dreg:$0x2] =	wrdreg s24  }
0xaf: {  	[dreg:$0x3] =	wrdreg s2  }
0xb0: {  	[dreg:$0x4] =	wrdreg $0x84000  }
0xb1: {  	[dreg:$0x5] =	wrdreg $0x120400  }
0xb2: {  	[dreg:$0x6] =	wrdreg $0x1C6400  }
0xb3: {  	[dreg:$0x7] =	wrdreg $0x9  }
0xb4: {  	_ =	task.clear_ibuf [dreg:s7], $0x8FFFF;
	_ =	strace $0x90000046  }
0xb5: {  	s29 =	simm.s32 $0x9;
	_ =	strace $0x80000048  }
0xb6: {  	_ =	swait.ge [sflag:s29], $0x1  }
0xb7: {  	[sflag:s29] =	ssyncadd.s32 $0xFFFFFFFF  }
0xb8: {  	_ =	strace $0x90000048  }
0xb9: {  	_ =	sfence  }
0xba: {  	s30 =	sld [smem:$0x0];
	_ =	sdelay $0x2  }
0xbb: {  	s31 =	sshll.u32 s1, $0xD;
	s1 =	sshrl.u32 s1, $0x2  }
0xbc: {  	s3 =	sand.u32 $0x4000, s31;
	s1 =	sadd.s32 s1, s30  }
0xbd: {  	s0 =	sor.u32 s3, s0;
	s1 =	sshll.u32 s1, $0x11  }
0xbe: {  	s0 =	sor.u32 s1, s0  }
0xbf: {  	s0 =	sadd.s32 $0x8F2B, s0  }
0xc0: {  	[sflag:s0] =	ssyncadd.remote.s32 $0x1  }
0xc1: {  	_ =	sfence.sel $0xFFFF  }
0xc2: {  	[dreg:$0x0] =	wrdreg $0xFFFFFFFF;
	(pc) =	sbr.abs _section_cstart, $3  }
0xc3: {  	[dreg:$0x1] =	wrdreg $0xFFFFFFFF  }
0xc4: {  	_ =	task.clear_ibuf [dreg:s7], $0x2FFFF;
	_ =	strace $0x9FFFFFFF  }
0xc5: {  	(tm) =	ssettm $0x7FFFFFFF  }
tec
execute0_lowered:
.L_overlay_start_1:
0x0: {  	(tag) =	ssettag $0x1  }
0x1: {  	s0 =	rddreg [dreg:$0x0]  }
0x2: {  	s3 =	rddreg [dreg:$0x2]  }
0x3: {  	s4 =	rddreg [dreg:$0x3]  }
0x4: {  	s5 =	rddreg [dreg:$0x4];
	s14 =	stileid.u32  }
0x5: {  	s6 =	simm.s32 $0x0;
	s2 =	srdreg.scid;
	s1 =	smul.u32 $0x9C40, s14  }
0x6: {  	s28 =	simm.s32 $0x100;
	s29 =	simm.s32 $0x300;
	s7 =	smul.u32 $0x500, s14  }
0x7: {  	s30 =	simm.s32 $0x4400;
	s31 =	simm.s32 $0x180;
	s8 =	smul.u32 $0x9E00, s14  }
0x8: {  	[smem:$0x7FF] =	sst s6;
	s2 =	sand.u32 $0x1, s2;
	s11 =	smul.u32 $0x2780, s14  }
0x9: {  	s18 =	sadd.s32 $0x29800, s0;
	s19 =	sadd.s32 $0x2AC00, s0;
	s21 =	sshll.u32 s14, $0x6  }
0xa: {  	_ =	strace $0x80000047;
	s9 =	smul.u32 $0x9E000, s2;
	[dreg:$0x6] =	wrdreg s18  }
0xb: {  	p0 =	seq.s32 s2, $0x0;
	s17 =	smul.u32 $0x27800, s2;
	[dreg:$0x7] =	wrdreg s19  }
0xc: {  	s2 =	ssub.s32 $0x2, s2;
	s10 =	sadd.s32 $0x5000, s7;
	s12 =	sshrl.u32 s1, $0x3  }
0xd: {  	s20 =	sshrl.u32 s2, $0x1;
	s1 =	sadd.s32 s1, s3;
	s23 =	sadd.s32 s8, s4  }
0xe: {  	s24 =	sadd.s32 s11, s5;
	s10 =	smov.u32 @p0 s7;
	s12 =	sadd.s32 s12, s0  }
0xf: {  	s9 =	sadd.s32 s8, s9;
	s7 =	sadd.s32 s11, s17;
	s2 =	ssub.s32 s2, s20  }
0x10: {  	s26 =	sshrl.u32 s1, $0x3;
	s17 =	simm.s32 $0x5;
	s16 =	sshrl.u32 s24, $0x3  }
0x11: {  	s20 =	simm.s32 $0x1BE40;
	s24 =	simm.s32 $0x2400;
	s1 =	simm.s32 $0x380  }
0x12: {  	s8 =	simm.s32 $0x3;
	s13 =	sadd.s32 s10, s0;
	s9 =	sshrl.u32 s9, $0x3  }
0x13: {  	s7 =	sshrl.u32 s7, $0x3;
	s22 =	sadd.s32 $0x1E00, s12;
	s10 =	sor.u32 $0x1C05, s21  }
0x14: {  	s25 =	smax.u32 s2, $0x1;
	[dreg:$0xc] =	wrdreg s26;
	s21 =	simm.s32 $0x200  }
0x15: {  	s26 =	simm.s32 $0x280;
	s2 =	simm.s32 $0x2;
	[dreg:$0xe] =	wrdreg s16  }
0x16: {  	s9 =	sadd.s32 s9, s0;
	s0 =	sadd.s32 s7, s0;
	[dreg:$0x8] =	wrdreg s22  }
0x17: {  	[dreg:$0xb] =	wrdreg s25;
	s14 =	sadd.s32 $0x15800, s13;
	s15 =	sadd.s32 $0x1F800, s13  }
0x18: {  	s13 =	sshrl.u32 s23, $0x3;
	s22 =	simm.s32 $0x80;
	s23 =	simm.s32 $0x400  }
0x19: {  	s25 =	simm.s32 $0x1;
	s9 =	sadd.s32 $0x34C00, s9;
	[dreg:$0xd] =	wrdreg s13  }
0x1a: {  	s7 =	simm.s32 $0x4;
	s0 =	sadd.s32 $0x2AE00, s0;
	[dreg:$0x9] =	wrdreg s9  }
0x1b: {  	[dreg:$0xa] =	wrdreg s0;
	s0 =	simm.s32 $0x6400;
	s9 =	simm.s32 $0x0  }
.LBB2_1:
0x1c: {  	s11 =	rddreg [dreg:$0x8]  }
0x1d: {  	s12 =	rddreg [dreg:$0xc]  }
0x1e: {  	[spmem:s12], [sflag:s10] =	dma.local [hbm:s11], $0x1388  }
0x1f: {  	_ =	swait.ge [sflag:s17], $0x1388  }
0x20: {  	[sflag:s17] =	ssyncset.done $0x0  }
0x21: {  	s18 =	rddreg [dreg:$0x6];
	[sflag:s17] =	ssyncadd.s32 $0xFFFFEC78  }
0x22: {  	[spmem:s13], [sflag:s10] =	dma.local [hbm:s18], $0x13C0  }
0x23: {  	_ =	swait.ge [sflag:s17], $0x13C0  }
0x24: {  	[sflag:s17] =	ssyncset.done $0x0  }
0x25: {  	[sflag:s17] =	ssyncadd.s32 $0xFFFFEC40  }
0x26: {  	s19 =	rddreg [dreg:$0x1]  }
0x27: {  	[spmem:s16], [sflag:s10] =	dma.local [hbm:s19], $0x4F0  }
0x28: {  	_ =	swait.ge [sflag:s17], $0x4F0  }
0x29: {  	[sflag:s17] =	ssyncset.done $0x0  }
0x2a: {  	s12 =	rddreg [dreg:$0x7];
	[sflag:s17] =	ssyncadd.s32 $0xFFFFFB10  }
0x2b: {  	[tilespmem:s20], [sflag:$0x5] =	stream.linear.gather [hbm4b:s12+s6], $0x800, $0x38;
	[tilespmem:$0x1EDC0] =	vst v63  }
0x2c: {  	_ =	swait.ge [sflag:s17], $0x800  }
0x2d: {  	p0 =	por $0x1, $0x1;
	[sflag:s17] =	ssyncset.done $0x0  }
0x2e: {  	p0 =	por p0, p0;
	[sflag:s17] =	ssyncadd.s32 $0xFFFFF800  }
0x2f: {  	s11 =	simm.s32 @!p0 $0x2;
	[bflag:$0x0] =	sbarrier.arrive $0xFFFF  }
0x30: {  	_ =	swait.ge @!p0 [sflag:s11], $0x2000  }
0x31: {  	[sflag:s11] =	ssyncset.done @!p0 $0x0  }
0x32: {  	s12 =	simm.s32 @!p0 $0x4;
	[sflag:s11] =	ssyncadd.s32 @!p0 $0xFFFFE000  }
0x33: {  	_ =	swait.ge @!p0 [sflag:s12], $0x800  }
0x34: {  	[sflag:s12] =	ssyncset.done @!p0 $0x0  }
0x35: {  	[sflag:s12] =	ssyncadd.s32 @!p0 $0xFFFFF800  }
0x36: {  	_ =	swait.ge @!p0 [sflag:s11], $0x2000  }
0x37: {  	[sflag:s11] =	ssyncset.done @!p0 $0x0  }
0x38: {  	[sflag:s11] =	ssyncadd.s32 @!p0 $0xFFFFE000  }
0x39: {  	_ =	swait.ge @!p0 [sflag:s12], $0x800  }
0x3a: {  	[sflag:s12] =	ssyncset.done @!p0 $0x0  }
0x3b: {  	s13 =	sadd.s32 $0x0, s15;
	[sflag:s12] =	ssyncadd.s32 @!p0 $0xFFFFF800  }
0x3c: {  	[tilespmem:s6], [sflag:$0x5] =	stream.linear.gather [hbm4b:s13+s6], $0x100, $0x38;
	[tilespmem:$0x1EDC0] =	vst v63  }
0x3d: {  	_ =	swait.ge [sflag:s17], $0x100  }
0x3e: {  	[sflag:s17] =	ssyncset.done $0x0  }
0x3f: {  	s18 =	sadd.s32 $0x0, s14;
	[sflag:s17] =	ssyncadd.s32 $0xFFFFFF00  }
0x40: {  	[tilespmem:s21], [sflag:$0x5] =	stream.linear.gather [hbm4b:s18+s6], $0x100, $0x38;
	[tilespmem:$0x1EDC0] =	vst v63  }
0x41: {  	_ =	swait.ge [sflag:s17], $0x100  }
0x42: {  	[sflag:s17] =	ssyncset.done $0x0  }
0x43: {  	[sflag:s17] =	ssyncadd.s32 $0xFFFFFF00  }
0x44: {  	[tilespmem:s23], [sflag:$0x1] =	stream.indirect.gather [spmem:s3], $0x40, s6, s22, $0xb8;
	[tilespmem:$0x1EDC0] =	vst v63  }
0x45: {  	_ = 	snop  }
0x46: {  	[tilespmem:s24], [sflag:$0x1] =	stream.indirect.gather [spmem:s3], $0x40, s22, s22, $0xb8;
	[tilespmem:$0x1EDC0] =	vst v63  }
0x47: {  	_ =	swait.ge [sflag:s25], $0x2000  }
0x48: {  	[sflag:s25] =	ssyncset.done $0x0  }
0x49: {  	[sflag:s25] =	ssyncadd.s32 $0xFFFFE000  }
0x4a: {  	_ =	swait.ge [sflag:s25], $0x2000  }
0x4b: {  	[sflag:s25] =	ssyncset.done $0x0  }
0x4c: {  	[sflag:s25] =	ssyncadd.s32 $0xFFFFE000  }
0x4d: {  	[spmem:s4] =	stream.indirect.scatter.add.f32 [tilespmem:s23], [sflag:$0x2], $0x40, s21, s22, $0xb8;
	[tilespmem:$0x1EDC0] =	vst v63  }
0x4e: {  	_ = 	snop  }
0x4f: {  	[spmem:s5] =	stream.indirect.scatter.add.f32 [tilespmem:s20], [sflag:$0x4], $0x10, s21, s22, $0xb8;
	[tilespmem:$0x1EDC0] =	vst v63  }
0x50: {  	_ = 	snop  }
0x51: {  	[spmem:s4] =	stream.indirect.scatter.add.f32 [tilespmem:s24], [sflag:$0x2], $0x40, s26, s22, $0xb8;
	[tilespmem:$0x1EDC0] =	vst v63  }
0x52: {  	s16 =	simm.s32 @!p0 $0x3  }
0x53: {  	[spmem:s5] =	stream.indirect.scatter.add.f32 [tilespmem:s20], [sflag:$0x4], $0x10, s26, s22, $0xb8;
	[tilespmem:$0x1EDC0] =	vst v63  }
0x54: {  	_ =	swait.ge @!p0 [sflag:s16], $0x2000  }
0x55: {  	[sflag:s16] =	ssyncset.done @!p0 $0x0  }
0x56: {  	[sflag:s16] =	ssyncadd.s32 @!p0 $0xFFFFE000  }
0x57: {  	_ =	swait.ge @!p0 [sflag:s12], $0x800  }
0x58: {  	[sflag:s12] =	ssyncset.done @!p0 $0x0  }
0x59: {  	[sflag:s12] =	ssyncadd.s32 @!p0 $0xFFFFF800  }
0x5a: {  	_ =	swait.ge @!p0 [sflag:s16], $0x2000  }
0x5b: {  	[sflag:s16] =	ssyncset.done @!p0 $0x0  }
0x5c: {  	[sflag:s16] =	ssyncadd.s32 @!p0 $0xFFFFE000  }
0x5d: {  	_ =	swait.ge @!p0 [sflag:s12], $0x800  }
0x5e: {  	[sflag:s12] =	ssyncset.done @!p0 $0x0  }
0x5f: {  	s11 =	sadd.s32 $0x20, s13;
	[sflag:s12] =	ssyncadd.s32 @!p0 $0xFFFFF800  }
0x60: {  	[tilespmem:s28], [sflag:$0x5] =	stream.linear.gather [hbm4b:s11+s6], $0x100, $0x38;
	[tilespmem:$0x1EDC0] =	vst v63  }
0x61: {  	_ =	swait.ge [sflag:s17], $0x100  }
0x62: {  	[sflag:s17] =	ssyncset.done $0x0  }
0x63: {  	s19 =	sadd.s32 $0x20, s18;
	[sflag:s17] =	ssyncadd.s32 $0xFFFFFF00  }
0x64: {  	[tilespmem:s29], [sflag:$0x5] =	stream.linear.gather [hbm4b:s19+s6], $0x100, $0x38;
	[tilespmem:$0x1EDC0] =	vst v63  }
0x65: {  	_ =	swait.ge [sflag:s17], $0x100  }
0x66: {  	[sflag:s17] =	ssyncset.done $0x0  }
0x67: {  	[sflag:s17] =	ssyncadd.s32 $0xFFFFFF00  }
0x68: {  	[tilespmem:s30], [sflag:$0x1] =	stream.indirect.gather [spmem:s3], $0x40, s28, s22, $0xb8;
	[tilespmem:$0x1EDC0] =	vst v63  }
0x69: {  	_ = 	snop  }
0x6a: {  	[tilespmem:s0], [sflag:$0x1] =	stream.indirect.gather [spmem:s3], $0x40, s31, s22, $0xb8;
	[tilespmem:$0x1EDC0] =	vst v63  }
0x6b: {  	_ =	swait.ge [sflag:s25], $0x2000  }
0x6c: {  	[sflag:s25] =	ssyncset.done $0x0  }
0x6d: {  	[sflag:s25] =	ssyncadd.s32 $0xFFFFE000  }
0x6e: {  	_ =	swait.ge [sflag:s25], $0x2000  }
0x6f: {  	[sflag:s25] =	ssyncset.done $0x0  }
0x70: {  	[sflag:s25] =	ssyncadd.s32 $0xFFFFE000  }
0x71: {  	[spmem:s4] =	stream.indirect.scatter.add.f32 [tilespmem:s30], [sflag:$0x3], $0x40, s29, s22, $0xb8;
	[tilespmem:$0x1EDC0] =	vst v63  }
0x72: {  	p6 =	por $0x0, $0x0  }
0x73: {  	[spmem:s5] =	stream.indirect.scatter.add.f32 [tilespmem:s20], [sflag:$0x4], $0x10, s29, s22, $0xb8;
	[tilespmem:$0x1EDC0] =	vst v63  }
0x74: {  	s12 =	simm.s32 $0x80;
	p0 =	por p6, p6;
	s11 =	simm.s32 $0x40  }
0x75: {  	[spmem:s4] =	stream.indirect.scatter.add.f32 [tilespmem:s0], [sflag:$0x3], $0x40, s1, s22, $0xb8;
	[tilespmem:$0x1EDC0] =	vst v63  }
.LBB2_2:
0x76: {  	[spmem:s5] =	stream.indirect.scatter.add.f32 [tilespmem:s20], [sflag:$0x4], $0x10, s1, s22, $0xb8;
	[tilespmem:$0x1EDC0] =	vst v63  }
0x77: {  	s19 =	smov.u32 s12  }
0x78: {  	s12 =	sadd.s32 $0x40, s12;
	s16 =	simm.s32 @!p0 $0x2;
	p2 =	seq.s32 s19, $0x0  }
0x79: {  	p1 =	sne.s32 s12, $0x500;
	_ =	swait.ge @!p0 [sflag:s16], $0x2000  }
0x7a: {  	[sflag:s16] =	ssyncset.done @!p0 $0x0  }
0x7b: {  	s13 =	simm.s32 @!p0 $0x4;
	[sflag:s16] =	ssyncadd.s32 @!p0 $0xFFFFE000  }
0x7c: {  	_ =	swait.ge @!p0 [sflag:s13], $0x800  }
0x7d: {  	[sflag:s13] =	ssyncset.done @!p0 $0x0  }
0x7e: {  	[sflag:s13] =	ssyncadd.s32 @!p0 $0xFFFFF800  }
0x7f: {  	_ =	swait.ge @!p0 [sflag:s16], $0x2000  }
0x80: {  	[sflag:s16] =	ssyncset.done @!p0 $0x0  }
0x81: {  	[sflag:s16] =	ssyncadd.s32 @!p0 $0xFFFFE000  }
0x82: {  	_ =	swait.ge @!p0 [sflag:s13], $0x800  }
0x83: {  	[sflag:s13] =	ssyncset.done @!p0 $0x0  }
0x84: {  	s18 =	sadd.s32 s11, s15;
	[sflag:s13] =	ssyncadd.s32 @!p0 $0xFFFFF800  }
0x85: {  	[tilespmem:s6], [sflag:$0x5] =	stream.linear.gather [hbm4b:s18+s6], $0x100, $0x38;
	[tilespmem:$0x1EDC0] =	vst v63  }
0x86: {  	_ =	swait.ge [sflag:s17], $0x100  }
0x87: {  	[sflag:s17] =	ssyncset.done $0x0  }
0x88: {  	s16 =	sadd.s32 s11, s14;
	s11 =	smov.u32 s19;
	[sflag:s17] =	ssyncadd.s32 $0xFFFFFF00  }
0x89: {  	[tilespmem:s21], [sflag:$0x5] =	stream.linear.gather [hbm4b:s16+s6], $0x100, $0x38;
	[tilespmem:$0x1EDC0] =	vst v63  }
0x8a: {  	_ =	swait.ge [sflag:s17], $0x100  }
0x8b: {  	[sflag:s17] =	ssyncset.done $0x0  }
0x8c: {  	[sflag:s17] =	ssyncadd.s32 $0xFFFFFF00  }
0x8d: {  	[tilespmem:s23], [sflag:$0x1] =	stream.indirect.gather [spmem:s3], $0x40, s6, s22, $0xb8;
	[tilespmem:$0x1EDC0] =	vst v63  }
0x8e: {  	_ = 	snop  }
0x8f: {  	[tilespmem:s24], [sflag:$0x1] =	stream.indirect.gather [spmem:s3], $0x40, s22, s22, $0xb8;
	[tilespmem:$0x1EDC0] =	vst v63  }
0x90: {  	_ =	swait.ge [sflag:s25], $0x2000  }
0x91: {  	[sflag:s25] =	ssyncset.done $0x0  }
0x92: {  	[sflag:s25] =	ssyncadd.s32 $0xFFFFE000  }
0x93: {  	_ =	swait.ge [sflag:s25], $0x2000  }
0x94: {  	[sflag:s25] =	ssyncset.done $0x0  }
0x95: {  	[sflag:s25] =	ssyncadd.s32 $0xFFFFE000  }
0x96: {  	[spmem:s4] =	stream.indirect.scatter.add.f32 [tilespmem:s23], [sflag:$0x2], $0x40, s21, s22, $0xb8;
	[tilespmem:$0x1EDC0] =	vst v63  }
0x97: {  	_ = 	snop  }
0x98: {  	[spmem:s5] =	stream.indirect.scatter.add.f32 [tilespmem:s20], [sflag:$0x4], $0x10, s21, s22, $0xb8;
	[tilespmem:$0x1EDC0] =	vst v63  }
0x99: {  	_ = 	snop  }
0x9a: {  	[spmem:s4] =	stream.indirect.scatter.add.f32 [tilespmem:s24], [sflag:$0x2], $0x40, s26, s22, $0xb8;
	[tilespmem:$0x1EDC0] =	vst v63  }
0x9b: {  	s19 =	simm.s32 @!p0 $0x3  }
0x9c: {  	[spmem:s5] =	stream.indirect.scatter.add.f32 [tilespmem:s20], [sflag:$0x4], $0x10, s26, s22, $0xb8;
	[tilespmem:$0x1EDC0] =	vst v63  }
0x9d: {  	_ =	swait.ge @!p0 [sflag:s19], $0x2000  }
0x9e: {  	[sflag:s19] =	ssyncset.done @!p0 $0x0  }
0x9f: {  	[sflag:s19] =	ssyncadd.s32 @!p0 $0xFFFFE000  }
0xa0: {  	_ =	swait.ge @!p0 [sflag:s13], $0x800  }
0xa1: {  	[sflag:s13] =	ssyncset.done @!p0 $0x0  }
0xa2: {  	[sflag:s13] =	ssyncadd.s32 @!p0 $0xFFFFF800  }
0xa3: {  	_ =	swait.ge @!p0 [sflag:s19], $0x2000  }
0xa4: {  	[sflag:s19] =	ssyncset.done @!p0 $0x0  }
0xa5: {  	[sflag:s19] =	ssyncadd.s32 @!p0 $0xFFFFE000  }
0xa6: {  	_ =	swait.ge @!p0 [sflag:s13], $0x800  }
0xa7: {  	[sflag:s13] =	ssyncset.done @!p0 $0x0  }
0xa8: {  	[sflag:s13] =	ssyncadd.s32 @!p0 $0xFFFFF800;
	s13 =	sadd.s32 $0x20, s18;
	p0 =	por p2, p2  }
0xa9: {  	[tilespmem:s28], [sflag:$0x5] =	stream.linear.gather [hbm4b:s13+s6], $0x100, $0x38;
	[tilespmem:$0x1EDC0] =	vst v63  }
0xaa: {  	_ =	swait.ge [sflag:s17], $0x100  }
0xab: {  	[sflag:s17] =	ssyncset.done $0x0  }
0xac: {  	s13 =	sadd.s32 $0x20, s16;
	[sflag:s17] =	ssyncadd.s32 $0xFFFFFF00  }
0xad: {  	[tilespmem:s29], [sflag:$0x5] =	stream.linear.gather [hbm4b:s13+s6], $0x100, $0x38;
	[tilespmem:$0x1EDC0] =	vst v63  }
0xae: {  	_ =	swait.ge [sflag:s17], $0x100  }
0xaf: {  	[sflag:s17] =	ssyncset.done $0x0  }
0xb0: {  	[sflag:s17] =	ssyncadd.s32 $0xFFFFFF00  }
0xb1: {  	[tilespmem:s30], [sflag:$0x1] =	stream.indirect.gather [spmem:s3], $0x40, s28, s22, $0xb8;
	[tilespmem:$0x1EDC0] =	vst v63  }
0xb2: {  	_ = 	snop  }
0xb3: {  	[tilespmem:s0], [sflag:$0x1] =	stream.indirect.gather [spmem:s3], $0x40, s31, s22, $0xb8;
	[tilespmem:$0x1EDC0] =	vst v63  }
0xb4: {  	_ =	swait.ge [sflag:s25], $0x2000  }
0xb5: {  	[sflag:s25] =	ssyncset.done $0x0  }
0xb6: {  	[sflag:s25] =	ssyncadd.s32 $0xFFFFE000  }
0xb7: {  	_ =	swait.ge [sflag:s25], $0x2000  }
0xb8: {  	[sflag:s25] =	ssyncset.done $0x0  }
0xb9: {  	[sflag:s25] =	ssyncadd.s32 $0xFFFFE000  }
0xba: {  	[spmem:s4] =	stream.indirect.scatter.add.f32 [tilespmem:s30], [sflag:$0x3], $0x40, s29, s22, $0xb8;
	[tilespmem:$0x1EDC0] =	vst v63  }
.Ltmp0:
0xbb: {  	_ = 	snop;
	(pc) =	sbr.rel @p1 .LBB2_2-.Ltmp0, $4  }
0xbc: {  	_ = 	snop  }
0xbd: {  	[spmem:s5] =	stream.indirect.scatter.add.f32 [tilespmem:s20], [sflag:$0x4], $0x10, s29, s22, $0xb8;
	[tilespmem:$0x1EDC0] =	vst v63  }
0xbe: {  	_ = 	snop  }
0xbf: {  	[spmem:s4] =	stream.indirect.scatter.add.f32 [tilespmem:s0], [sflag:$0x3], $0x40, s1, s22, $0xb8;
	[tilespmem:$0x1EDC0] =	vst v63  }
0xc0: {  	[spmem:s5] =	stream.indirect.scatter.add.f32 [tilespmem:s20], [sflag:$0x4], $0x10, s1, s22, $0xb8;
	[tilespmem:$0x1EDC0] =	vst v63  }
0xc1: {  	s12 =	simm.s32 @!p0 $0x2  }
0xc2: {  	_ =	swait.ge @!p0 [sflag:s12], $0x2000  }
0xc3: {  	[sflag:s12] =	ssyncset.done @!p0 $0x0  }
0xc4: {  	s13 =	simm.s32 @!p0 $0x4;
	[sflag:s12] =	ssyncadd.s32 @!p0 $0xFFFFE000  }
0xc5: {  	_ =	swait.ge @!p0 [sflag:s13], $0x800  }
0xc6: {  	[sflag:s13] =	ssyncset.done @!p0 $0x0  }
0xc7: {  	[sflag:s13] =	ssyncadd.s32 @!p0 $0xFFFFF800  }
0xc8: {  	_ =	swait.ge @!p0 [sflag:s12], $0x2000  }
0xc9: {  	[sflag:s12] =	ssyncset.done @!p0 $0x0  }
0xca: {  	[sflag:s12] =	ssyncadd.s32 @!p0 $0xFFFFE000  }
0xcb: {  	_ =	swait.ge @!p0 [sflag:s13], $0x800  }
0xcc: {  	[sflag:s13] =	ssyncset.done @!p0 $0x0  }
0xcd: {  	s18 =	sadd.s32 s11, s15;
	[sflag:s13] =	ssyncadd.s32 @!p0 $0xFFFFF800  }
0xce: {  	[tilespmem:s6], [sflag:$0x5] =	stream.linear.gather [hbm4b:s18+s6], $0x100, $0x38;
	[tilespmem:$0x1EDC0] =	vst v63  }
0xcf: {  	_ =	swait.ge [sflag:s17], $0x100  }
0xd0: {  	[sflag:s17] =	ssyncset.done $0x0  }
0xd1: {  	s19 =	sadd.s32 s11, s14;
	[sflag:s17] =	ssyncadd.s32 $0xFFFFFF00  }
0xd2: {  	[tilespmem:s21], [sflag:$0x5] =	stream.linear.gather [hbm4b:s19+s6], $0x100, $0x38;
	[tilespmem:$0x1EDC0] =	vst v63  }
0xd3: {  	_ =	swait.ge [sflag:s17], $0x100  }
0xd4: {  	[sflag:s17] =	ssyncset.done $0x0  }
0xd5: {  	[sflag:s17] =	ssyncadd.s32 $0xFFFFFF00  }
0xd6: {  	[tilespmem:s23], [sflag:$0x1] =	stream.indirect.gather [spmem:s3], $0x40, s6, s22, $0xb8;
	[tilespmem:$0x1EDC0] =	vst v63  }
0xd7: {  	_ = 	snop  }
0xd8: {  	[tilespmem:s24], [sflag:$0x1] =	stream.indirect.gather [spmem:s3], $0x40, s22, s22, $0xb8;
	[tilespmem:$0x1EDC0] =	vst v63  }
0xd9: {  	_ =	swait.ge [sflag:s25], $0x2000  }
0xda: {  	[sflag:s25] =	ssyncset.done $0x0  }
0xdb: {  	[sflag:s25] =	ssyncadd.s32 $0xFFFFE000  }
0xdc: {  	_ =	swait.ge [sflag:s25], $0x2000  }
0xdd: {  	[sflag:s25] =	ssyncset.done $0x0  }
0xde: {  	[sflag:s25] =	ssyncadd.s32 $0xFFFFE000  }
0xdf: {  	[spmem:s4] =	stream.indirect.scatter.add.f32 [tilespmem:s23], [sflag:$0x2], $0x40, s21, s22, $0xb8;
	[tilespmem:$0x1EDC0] =	vst v63  }
0xe0: {  	_ = 	snop  }
0xe1: {  	[spmem:s5] =	stream.indirect.scatter.add.f32 [tilespmem:s20], [sflag:$0x4], $0x10, s21, s22, $0xb8;
	[tilespmem:$0x1EDC0] =	vst v63  }
0xe2: {  	_ = 	snop  }
0xe3: {  	[spmem:s4] =	stream.indirect.scatter.add.f32 [tilespmem:s24], [sflag:$0x2], $0x40, s26, s22, $0xb8;
	[tilespmem:$0x1EDC0] =	vst v63  }
0xe4: {  	s16 =	simm.s32 @!p0 $0x3  }
0xe5: {  	[spmem:s5] =	stream.indirect.scatter.add.f32 [tilespmem:s20], [sflag:$0x4], $0x10, s26, s22, $0xb8;
	[tilespmem:$0x1EDC0] =	vst v63  }
0xe6: {  	_ =	swait.ge @!p0 [sflag:s16], $0x2000  }
0xe7: {  	[sflag:s16] =	ssyncset.done @!p0 $0x0  }
0xe8: {  	[sflag:s16] =	ssyncadd.s32 @!p0 $0xFFFFE000  }
0xe9: {  	_ =	swait.ge @!p0 [sflag:s13], $0x800  }
0xea: {  	[sflag:s13] =	ssyncset.done @!p0 $0x0  }
0xeb: {  	[sflag:s13] =	ssyncadd.s32 @!p0 $0xFFFFF800  }
0xec: {  	_ =	swait.ge @!p0 [sflag:s16], $0x2000  }
0xed: {  	[sflag:s16] =	ssyncset.done @!p0 $0x0  }
0xee: {  	[sflag:s16] =	ssyncadd.s32 @!p0 $0xFFFFE000  }
0xef: {  	_ =	swait.ge @!p0 [sflag:s13], $0x800  }
0xf0: {  	[sflag:s13] =	ssyncset.done @!p0 $0x0  }
0xf1: {  	s12 =	sadd.s32 $0x20, s18;
	[sflag:s13] =	ssyncadd.s32 @!p0 $0xFFFFF800  }
0xf2: {  	[tilespmem:s28], [sflag:$0x5] =	stream.linear.gather [hbm4b:s12+s6], $0x100, $0x38;
	[tilespmem:$0x1EDC0] =	vst v63  }
0xf3: {  	_ =	swait.ge [sflag:s17], $0x100  }
0xf4: {  	[sflag:s17] =	ssyncset.done $0x0  }
0xf5: {  	s11 =	sadd.s32 $0x20, s19;
	[sflag:s17] =	ssyncadd.s32 $0xFFFFFF00  }
0xf6: {  	[tilespmem:s29], [sflag:$0x5] =	stream.linear.gather [hbm4b:s11+s6], $0x100, $0x38;
	[tilespmem:$0x1EDC0] =	vst v63  }
0xf7: {  	_ =	swait.ge [sflag:s17], $0x100  }
0xf8: {  	[sflag:s17] =	ssyncset.done $0x0  }
0xf9: {  	[sflag:s17] =	ssyncadd.s32 $0xFFFFFF00  }
0xfa: {  	[tilespmem:s30], [sflag:$0x1] =	stream.indirect.gather [spmem:s3], $0x40, s28, s22, $0xb8;
	[tilespmem:$0x1EDC0] =	vst v63  }
0xfb: {  	_ = 	snop  }
0xfc: {  	[tilespmem:s0], [sflag:$0x1] =	stream.indirect.gather [spmem:s3], $0x40, s31, s22, $0xb8;
	[tilespmem:$0x1EDC0] =	vst v63  }
0xfd: {  	_ =	swait.ge [sflag:s25], $0x2000  }
0xfe: {  	[sflag:s25] =	ssyncset.done $0x0  }
0xff: {  	[sflag:s25] =	ssyncadd.s32 $0xFFFFE000  }
0x100: {  	_ =	swait.ge [sflag:s25], $0x2000  }
0x101: {  	[sflag:s25] =	ssyncset.done $0x0  }
0x102: {  	[sflag:s25] =	ssyncadd.s32 $0xFFFFE000  }
0x103: {  	[spmem:s4] =	stream.indirect.scatter.add.f32 [tilespmem:s30], [sflag:$0x3], $0x40, s29, s22, $0xb8;
	[tilespmem:$0x1EDC0] =	vst v63  }
0x104: {  	_ = 	snop  }
0x105: {  	[spmem:s5] =	stream.indirect.scatter.add.f32 [tilespmem:s20], [sflag:$0x4], $0x10, s29, s22, $0xb8;
	[tilespmem:$0x1EDC0] =	vst v63  }
0x106: {  	_ = 	snop  }
0x107: {  	[spmem:s4] =	stream.indirect.scatter.add.f32 [tilespmem:s0], [sflag:$0x3], $0x40, s1, s22, $0xb8;
	[tilespmem:$0x1EDC0] =	vst v63  }
0x108: {  	_ = 	snop  }
0x109: {  	[spmem:s5] =	stream.indirect.scatter.add.f32 [tilespmem:s20], [sflag:$0x4], $0x10, s1, s22, $0xb8;
	[tilespmem:$0x1EDC0] =	vst v63  }
0x10a: {  	_ =	swait.ge [sflag:s2], $0x2000  }
0x10b: {  	[sflag:s2] =	ssyncset.done $0x0  }
0x10c: {  	[sflag:s2] =	ssyncadd.s32 $0xFFFFE000  }
0x10d: {  	_ =	swait.ge [sflag:s7], $0x800  }
0x10e: {  	[sflag:s7] =	ssyncset.done $0x0  }
0x10f: {  	[sflag:s7] =	ssyncadd.s32 $0xFFFFF800  }
0x110: {  	_ =	swait.ge [sflag:s2], $0x2000  }
0x111: {  	[sflag:s2] =	ssyncset.done $0x0  }
0x112: {  	[sflag:s2] =	ssyncadd.s32 $0xFFFFE000  }
0x113: {  	_ =	swait.ge [sflag:s7], $0x800  }
0x114: {  	[sflag:s7] =	ssyncset.done $0x0  }
0x115: {  	[sflag:s7] =	ssyncadd.s32 $0xFFFFF800  }
0x116: {  	_ =	swait.ge [sflag:s8], $0x2000  }
0x117: {  	[sflag:s8] =	ssyncset.done $0x0  }
0x118: {  	[sflag:s8] =	ssyncadd.s32 $0xFFFFE000  }
0x119: {  	_ =	swait.ge [sflag:s7], $0x800  }
0x11a: {  	[sflag:s7] =	ssyncset.done $0x0  }
0x11b: {  	[sflag:s7] =	ssyncadd.s32 $0xFFFFF800  }
0x11c: {  	_ =	swait.ge [sflag:s8], $0x2000  }
0x11d: {  	[sflag:s8] =	ssyncset.done $0x0  }
0x11e: {  	[sflag:s8] =	ssyncadd.s32 $0xFFFFE000  }
0x11f: {  	_ =	swait.ge [sflag:s7], $0x800  }
0x120: {  	[sflag:s7] =	ssyncset.done $0x0  }
0x121: {  	[sflag:s7] =	ssyncadd.s32 $0xFFFFF800  }
0x122: {  	[bflag:$0x0] =	sbarrier.arrive $0xFFFF  }
0x123: {  	s16 =	rddreg [dreg:$0x9]  }
0x124: {  	s13 =	rddreg [dreg:$0xd]  }
0x125: {  	[hbm:s16], [sflag:s10] =	dma.local [spmem:s13], $0x13C0  }
0x126: {  	_ =	swait.ge [sflag:s17], $0x13C0  }
0x127: {  	[sflag:s17] =	ssyncset.done $0x0;
	s18 =	rddreg [dreg:$0xa]  }
0x128: {  	s16 =	rddreg [dreg:$0xe];
	[sflag:s17] =	ssyncadd.s32 $0xFFFFEC40  }
0x129: {  	[hbm:s18], [sflag:s10] =	dma.local [spmem:s16], $0x4F0  }
0x12a: {  	_ =	swait.ge [sflag:s17], $0x4F0  }
0x12b: {  	s9 =	sadd.s32 $0x1, s9;
	s19 =	rddreg [dreg:$0xb]  }
0x12c: {  	p0 =	sne.s32 s9, s19  }
.Ltmp1:
0x12d: {  	_ = 	snop;
	(pc) =	sbr.rel @p0 .LBB2_1-.Ltmp1, $3  }
0x12e: {  	_ =	sdelay $0x1  }
0x12f: {  	[sflag:s17] =	ssyncset.done $0x0  }
0x130: {  	[sflag:s17] =	ssyncadd.s32 $0xFFFFFB10  }
0x131: {  	_ =	sfence.sel $0x180000  }
0x132: {  	[bflag:$0x0] =	sbarrier.arrive $0xFFFF  }
0x133: {  	_ =	strace $0x90000047  }
0x134: {  	s0 =	stileid.u32;
	[bflag:$0x2] =	sbarrier.arrive $0xFFFF  }
0x135: {  	p0 =	sne.s32 s0, $0x0;
	s0 =	rddreg [dreg:$0x5]  }
0x136: {  	s0 =	sadd.s32 @!p0 $0x100000, s0  }
0x137: {  	[sflag:s0] =	ssyncadd.tile.s32 @!p0 $0x1;
	_ =	shalt  }
.Lfunc_end2:
_tile_overlayer_lowered:
.L_overlay_start_2:
0x138: {  	(tag) =	ssettag $0x2  }
0x139: {  	s0 =	rddreg [dreg:$0x0];
	s2 =	stileid.u32  }
0x13a: {  	s1 =	rddreg [dreg:$0x1];
	p0 =	sne.s32 s2, $0x0  }
0x13b: {  	s3 =	rddreg [dreg:$0x2];
	[bflag:$0x3] =	sbarrier.arrive $0xFFFF;
	s2 =	simm.s32 @!p0 $0x1C05  }
0x13c: {  	[timem:s3], [sflag:s2] =	dma.local @!p0 [hbm:s0], s1  }
0x13d: {  	s0 =	simm.s32 @!p0 $0x5  }
0x13e: {  	_ =	swait.ge @!p0 [sflag:s0], s1  }
0x13f: {  	s1 =	ssub.s32 @!p0 $0x0, s1;
	[sflag:s0] =	ssyncset.done @!p0 $0x0  }
0x140: {  	[sflag:s0] =	ssyncadd.s32 @!p0 s1  }
0x141: {  	[bflag:$0x3] =	sbarrier.arrive $0xFFFF  }
0x142: {  	_ =	shalt  }

</sc_bundles>
